<compile_context>
chip_gen: v7x
topology: tpu7x:2x2x1
jax: 0.10.2.dev20260603
libtpu: 0.0.44.dev20260713+nightly
codegen_flags: <defaults>
</compile_context>

<pallas_src>
import functools

import jax
import jax.numpy as jnp
from jax import lax
from jax.experimental import pallas as pl
from jax.experimental.pallas import tpu as pltpu
from jax.experimental.pallas import tpu_sc as plsc

_B = 16
_T = 16384
_D = 512
_V = 1000
_VP = 1024
_NW = 32
_CH = _T // _NW


def _hist_body(tq_hbm, sq_hbm, ts_hbm, ss_hbm, tv_hbm, sv_hbm, out_hbm,
               tq_v, sq_v, ts_v, ss_v, tv_v, sv_v, hist_v, sem):
    wid = lax.axis_index("s") * 2 + lax.axis_index("c")
    base = wid * _CH

    cps = [
        pltpu.async_copy(tq_hbm.at[pl.ds(base, _CH)], tq_v, sem),
        pltpu.async_copy(sq_hbm.at[pl.ds(base, _CH)], sq_v, sem),
        pltpu.async_copy(ts_hbm.at[pl.ds(base, _CH)], ts_v, sem),
        pltpu.async_copy(ss_hbm.at[pl.ds(base, _CH)], ss_v, sem),
        pltpu.async_copy(tv_hbm.at[pl.ds(base, _CH)], tv_v, sem),
        pltpu.async_copy(sv_hbm.at[pl.ds(base, _CH)], sv_v, sem),
    ]
    zeros16 = jnp.zeros((16,), jnp.float32)

    def _zero(r, c):
        for j in range(_VP // 128):
            for k in range(8):
                hist_v[r, j, pl.ds(k * 16, 16)] = zeros16
        return c

    lax.fori_loop(0, 3 * _B, _zero, 0)
    for c in cps:
        c.wait()

    ones16 = jnp.ones((16,), jnp.float32)
    outs = []
    for s, (tok_v, seg_v) in enumerate(
            ((tq_v, sq_v), (ts_v, ss_v), (tv_v, sv_v))):
        for i in range(_CH // 16):
            tok = tok_v[pl.ds(i * 16, 16)]
            seg = seg_v[pl.ds(i * 16, 16)]
            plsc.addupdate_scatter(
                hist_v,
                [seg + s * _B, lax.shift_right_logical(tok, 7), tok & 127],
                ones16)
        outs.append(pltpu.async_copy(
            hist_v.at[pl.ds(s * _B, _B)],
            out_hbm.at[wid, pl.ds(s * _B, _B)], sem))
    for c in outs:
        c.wait()


@functools.cache
def _make_sc_hist():
    return pl.kernel(
        _hist_body,
        mesh=plsc.VectorSubcoreMesh(core_axis_name="c", subcore_axis_name="s"),
        compiler_params=pltpu.CompilerParams(needs_layout_passes=False),
        out_type=jax.ShapeDtypeStruct((_NW, 3 * _B, _VP // 128, 128),
                                      jnp.float32),
        scratch_types=[
            pltpu.VMEM((_CH,), jnp.int32),
            pltpu.VMEM((_CH,), jnp.int32),
            pltpu.VMEM((_CH,), jnp.int32),
            pltpu.VMEM((_CH,), jnp.int32),
            pltpu.VMEM((_CH,), jnp.int32),
            pltpu.VMEM((_CH,), jnp.int32),
            pltpu.VMEM((3 * _B, _VP // 128, 128), jnp.float32),
            pltpu.SemaphoreType.DMA,
        ],
    )


def _gate_body(partials_hbm, table_ref, w1_ref, w2_ref, slot_ref, out_ref,
               pbuf, psem):
    f32 = jnp.float32
    nc = 4
    w = _NW // nc
    cps = [pltpu.make_async_copy(partials_hbm.at[pl.ds(c * w, w)],
                                 pbuf.at[pl.ds(c * w, w)],
                                 psem.at[c])
           for c in range(nc)]
    for cp in cps:
        cp.start()
    counts = jnp.zeros((3 * _B, _VP // 128, 128), f32)
    for c in range(nc):
        cps[c].wait()
        counts = counts + jnp.sum(pbuf[pl.ds(c * w, w)], axis=0)
    dot = lambda a, b: lax.dot_general(
        a, b, (((1,), (0,)), ((), ())),
        precision=lax.Precision.HIGHEST, preferred_element_type=f32)
    dot_t = lambda a, b: lax.dot_general(
        a, b, (((1,), (1,)), ((), ())),
        precision=lax.Precision.HIGHEST, preferred_element_type=f32)

    slot = slot_ref[...]
    t = jnp.zeros((3 * _B, _D), f32)
    c_s = jnp.zeros((4 * _B, _D), f32)
    for g in range(_VP // 128):
        k = min(128, _V - g * 128)
        tab_g = table_ref[pl.ds(g * 128, k), :]
        t = t + dot(counts[:, g, 0:k], tab_g)
        oh_g = (lax.broadcasted_iota(jnp.int32, (4 * _B, k), 1)
                + g * 128 == slot)
        c_s = c_s + dot(oh_g.astype(f32), tab_g)
    t_q = t[0:_B]
    t_sv = t[_B:2 * _B] + t[2 * _B:3 * _B]
    mq = dot_t(t_q, w1_ref[...])
    msv = dot_t(t_sv, w2_ref[...])

    rep = (lax.broadcasted_iota(jnp.int32, (4 * _B, _B), 0) // 4
           == lax.broadcasted_iota(jnp.int32, (4 * _B, _B), 1))
    repf = rep.astype(f32)
    mq4 = dot(repf, mq)
    msv4 = dot(repf, msv)

    sig = lambda x: 1.0 / (1.0 + jnp.exp(-x))
    g = c_s + sig(c_s * mq4) + sig(c_s * msv4)
    out_ref[...] = g.reshape(_B, 4, _D)


_tc_gate = pl.pallas_call(
    _gate_body,
    in_specs=[
        pl.BlockSpec(memory_space=pl.ANY),
        pl.BlockSpec(memory_space=pltpu.VMEM),
        pl.BlockSpec(memory_space=pltpu.VMEM),
        pl.BlockSpec(memory_space=pltpu.VMEM),
        pl.BlockSpec(memory_space=pltpu.VMEM),
    ],
    scratch_shapes=[
        pltpu.VMEM((_NW, 3 * _B, _VP // 128, 128), jnp.float32),
        pltpu.SemaphoreType.DMA((4,)),
    ],
    out_shape=jax.ShapeDtypeStruct((_B, 4, _D), jnp.float32),
)


def kernel(ontology_emb, w1, w2, acts_request_tokens, acts_request_seg,
           acts_slot_tokens, acts_slot_seg, acts_value_tokens, acts_value_seg,
           slot_names):
    partials = _make_sc_hist()(
        acts_request_tokens, acts_request_seg,
        acts_slot_tokens, acts_slot_seg,
        acts_value_tokens, acts_value_seg)
    return _tc_gate(partials, ontology_emb, w1, w2,
                    slot_names.reshape(4 * _B, 1))

# --- scband reference (transcript-rebuilt; emitter-appended) ---
"""Pipeline reference for scband-slot-gate-33019708571691 (READ-ONLY COPY).

The authoritative reference and input builder live on the scoring server;
editing this copy changes nothing except your own understanding.
"""

import jax, jax.numpy as jnp
import numpy as np

B = 16
T = 16384
D = 512
V = 1000

def setup_inputs(seed: int = 0) -> dict:
    key = jax.random.key(seed)
    ks = jax.random.split(key, 10)
    ontology_emb = jax.random.normal(ks[0], (V, D), dtype=jnp.float32)
    w1 = jax.random.uniform(ks[1], (D, D), minval=-0.01, maxval=0.01, dtype=jnp.float32)
    w2 = jax.random.uniform(ks[2], (D, D), minval=-0.01, maxval=0.01, dtype=jnp.float32)
    acts_request_tokens = jax.random.randint(ks[3], (T,), 0, V, dtype=jnp.int32)
    acts_request_seg = jnp.sort(jax.random.randint(ks[4], (T,), 0, B, dtype=jnp.int32))
    acts_slot_tokens = jax.random.randint(ks[5], (T,), 0, V, dtype=jnp.int32)
    acts_slot_seg = jnp.sort(jax.random.randint(ks[6], (T,), 0, B, dtype=jnp.int32))
    acts_value_tokens = jax.random.randint(ks[7], (T,), 0, V, dtype=jnp.int32)
    acts_value_seg = jnp.sort(jax.random.randint(ks[8], (T,), 0, B, dtype=jnp.int32))
    slot_names = jax.random.randint(ks[9], (B, 4), 0, V, dtype=jnp.int32)
    return {
        'ontology_emb': ontology_emb,
        'w1': w1,
        'w2': w2,
        'acts_request_tokens': acts_request_tokens,
        'acts_request_seg': acts_request_seg,
        'acts_slot_tokens': acts_slot_tokens,
        'acts_slot_seg': acts_slot_seg,
        'acts_value_tokens': acts_value_tokens,
        'acts_value_seg': acts_value_seg,
        'slot_names': slot_names,
    }

def reference(ontology_emb, w1, w2, acts_request_tokens, acts_request_seg,
              acts_slot_tokens, acts_slot_seg, acts_value_tokens, acts_value_seg,
              slot_names):
    # Ragged sums of ontology embeddings per batch element (t_q, t_s, t_v)
    t_q = jax.ops.segment_sum(jnp.take(ontology_emb, acts_request_tokens, axis=0),
                              acts_request_seg, num_segments=B)
    t_s = jax.ops.segment_sum(jnp.take(ontology_emb, acts_slot_tokens, axis=0),
                              acts_slot_seg, num_segments=B)
    t_v = jax.ops.segment_sum(jnp.take(ontology_emb, acts_value_tokens, axis=0),
                              acts_value_seg, num_segments=B)
    # c_s: (B, 4, D) slot-name embeddings
    c_s = jnp.take(ontology_emb, slot_names.reshape(-1), axis=0).reshape(B, 4, D)
    # matmul(w1, t_q) per batch -> t_q @ w1.T ; same for w2 on (t_s + t_v)
    mq = t_q @ w1.T                      # (B, D)
    msv = (t_s + t_v) @ w2.T             # (B, D)
    gate1 = c_s
    gate2 = jax.nn.sigmoid(c_s * mq[:, None, :])
    gate3 = jax.nn.sigmoid(c_s * msv[:, None, :])
    gates = gate1 + gate2 + gate3        # (B, 4, D)
    return gates

if __name__ == "__main__":
    import jax
    _d = setup_inputs()
    print(jax.jit(kernel)(*tuple(_d.values())))

</pallas_src>

<mosaic_0001>
#map = affine_map<(d0, d1) -> (0)>
#map1 = affine_map<(d0, d1) -> (0, 0, 0, 0)>
module attributes {stable_mosaic.version = 14 : i64} {
  func.func @_hist_body(%arg0: i32, %arg1: i32, %arg2: memref<16384xi32, #tpu.memory_space<hbm>>, %arg3: memref<16384xi32, #tpu.memory_space<hbm>>, %arg4: memref<16384xi32, #tpu.memory_space<hbm>>, %arg5: memref<16384xi32, #tpu.memory_space<hbm>>, %arg6: memref<16384xi32, #tpu.memory_space<hbm>>, %arg7: memref<16384xi32, #tpu.memory_space<hbm>>, %arg8: memref<32x48x8x128xf32, #tpu.memory_space<hbm>>, %arg9: memref<512xi32, #tpu.memory_space<vmem>>, %arg10: memref<512xi32, #tpu.memory_space<vmem>>, %arg11: memref<512xi32, #tpu.memory_space<vmem>>, %arg12: memref<512xi32, #tpu.memory_space<vmem>>, %arg13: memref<512xi32, #tpu.memory_space<vmem>>, %arg14: memref<512xi32, #tpu.memory_space<vmem>>, %arg15: memref<48x8x128xf32, #tpu.memory_space<vmem>>, %arg16: memref<!tpu.dma_semaphore, #tpu.memory_space<semaphore_mem>>) attributes {dimension_semantics = [#tpu.dimension_semantics<core_parallel>, #tpu.dimension_semantics<subcore_parallel>], iteration_bounds = array<i64: 2, 16>, scalar_prefetch = 0 : i64, scratch_operands = 8 : i64, tpu.core_type = #tpu.core_type<sc_vector_subcore>, window_params = [{transform_indices = #map}, {transform_indices = #map}, {transform_indices = #map}, {transform_indices = #map}, {transform_indices = #map}, {transform_indices = #map}, {transform_indices = #map1}]} {
    %mul3A = arith.constant 2 : i32
    %mul3A_0 = arith.muli %arg1, %mul3A : i32
    %add3A = arith.addi %mul3A_0, %arg0 : i32
    %mul3A_1 = arith.constant 512 : i32
    %mul3A_2 = arith.muli %add3A, %mul3A_1 : i32
    %dma_start3A = tpu.memref_slice %arg2[%mul3A_2] : memref<16384xi32, #tpu.memory_space<hbm>> -> memref<512xi32, #tpu.memory_space<hbm>>
    %dma_start3A_3 = tpu.memref_slice %arg2[%mul3A_2] : memref<16384xi32, #tpu.memory_space<hbm>> -> memref<512xi32, #tpu.memory_space<hbm>>
    tpu.enqueue_dma source(%dma_start3A_3 : memref<512xi32, #tpu.memory_space<hbm>>) target(%arg9 : memref<512xi32, #tpu.memory_space<vmem>>) target_semaphore(%arg16 : memref<!tpu.dma_semaphore, #tpu.memory_space<semaphore_mem>>)
    %dma_start3A_4 = tpu.memref_slice %arg3[%mul3A_2] : memref<16384xi32, #tpu.memory_space<hbm>> -> memref<512xi32, #tpu.memory_space<hbm>>
    %dma_start3A_5 = tpu.memref_slice %arg3[%mul3A_2] : memref<16384xi32, #tpu.memory_space<hbm>> -> memref<512xi32, #tpu.memory_space<hbm>>
    tpu.enqueue_dma source(%dma_start3A_5 : memref<512xi32, #tpu.memory_space<hbm>>) target(%arg10 : memref<512xi32, #tpu.memory_space<vmem>>) target_semaphore(%arg16 : memref<!tpu.dma_semaphore, #tpu.memory_space<semaphore_mem>>)
    %dma_start3A_6 = tpu.memref_slice %arg4[%mul3A_2] : memref<16384xi32, #tpu.memory_space<hbm>> -> memref<512xi32, #tpu.memory_space<hbm>>
    %dma_start3A_7 = tpu.memref_slice %arg4[%mul3A_2] : memref<16384xi32, #tpu.memory_space<hbm>> -> memref<512xi32, #tpu.memory_space<hbm>>
    tpu.enqueue_dma source(%dma_start3A_7 : memref<512xi32, #tpu.memory_space<hbm>>) target(%arg11 : memref<512xi32, #tpu.memory_space<vmem>>) target_semaphore(%arg16 : memref<!tpu.dma_semaphore, #tpu.memory_space<semaphore_mem>>)
    %dma_start3A_8 = tpu.memref_slice %arg5[%mul3A_2] : memref<16384xi32, #tpu.memory_space<hbm>> -> memref<512xi32, #tpu.memory_space<hbm>>
    %dma_start3A_9 = tpu.memref_slice %arg5[%mul3A_2] : memref<16384xi32, #tpu.memory_space<hbm>> -> memref<512xi32, #tpu.memory_space<hbm>>
    tpu.enqueue_dma source(%dma_start3A_9 : memref<512xi32, #tpu.memory_space<hbm>>) target(%arg12 : memref<512xi32, #tpu.memory_space<vmem>>) target_semaphore(%arg16 : memref<!tpu.dma_semaphore, #tpu.memory_space<semaphore_mem>>)
    %dma_start3A_10 = tpu.memref_slice %arg6[%mul3A_2] : memref<16384xi32, #tpu.memory_space<hbm>> -> memref<512xi32, #tpu.memory_space<hbm>>
    %dma_start3A_11 = tpu.memref_slice %arg6[%mul3A_2] : memref<16384xi32, #tpu.memory_space<hbm>> -> memref<512xi32, #tpu.memory_space<hbm>>
    tpu.enqueue_dma source(%dma_start3A_11 : memref<512xi32, #tpu.memory_space<hbm>>) target(%arg13 : memref<512xi32, #tpu.memory_space<vmem>>) target_semaphore(%arg16 : memref<!tpu.dma_semaphore, #tpu.memory_space<semaphore_mem>>)
    %dma_start3A_12 = tpu.memref_slice %arg7[%mul3A_2] : memref<16384xi32, #tpu.memory_space<hbm>> -> memref<512xi32, #tpu.memory_space<hbm>>
    %dma_start3A_13 = tpu.memref_slice %arg7[%mul3A_2] : memref<16384xi32, #tpu.memory_space<hbm>> -> memref<512xi32, #tpu.memory_space<hbm>>
    tpu.enqueue_dma source(%dma_start3A_13 : memref<512xi32, #tpu.memory_space<hbm>>) target(%arg14 : memref<512xi32, #tpu.memory_space<vmem>>) target_semaphore(%arg16 : memref<!tpu.dma_semaphore, #tpu.memory_space<semaphore_mem>>)
    %broadcast_in_dim3A = arith.constant 0.000000e+00 : f32
    %broadcast_in_dim3A_14 = vector.broadcast %broadcast_in_dim3A : f32 to vector<16xf32>
    %scan3A = arith.constant 0 : i32
    %scan3A_15 = arith.constant 0 : i32
    %scan3A_16 = arith.constant 48 : i32
    %scan3A_17 = arith.addi %scan3A_15, %scan3A_16 : i32
    %scan3A_18 = arith.constant 1 : i32
    scf.for %scan3A_1386 = %scan3A_15 to %scan3A_17 step %scan3A_18  : i32 {
      %swap3A = arith.constant 0 : i32
      %swap3A_1387 = arith.index_cast %scan3A_1386 : i32 to index
      %swap3A_1388 = arith.index_cast %swap3A : i32 to index
      %swap3A_1389 = arith.constant 0 : index
      %swap3A_1390 = tpu.vector_load %arg15[%swap3A_1387, %swap3A_1388, %swap3A_1389] {strides = array<i32>} : memref<48x8x128xf32, #tpu.memory_space<vmem>>, vector<16xf32>,
      tpu.vector_store %arg15[%swap3A_1387, %swap3A_1388, %swap3A_1389], %broadcast_in_dim3A_14 {strides = array<i32>} : memref<48x8x128xf32, #tpu.memory_space<vmem>>, vector<16xf32>,
      %swap3A_1391 = arith.constant 0 : i32
      %swap3A_1392 = arith.index_cast %scan3A_1386 : i32 to index
      %swap3A_1393 = arith.index_cast %swap3A_1391 : i32 to index
      %swap3A_1394 = arith.constant 16 : index
      %swap3A_1395 = tpu.vector_load %arg15[%swap3A_1392, %swap3A_1393, %swap3A_1394] {strides = array<i32>} : memref<48x8x128xf32, #tpu.memory_space<vmem>>, vector<16xf32>,
      tpu.vector_store %arg15[%swap3A_1392, %swap3A_1393, %swap3A_1394], %broadcast_in_dim3A_14 {strides = array<i32>} : memref<48x8x128xf32, #tpu.memory_space<vmem>>, vector<16xf32>,
      %swap3A_1396 = arith.constant 0 : i32
      %swap3A_1397 = arith.index_cast %scan3A_1386 : i32 to index
      %swap3A_1398 = arith.index_cast %swap3A_1396 : i32 to index
      %swap3A_1399 = arith.constant 32 : index
      %swap3A_1400 = tpu.vector_load %arg15[%swap3A_1397, %swap3A_1398, %swap3A_1399] {strides = array<i32>} : memref<48x8x128xf32, #tpu.memory_space<vmem>>, vector<16xf32>,
      tpu.vector_store %arg15[%swap3A_1397, %swap3A_1398, %swap3A_1399], %broadcast_in_dim3A_14 {strides = array<i32>} : memref<48x8x128xf32, #tpu.memory_space<vmem>>, vector<16xf32>,
      %swap3A_1401 = arith.constant 0 : i32
      %swap3A_1402 = arith.index_cast %scan3A_1386 : i32 to index
      %swap3A_1403 = arith.index_cast %swap3A_1401 : i32 to index
      %swap3A_1404 = arith.constant 48 : index
      %swap3A_1405 = tpu.vector_load %arg15[%swap3A_1402, %swap3A_1403, %swap3A_1404] {strides = array<i32>} : memref<48x8x128xf32, #tpu.memory_space<vmem>>, vector<16xf32>,
      tpu.vector_store %arg15[%swap3A_1402, %swap3A_1403, %swap3A_1404], %broadcast_in_dim3A_14 {strides = array<i32>} : memref<48x8x128xf32, #tpu.memory_space<vmem>>, vector<16xf32>,
      %swap3A_1406 = arith.constant 0 : i32
      %swap3A_1407 = arith.index_cast %scan3A_1386 : i32 to index
      %swap3A_1408 = arith.index_cast %swap3A_1406 : i32 to index
      %swap3A_1409 = arith.constant 64 : index
      %swap3A_1410 = tpu.vector_load %arg15[%swap3A_1407, %swap3A_1408, %swap3A_1409] {strides = array<i32>} : memref<48x8x128xf32, #tpu.memory_space<vmem>>, vector<16xf32>,
      tpu.vector_store %arg15[%swap3A_1407, %swap3A_1408, %swap3A_1409], %broadcast_in_dim3A_14 {strides = array<i32>} : memref<48x8x128xf32, #tpu.memory_space<vmem>>, vector<16xf32>,
      %swap3A_1411 = arith.constant 0 : i32
      %swap3A_1412 = arith.index_cast %scan3A_1386 : i32 to index
      %swap3A_1413 = arith.index_cast %swap3A_1411 : i32 to index
      %swap3A_1414 = arith.constant 80 : index
      %swap3A_1415 = tpu.vector_load %arg15[%swap3A_1412, %swap3A_1413, %swap3A_1414] {strides = array<i32>} : memref<48x8x128xf32, #tpu.memory_space<vmem>>, vector<16xf32>,
      tpu.vector_store %arg15[%swap3A_1412, %swap3A_1413, %swap3A_1414], %broadcast_in_dim3A_14 {strides = array<i32>} : memref<48x8x128xf32, #tpu.memory_space<vmem>>, vector<16xf32>,
      %swap3A_1416 = arith.constant 0 : i32
      %swap3A_1417 = arith.index_cast %scan3A_1386 : i32 to index
      %swap3A_1418 = arith.index_cast %swap3A_1416 : i32 to index
      %swap3A_1419 = arith.constant 96 : index
      %swap3A_1420 = tpu.vector_load %arg15[%swap3A_1417, %swap3A_1418, %swap3A_1419] {strides = array<i32>} : memref<48x8x128xf32, #tpu.memory_space<vmem>>, vector<16xf32>,
      tpu.vector_store %arg15[%swap3A_1417, %swap3A_1418, %swap3A_1419], %broadcast_in_dim3A_14 {strides = array<i32>} : memref<48x8x128xf32, #tpu.memory_space<vmem>>, vector<16xf32>,
      %swap3A_1421 = arith.constant 0 : i32
      %swap3A_1422 = arith.index_cast %scan3A_1386 : i32 to index
      %swap3A_1423 = arith.index_cast %swap3A_1421 : i32 to index
      %swap3A_1424 = arith.constant 112 : index
      %swap3A_1425 = tpu.vector_load %arg15[%swap3A_1422, %swap3A_1423, %swap3A_1424] {strides = array<i32>} : memref<48x8x128xf32, #tpu.memory_space<vmem>>, vector<16xf32>,
      tpu.vector_store %arg15[%swap3A_1422, %swap3A_1423, %swap3A_1424], %broadcast_in_dim3A_14 {strides = array<i32>} : memref<48x8x128xf32, #tpu.memory_space<vmem>>, vector<16xf32>,
      %swap3A_1426 = arith.constant 1 : i32
      %swap3A_1427 = arith.index_cast %scan3A_1386 : i32 to index
      %swap3A_1428 = arith.index_cast %swap3A_1426 : i32 to index
      %swap3A_1429 = arith.constant 0 : index
      %swap3A_1430 = tpu.vector_load %arg15[%swap3A_1427, %swap3A_1428, %swap3A_1429] {strides = array<i32>} : memref<48x8x128xf32, #tpu.memory_space<vmem>>, vector<16xf32>,
      tpu.vector_store %arg15[%swap3A_1427, %swap3A_1428, %swap3A_1429], %broadcast_in_dim3A_14 {strides = array<i32>} : memref<48x8x128xf32, #tpu.memory_space<vmem>>, vector<16xf32>,
      %swap3A_1431 = arith.constant 1 : i32
      %swap3A_1432 = arith.index_cast %scan3A_1386 : i32 to index
      %swap3A_1433 = arith.index_cast %swap3A_1431 : i32 to index
      %swap3A_1434 = arith.constant 16 : index
      %swap3A_1435 = tpu.vector_load %arg15[%swap3A_1432, %swap3A_1433, %swap3A_1434] {strides = array<i32>} : memref<48x8x128xf32, #tpu.memory_space<vmem>>, vector<16xf32>,
      tpu.vector_store %arg15[%swap3A_1432, %swap3A_1433, %swap3A_1434], %broadcast_in_dim3A_14 {strides = array<i32>} : memref<48x8x128xf32, #tpu.memory_space<vmem>>, vector<16xf32>,
      %swap3A_1436 = arith.constant 1 : i32
      %swap3A_1437 = arith.index_cast %scan3A_1386 : i32 to index
      %swap3A_1438 = arith.index_cast %swap3A_1436 : i32 to index
      %swap3A_1439 = arith.constant 32 : index
      %swap3A_1440 = tpu.vector_load %arg15[%swap3A_1437, %swap3A_1438, %swap3A_1439] {strides = array<i32>} : memref<48x8x128xf32, #tpu.memory_space<vmem>>, vector<16xf32>,
      tpu.vector_store %arg15[%swap3A_1437, %swap3A_1438, %swap3A_1439], %broadcast_in_dim3A_14 {strides = array<i32>} : memref<48x8x128xf32, #tpu.memory_space<vmem>>, vector<16xf32>,
      %swap3A_1441 = arith.constant 1 : i32
      %swap3A_1442 = arith.index_cast %scan3A_1386 : i32 to index
      %swap3A_1443 = arith.index_cast %swap3A_1441 : i32 to index
      %swap3A_1444 = arith.constant 48 : index
      %swap3A_1445 = tpu.vector_load %arg15[%swap3A_1442, %swap3A_1443, %swap3A_1444] {strides = array<i32>} : memref<48x8x128xf32, #tpu.memory_space<vmem>>, vector<16xf32>,
      tpu.vector_store %arg15[%swap3A_1442, %swap3A_1443, %swap3A_1444], %broadcast_in_dim3A_14 {strides = array<i32>} : memref<48x8x128xf32, #tpu.memory_space<vmem>>, vector<16xf32>,
      %swap3A_1446 = arith.constant 1 : i32
      %swap3A_1447 = arith.index_cast %scan3A_1386 : i32 to index
      %swap3A_1448 = arith.index_cast %swap3A_1446 : i32 to index
      %swap3A_1449 = arith.constant 64 : index
      %swap3A_1450 = tpu.vector_load %arg15[%swap3A_1447, %swap3A_1448, %swap3A_1449] {strides = array<i32>} : memref<48x8x128xf32, #tpu.memory_space<vmem>>, vector<16xf32>,
      tpu.vector_store %arg15[%swap3A_1447, %swap3A_1448, %swap3A_1449], %broadcast_in_dim3A_14 {strides = array<i32>} : memref<48x8x128xf32, #tpu.memory_space<vmem>>, vector<16xf32>,
      %swap3A_1451 = arith.constant 1 : i32
      %swap3A_1452 = arith.index_cast %scan3A_1386 : i32 to index
      %swap3A_1453 = arith.index_cast %swap3A_1451 : i32 to index
      %swap3A_1454 = arith.constant 80 : index
      %swap3A_1455 = tpu.vector_load %arg15[%swap3A_1452, %swap3A_1453, %swap3A_1454] {strides = array<i32>} : memref<48x8x128xf32, #tpu.memory_space<vmem>>, vector<16xf32>,
      tpu.vector_store %arg15[%swap3A_1452, %swap3A_1453, %swap3A_1454], %broadcast_in_dim3A_14 {strides = array<i32>} : memref<48x8x128xf32, #tpu.memory_space<vmem>>, vector<16xf32>,
      %swap3A_1456 = arith.constant 1 : i32
      %swap3A_1457 = arith.index_cast %scan3A_1386 : i32 to index
      %swap3A_1458 = arith.index_cast %swap3A_1456 : i32 to index
      %swap3A_1459 = arith.constant 96 : index
      %swap3A_1460 = tpu.vector_load %arg15[%swap3A_1457, %swap3A_1458, %swap3A_1459] {strides = array<i32>} : memref<48x8x128xf32, #tpu.memory_space<vmem>>, vector<16xf32>,
      tpu.vector_store %arg15[%swap3A_1457, %swap3A_1458, %swap3A_1459], %broadcast_in_dim3A_14 {strides = array<i32>} : memref<48x8x128xf32, #tpu.memory_space<vmem>>, vector<16xf32>,
      %swap3A_1461 = arith.constant 1 : i32
      %swap3A_1462 = arith.index_cast %scan3A_1386 : i32 to index
      %swap3A_1463 = arith.index_cast %swap3A_1461 : i32 to index
      %swap3A_1464 = arith.constant 112 : index
      %swap3A_1465 = tpu.vector_load %arg15[%swap3A_1462, %swap3A_1463, %swap3A_1464] {strides = array<i32>} : memref<48x8x128xf32, #tpu.memory_space<vmem>>, vector<16xf32>,
      tpu.vector_store %arg15[%swap3A_1462, %swap3A_1463, %swap3A_1464], %broadcast_in_dim3A_14 {strides = array<i32>} : memref<48x8x128xf32, #tpu.memory_space<vmem>>, vector<16xf32>,
      %swap3A_1466 = arith.constant 2 : i32
      %swap3A_1467 = arith.index_cast %scan3A_1386 : i32 to index
      %swap3A_1468 = arith.index_cast %swap3A_1466 : i32 to index
      %swap3A_1469 = arith.constant 0 : index
      %swap3A_1470 = tpu.vector_load %arg15[%swap3A_1467, %swap3A_1468, %swap3A_1469] {strides = array<i32>} : memref<48x8x128xf32, #tpu.memory_space<vmem>>, vector<16xf32>,
      tpu.vector_store %arg15[%swap3A_1467, %swap3A_1468, %swap3A_1469], %broadcast_in_dim3A_14 {strides = array<i32>} : memref<48x8x128xf32, #tpu.memory_space<vmem>>, vector<16xf32>,
      %swap3A_1471 = arith.constant 2 : i32
      %swap3A_1472 = arith.index_cast %scan3A_1386 : i32 to index
      %swap3A_1473 = arith.index_cast %swap3A_1471 : i32 to index
      %swap3A_1474 = arith.constant 16 : index
      %swap3A_1475 = tpu.vector_load %arg15[%swap3A_1472, %swap3A_1473, %swap3A_1474] {strides = array<i32>} : memref<48x8x128xf32, #tpu.memory_space<vmem>>, vector<16xf32>,
      tpu.vector_store %arg15[%swap3A_1472, %swap3A_1473, %swap3A_1474], %broadcast_in_dim3A_14 {strides = array<i32>} : memref<48x8x128xf32, #tpu.memory_space<vmem>>, vector<16xf32>,
      %swap3A_1476 = arith.constant 2 : i32
      %swap3A_1477 = arith.index_cast %scan3A_1386 : i32 to index
      %swap3A_1478 = arith.index_cast %swap3A_1476 : i32 to index
      %swap3A_1479 = arith.constant 32 : index
      %swap3A_1480 = tpu.vector_load %arg15[%swap3A_1477, %swap3A_1478, %swap3A_1479] {strides = array<i32>} : memref<48x8x128xf32, #tpu.memory_space<vmem>>, vector<16xf32>,
      tpu.vector_store %arg15[%swap3A_1477, %swap3A_1478, %swap3A_1479], %broadcast_in_dim3A_14 {strides = array<i32>} : memref<48x8x128xf32, #tpu.memory_space<vmem>>, vector<16xf32>,
      %swap3A_1481 = arith.constant 2 : i32
      %swap3A_1482 = arith.index_cast %scan3A_1386 : i32 to index
      %swap3A_1483 = arith.index_cast %swap3A_1481 : i32 to index
      %swap3A_1484 = arith.constant 48 : index
      %swap3A_1485 = tpu.vector_load %arg15[%swap3A_1482, %swap3A_1483, %swap3A_1484] {strides = array<i32>} : memref<48x8x128xf32, #tpu.memory_space<vmem>>, vector<16xf32>,
      tpu.vector_store %arg15[%swap3A_1482, %swap3A_1483, %swap3A_1484], %broadcast_in_dim3A_14 {strides = array<i32>} : memref<48x8x128xf32, #tpu.memory_space<vmem>>, vector<16xf32>,
      %swap3A_1486 = arith.constant 2 : i32
      %swap3A_1487 = arith.index_cast %scan3A_1386 : i32 to index
      %swap3A_1488 = arith.index_cast %swap3A_1486 : i32 to index
      %swap3A_1489 = arith.constant 64 : index
      %swap3A_1490 = tpu.vector_load %arg15[%swap3A_1487, %swap3A_1488, %swap3A_1489] {strides = array<i32>} : memref<48x8x128xf32, #tpu.memory_space<vmem>>, vector<16xf32>,
      tpu.vector_store %arg15[%swap3A_1487, %swap3A_1488, %swap3A_1489], %broadcast_in_dim3A_14 {strides = array<i32>} : memref<48x8x128xf32, #tpu.memory_space<vmem>>, vector<16xf32>,
      %swap3A_1491 = arith.constant 2 : i32
      %swap3A_1492 = arith.index_cast %scan3A_1386 : i32 to index
      %swap3A_1493 = arith.index_cast %swap3A_1491 : i32 to index
      %swap3A_1494 = arith.constant 80 : index
      %swap3A_1495 = tpu.vector_load %arg15[%swap3A_1492, %swap3A_1493, %swap3A_1494] {strides = array<i32>} : memref<48x8x128xf32, #tpu.memory_space<vmem>>, vector<16xf32>,
      tpu.vector_store %arg15[%swap3A_1492, %swap3A_1493, %swap3A_1494], %broadcast_in_dim3A_14 {strides = array<i32>} : memref<48x8x128xf32, #tpu.memory_space<vmem>>, vector<16xf32>,
      %swap3A_1496 = arith.constant 2 : i32
      %swap3A_1497 = arith.index_cast %scan3A_1386 : i32 to index
      %swap3A_1498 = arith.index_cast %swap3A_1496 : i32 to index
      %swap3A_1499 = arith.constant 96 : index
      %swap3A_1500 = tpu.vector_load %arg15[%swap3A_1497, %swap3A_1498, %swap3A_1499] {strides = array<i32>} : memref<48x8x128xf32, #tpu.memory_space<vmem>>, vector<16xf32>,
      tpu.vector_store %arg15[%swap3A_1497, %swap3A_1498, %swap3A_1499], %broadcast_in_dim3A_14 {strides = array<i32>} : memref<48x8x128xf32, #tpu.memory_space<vmem>>, vector<16xf32>,
      %swap3A_1501 = arith.constant 2 : i32
      %swap3A_1502 = arith.index_cast %scan3A_1386 : i32 to index
      %swap3A_1503 = arith.index_cast %swap3A_1501 : i32 to index
      %swap3A_1504 = arith.constant 112 : index
      %swap3A_1505 = tpu.vector_load %arg15[%swap3A_1502, %swap3A_1503, %swap3A_1504] {strides = array<i32>} : memref<48x8x128xf32, #tpu.memory_space<vmem>>, vector<16xf32>,
      tpu.vector_store %arg15[%swap3A_1502, %swap3A_1503, %swap3A_1504], %broadcast_in_dim3A_14 {strides = array<i32>} : memref<48x8x128xf32, #tpu.memory_space<vmem>>, vector<16xf32>,
      %swap3A_1506 = arith.constant 3 : i32
      %swap3A_1507 = arith.index_cast %scan3A_1386 : i32 to index
      %swap3A_1508 = arith.index_cast %swap3A_1506 : i32 to index
      %swap3A_1509 = arith.constant 0 : index
      %swap3A_1510 = tpu.vector_load %arg15[%swap3A_1507, %swap3A_1508, %swap3A_1509] {strides = array<i32>} : memref<48x8x128xf32, #tpu.memory_space<vmem>>, vector<16xf32>,
      tpu.vector_store %arg15[%swap3A_1507, %swap3A_1508, %swap3A_1509], %broadcast_in_dim3A_14 {strides = array<i32>} : memref<48x8x128xf32, #tpu.memory_space<vmem>>, vector<16xf32>,
      %swap3A_1511 = arith.constant 3 : i32
      %swap3A_1512 = arith.index_cast %scan3A_1386 : i32 to index
      %swap3A_1513 = arith.index_cast %swap3A_1511 : i32 to index
      %swap3A_1514 = arith.constant 16 : index
      %swap3A_1515 = tpu.vector_load %arg15[%swap3A_1512, %swap3A_1513, %swap3A_1514] {strides = array<i32>} : memref<48x8x128xf32, #tpu.memory_space<vmem>>, vector<16xf32>,
      tpu.vector_store %arg15[%swap3A_1512, %swap3A_1513, %swap3A_1514], %broadcast_in_dim3A_14 {strides = array<i32>} : memref<48x8x128xf32, #tpu.memory_space<vmem>>, vector<16xf32>,
      %swap3A_1516 = arith.constant 3 : i32
      %swap3A_1517 = arith.index_cast %scan3A_1386 : i32 to index
      %swap3A_1518 = arith.index_cast %swap3A_1516 : i32 to index
      %swap3A_1519 = arith.constant 32 : index
      %swap3A_1520 = tpu.vector_load %arg15[%swap3A_1517, %swap3A_1518, %swap3A_1519] {strides = array<i32>} : memref<48x8x128xf32, #tpu.memory_space<vmem>>, vector<16xf32>,
      tpu.vector_store %arg15[%swap3A_1517, %swap3A_1518, %swap3A_1519], %broadcast_in_dim3A_14 {strides = array<i32>} : memref<48x8x128xf32, #tpu.memory_space<vmem>>, vector<16xf32>,
      %swap3A_1521 = arith.constant 3 : i32
      %swap3A_1522 = arith.index_cast %scan3A_1386 : i32 to index
      %swap3A_1523 = arith.index_cast %swap3A_1521 : i32 to index
      %swap3A_1524 = arith.constant 48 : index
      %swap3A_1525 = tpu.vector_load %arg15[%swap3A_1522, %swap3A_1523, %swap3A_1524] {strides = array<i32>} : memref<48x8x128xf32, #tpu.memory_space<vmem>>, vector<16xf32>,
      tpu.vector_store %arg15[%swap3A_1522, %swap3A_1523, %swap3A_1524], %broadcast_in_dim3A_14 {strides = array<i32>} : memref<48x8x128xf32, #tpu.memory_space<vmem>>, vector<16xf32>,
      %swap3A_1526 = arith.constant 3 : i32
      %swap3A_1527 = arith.index_cast %scan3A_1386 : i32 to index
      %swap3A_1528 = arith.index_cast %swap3A_1526 : i32 to index
      %swap3A_1529 = arith.constant 64 : index
      %swap3A_1530 = tpu.vector_load %arg15[%swap3A_1527, %swap3A_1528, %swap3A_1529] {strides = array<i32>} : memref<48x8x128xf32, #tpu.memory_space<vmem>>, vector<16xf32>,
      tpu.vector_store %arg15[%swap3A_1527, %swap3A_1528, %swap3A_1529], %broadcast_in_dim3A_14 {strides = array<i32>} : memref<48x8x128xf32, #tpu.memory_space<vmem>>, vector<16xf32>,
      %swap3A_1531 = arith.constant 3 : i32
      %swap3A_1532 = arith.index_cast %scan3A_1386 : i32 to index
      %swap3A_1533 = arith.index_cast %swap3A_1531 : i32 to index
      %swap3A_1534 = arith.constant 80 : index
      %swap3A_1535 = tpu.vector_load %arg15[%swap3A_1532, %swap3A_1533, %swap3A_1534] {strides = array<i32>} : memref<48x8x128xf32, #tpu.memory_space<vmem>>, vector<16xf32>,
      tpu.vector_store %arg15[%swap3A_1532, %swap3A_1533, %swap3A_1534], %broadcast_in_dim3A_14 {strides = array<i32>} : memref<48x8x128xf32, #tpu.memory_space<vmem>>, vector<16xf32>,
      %swap3A_1536 = arith.constant 3 : i32
      %swap3A_1537 = arith.index_cast %scan3A_1386 : i32 to index
      %swap3A_1538 = arith.index_cast %swap3A_1536 : i32 to index
      %swap3A_1539 = arith.constant 96 : index
      %swap3A_1540 = tpu.vector_load %arg15[%swap3A_1537, %swap3A_1538, %swap3A_1539] {strides = array<i32>} : memref<48x8x128xf32, #tpu.memory_space<vmem>>, vector<16xf32>,
      tpu.vector_store %arg15[%swap3A_1537, %swap3A_1538, %swap3A_1539], %broadcast_in_dim3A_14 {strides = array<i32>} : memref<48x8x128xf32, #tpu.memory_space<vmem>>, vector<16xf32>,
      %swap3A_1541 = arith.constant 3 : i32
      %swap3A_1542 = arith.index_cast %scan3A_1386 : i32 to index
      %swap3A_1543 = arith.index_cast %swap3A_1541 : i32 to index
      %swap3A_1544 = arith.constant 112 : index
      %swap3A_1545 = tpu.vector_load %arg15[%swap3A_1542, %swap3A_1543, %swap3A_1544] {strides = array<i32>} : memref<48x8x128xf32, #tpu.memory_space<vmem>>, vector<16xf32>,
      tpu.vector_store %arg15[%swap3A_1542, %swap3A_1543, %swap3A_1544], %broadcast_in_dim3A_14 {strides = array<i32>} : memref<48x8x128xf32, #tpu.memory_space<vmem>>, vector<16xf32>,
      %swap3A_1546 = arith.constant 4 : i32
      %swap3A_1547 = arith.index_cast %scan3A_1386 : i32 to index
      %swap3A_1548 = arith.index_cast %swap3A_1546 : i32 to index
      %swap3A_1549 = arith.constant 0 : index
      %swap3A_1550 = tpu.vector_load %arg15[%swap3A_1547, %swap3A_1548, %swap3A_1549] {strides = array<i32>} : memref<48x8x128xf32, #tpu.memory_space<vmem>>, vector<16xf32>,
      tpu.vector_store %arg15[%swap3A_1547, %swap3A_1548, %swap3A_1549], %broadcast_in_dim3A_14 {strides = array<i32>} : memref<48x8x128xf32, #tpu.memory_space<vmem>>, vector<16xf32>,
      %swap3A_1551 = arith.constant 4 : i32
      %swap3A_1552 = arith.index_cast %scan3A_1386 : i32 to index
      %swap3A_1553 = arith.index_cast %swap3A_1551 : i32 to index
      %swap3A_1554 = arith.constant 16 : index
      %swap3A_1555 = tpu.vector_load %arg15[%swap3A_1552, %swap3A_1553, %swap3A_1554] {strides = array<i32>} : memref<48x8x128xf32, #tpu.memory_space<vmem>>, vector<16xf32>,
      tpu.vector_store %arg15[%swap3A_1552, %swap3A_1553, %swap3A_1554], %broadcast_in_dim3A_14 {strides = array<i32>} : memref<48x8x128xf32, #tpu.memory_space<vmem>>, vector<16xf32>,
      %swap3A_1556 = arith.constant 4 : i32
      %swap3A_1557 = arith.index_cast %scan3A_1386 : i32 to index
      %swap3A_1558 = arith.index_cast %swap3A_1556 : i32 to index
      %swap3A_1559 = arith.constant 32 : index
      %swap3A_1560 = tpu.vector_load %arg15[%swap3A_1557, %swap3A_1558, %swap3A_1559] {strides = array<i32>} : memref<48x8x128xf32, #tpu.memory_space<vmem>>, vector<16xf32>,
      tpu.vector_store %arg15[%swap3A_1557, %swap3A_1558, %swap3A_1559], %broadcast_in_dim3A_14 {strides = array<i32>} : memref<48x8x128xf32, #tpu.memory_space<vmem>>, vector<16xf32>,
      %swap3A_1561 = arith.constant 4 : i32
      %swap3A_1562 = arith.index_cast %scan3A_1386 : i32 to index
      %swap3A_1563 = arith.index_cast %swap3A_1561 : i32 to index
      %swap3A_1564 = arith.constant 48 : index
      %swap3A_1565 = tpu.vector_load %arg15[%swap3A_1562, %swap3A_1563, %swap3A_1564] {strides = array<i32>} : memref<48x8x128xf32, #tpu.memory_space<vmem>>, vector<16xf32>,
      tpu.vector_store %arg15[%swap3A_1562, %swap3A_1563, %swap3A_1564], %broadcast_in_dim3A_14 {strides = array<i32>} : memref<48x8x128xf32, #tpu.memory_space<vmem>>, vector<16xf32>,
      %swap3A_1566 = arith.constant 4 : i32
      %swap3A_1567 = arith.index_cast %scan3A_1386 : i32 to index
      %swap3A_1568 = arith.index_cast %swap3A_1566 : i32 to index
      %swap3A_1569 = arith.constant 64 : index
      %swap3A_1570 = tpu.vector_load %arg15[%swap3A_1567, %swap3A_1568, %swap3A_1569] {strides = array<i32>} : memref<48x8x128xf32, #tpu.memory_space<vmem>>, vector<16xf32>,
      tpu.vector_store %arg15[%swap3A_1567, %swap3A_1568, %swap3A_1569], %broadcast_in_dim3A_14 {strides = array<i32>} : memref<48x8x128xf32, #tpu.memory_space<vmem>>, vector<16xf32>,
      %swap3A_1571 = arith.constant 4 : i32
      %swap3A_1572 = arith.index_cast %scan3A_1386 : i32 to index
      %swap3A_1573 = arith.index_cast %swap3A_1571 : i32 to index
      %swap3A_1574 = arith.constant 80 : index
      %swap3A_1575 = tpu.vector_load %arg15[%swap3A_1572, %swap3A_1573, %swap3A_1574] {strides = array<i32>} : memref<48x8x128xf32, #tpu.memory_space<vmem>>, vector<16xf32>,
      tpu.vector_store %arg15[%swap3A_1572, %swap3A_1573, %swap3A_1574], %broadcast_in_dim3A_14 {strides = array<i32>} : memref<48x8x128xf32, #tpu.memory_space<vmem>>, vector<16xf32>,
      %swap3A_1576 = arith.constant 4 : i32
      %swap3A_1577 = arith.index_cast %scan3A_1386 : i32 to index
      %swap3A_1578 = arith.index_cast %swap3A_1576 : i32 to index
      %swap3A_1579 = arith.constant 96 : index
      %swap3A_1580 = tpu.vector_load %arg15[%swap3A_1577, %swap3A_1578, %swap3A_1579] {strides = array<i32>} : memref<48x8x128xf32, #tpu.memory_space<vmem>>, vector<16xf32>,
      tpu.vector_store %arg15[%swap3A_1577, %swap3A_1578, %swap3A_1579], %broadcast_in_dim3A_14 {strides = array<i32>} : memref<48x8x128xf32, #tpu.memory_space<vmem>>, vector<16xf32>,
      %swap3A_1581 = arith.constant 4 : i32
      %swap3A_1582 = arith.index_cast %scan3A_1386 : i32 to index
      %swap3A_1583 = arith.index_cast %swap3A_1581 : i32 to index
      %swap3A_1584 = arith.constant 112 : index
      %swap3A_1585 = tpu.vector_load %arg15[%swap3A_1582, %swap3A_1583, %swap3A_1584] {strides = array<i32>} : memref<48x8x128xf32, #tpu.memory_space<vmem>>, vector<16xf32>,
      tpu.vector_store %arg15[%swap3A_1582, %swap3A_1583, %swap3A_1584], %broadcast_in_dim3A_14 {strides = array<i32>} : memref<48x8x128xf32, #tpu.memory_space<vmem>>, vector<16xf32>,
      %swap3A_1586 = arith.constant 5 : i32
      %swap3A_1587 = arith.index_cast %scan3A_1386 : i32 to index
      %swap3A_1588 = arith.index_cast %swap3A_1586 : i32 to index
      %swap3A_1589 = arith.constant 0 : index
      %swap3A_1590 = tpu.vector_load %arg15[%swap3A_1587, %swap3A_1588, %swap3A_1589] {strides = array<i32>} : memref<48x8x128xf32, #tpu.memory_space<vmem>>, vector<16xf32>,
      tpu.vector_store %arg15[%swap3A_1587, %swap3A_1588, %swap3A_1589], %broadcast_in_dim3A_14 {strides = array<i32>} : memref<48x8x128xf32, #tpu.memory_space<vmem>>, vector<16xf32>,
      %swap3A_1591 = arith.constant 5 : i32
      %swap3A_1592 = arith.index_cast %scan3A_1386 : i32 to index
      %swap3A_1593 = arith.index_cast %swap3A_1591 : i32 to index
      %swap3A_1594 = arith.constant 16 : index
      %swap3A_1595 = tpu.vector_load %arg15[%swap3A_1592, %swap3A_1593, %swap3A_1594] {strides = array<i32>} : memref<48x8x128xf32, #tpu.memory_space<vmem>>, vector<16xf32>,
      tpu.vector_store %arg15[%swap3A_1592, %swap3A_1593, %swap3A_1594], %broadcast_in_dim3A_14 {strides = array<i32>} : memref<48x8x128xf32, #tpu.memory_space<vmem>>, vector<16xf32>,
      %swap3A_1596 = arith.constant 5 : i32
      %swap3A_1597 = arith.index_cast %scan3A_1386 : i32 to index
      %swap3A_1598 = arith.index_cast %swap3A_1596 : i32 to index
      %swap3A_1599 = arith.constant 32 : index
      %swap3A_1600 = tpu.vector_load %arg15[%swap3A_1597, %swap3A_1598, %swap3A_1599] {strides = array<i32>} : memref<48x8x128xf32, #tpu.memory_space<vmem>>, vector<16xf32>,
      tpu.vector_store %arg15[%swap3A_1597, %swap3A_1598, %swap3A_1599], %broadcast_in_dim3A_14 {strides = array<i32>} : memref<48x8x128xf32, #tpu.memory_space<vmem>>, vector<16xf32>,
      %swap3A_1601 = arith.constant 5 : i32
      %swap3A_1602 = arith.index_cast %scan3A_1386 : i32 to index
      %swap3A_1603 = arith.index_cast %swap3A_1601 : i32 to index
      %swap3A_1604 = arith.constant 48 : index
      %swap3A_1605 = tpu.vector_load %arg15[%swap3A_1602, %swap3A_1603, %swap3A_1604] {strides = array<i32>} : memref<48x8x128xf32, #tpu.memory_space<vmem>>, vector<16xf32>,
      tpu.vector_store %arg15[%swap3A_1602, %swap3A_1603, %swap3A_1604], %broadcast_in_dim3A_14 {strides = array<i32>} : memref<48x8x128xf32, #tpu.memory_space<vmem>>, vector<16xf32>,
      %swap3A_1606 = arith.constant 5 : i32
      %swap3A_1607 = arith.index_cast %scan3A_1386 : i32 to index
      %swap3A_1608 = arith.index_cast %swap3A_1606 : i32 to index
      %swap3A_1609 = arith.constant 64 : index
      %swap3A_1610 = tpu.vector_load %arg15[%swap3A_1607, %swap3A_1608, %swap3A_1609] {strides = array<i32>} : memref<48x8x128xf32, #tpu.memory_space<vmem>>, vector<16xf32>,
      tpu.vector_store %arg15[%swap3A_1607, %swap3A_1608, %swap3A_1609], %broadcast_in_dim3A_14 {strides = array<i32>} : memref<48x8x128xf32, #tpu.memory_space<vmem>>, vector<16xf32>,
      %swap3A_1611 = arith.constant 5 : i32
      %swap3A_1612 = arith.index_cast %scan3A_1386 : i32 to index
      %swap3A_1613 = arith.index_cast %swap3A_1611 : i32 to index
      %swap3A_1614 = arith.constant 80 : index
      %swap3A_1615 = tpu.vector_load %arg15[%swap3A_1612, %swap3A_1613, %swap3A_1614] {strides = array<i32>} : memref<48x8x128xf32, #tpu.memory_space<vmem>>, vector<16xf32>,
      tpu.vector_store %arg15[%swap3A_1612, %swap3A_1613, %swap3A_1614], %broadcast_in_dim3A_14 {strides = array<i32>} : memref<48x8x128xf32, #tpu.memory_space<vmem>>, vector<16xf32>,
      %swap3A_1616 = arith.constant 5 : i32
      %swap3A_1617 = arith.index_cast %scan3A_1386 : i32 to index
      %swap3A_1618 = arith.index_cast %swap3A_1616 : i32 to index
      %swap3A_1619 = arith.constant 96 : index
      %swap3A_1620 = tpu.vector_load %arg15[%swap3A_1617, %swap3A_1618, %swap3A_1619] {strides = array<i32>} : memref<48x8x128xf32, #tpu.memory_space<vmem>>, vector<16xf32>,
      tpu.vector_store %arg15[%swap3A_1617, %swap3A_1618, %swap3A_1619], %broadcast_in_dim3A_14 {strides = array<i32>} : memref<48x8x128xf32, #tpu.memory_space<vmem>>, vector<16xf32>,
      %swap3A_1621 = arith.constant 5 : i32
      %swap3A_1622 = arith.index_cast %scan3A_1386 : i32 to index
      %swap3A_1623 = arith.index_cast %swap3A_1621 : i32 to index
      %swap3A_1624 = arith.constant 112 : index
      %swap3A_1625 = tpu.vector_load %arg15[%swap3A_1622, %swap3A_1623, %swap3A_1624] {strides = array<i32>} : memref<48x8x128xf32, #tpu.memory_space<vmem>>, vector<16xf32>,
      tpu.vector_store %arg15[%swap3A_1622, %swap3A_1623, %swap3A_1624], %broadcast_in_dim3A_14 {strides = array<i32>} : memref<48x8x128xf32, #tpu.memory_space<vmem>>, vector<16xf32>,
      %swap3A_1626 = arith.constant 6 : i32
      %swap3A_1627 = arith.index_cast %scan3A_1386 : i32 to index
      %swap3A_1628 = arith.index_cast %swap3A_1626 : i32 to index
      %swap3A_1629 = arith.constant 0 : index
      %swap3A_1630 = tpu.vector_load %arg15[%swap3A_1627, %swap3A_1628, %swap3A_1629] {strides = array<i32>} : memref<48x8x128xf32, #tpu.memory_space<vmem>>, vector<16xf32>,
      tpu.vector_store %arg15[%swap3A_1627, %swap3A_1628, %swap3A_1629], %broadcast_in_dim3A_14 {strides = array<i32>} : memref<48x8x128xf32, #tpu.memory_space<vmem>>, vector<16xf32>,
      %swap3A_1631 = arith.constant 6 : i32
      %swap3A_1632 = arith.index_cast %scan3A_1386 : i32 to index
      %swap3A_1633 = arith.index_cast %swap3A_1631 : i32 to index
      %swap3A_1634 = arith.constant 16 : index
      %swap3A_1635 = tpu.vector_load %arg15[%swap3A_1632, %swap3A_1633, %swap3A_1634] {strides = array<i32>} : memref<48x8x128xf32, #tpu.memory_space<vmem>>, vector<16xf32>,
      tpu.vector_store %arg15[%swap3A_1632, %swap3A_1633, %swap3A_1634], %broadcast_in_dim3A_14 {strides = array<i32>} : memref<48x8x128xf32, #tpu.memory_space<vmem>>, vector<16xf32>,
      %swap3A_1636 = arith.constant 6 : i32
      %swap3A_1637 = arith.index_cast %scan3A_1386 : i32 to index
      %swap3A_1638 = arith.index_cast %swap3A_1636 : i32 to index
      %swap3A_1639 = arith.constant 32 : index
      %swap3A_1640 = tpu.vector_load %arg15[%swap3A_1637, %swap3A_1638, %swap3A_1639] {strides = array<i32>} : memref<48x8x128xf32, #tpu.memory_space<vmem>>, vector<16xf32>,
      tpu.vector_store %arg15[%swap3A_1637, %swap3A_1638, %swap3A_1639], %broadcast_in_dim3A_14 {strides = array<i32>} : memref<48x8x128xf32, #tpu.memory_space<vmem>>, vector<16xf32>,
      %swap3A_1641 = arith.constant 6 : i32
      %swap3A_1642 = arith.index_cast %scan3A_1386 : i32 to index
      %swap3A_1643 = arith.index_cast %swap3A_1641 : i32 to index
      %swap3A_1644 = arith.constant 48 : index
      %swap3A_1645 = tpu.vector_load %arg15[%swap3A_1642, %swap3A_1643, %swap3A_1644] {strides = array<i32>} : memref<48x8x128xf32, #tpu.memory_space<vmem>>, vector<16xf32>,
      tpu.vector_store %arg15[%swap3A_1642, %swap3A_1643, %swap3A_1644], %broadcast_in_dim3A_14 {strides = array<i32>} : memref<48x8x128xf32, #tpu.memory_space<vmem>>, vector<16xf32>,
      %swap3A_1646 = arith.constant 6 : i32
      %swap3A_1647 = arith.index_cast %scan3A_1386 : i32 to index
      %swap3A_1648 = arith.index_cast %swap3A_1646 : i32 to index
      %swap3A_1649 = arith.constant 64 : index
      %swap3A_1650 = tpu.vector_load %arg15[%swap3A_1647, %swap3A_1648, %swap3A_1649] {strides = array<i32>} : memref<48x8x128xf32, #tpu.memory_space<vmem>>, vector<16xf32>,
      tpu.vector_store %arg15[%swap3A_1647, %swap3A_1648, %swap3A_1649], %broadcast_in_dim3A_14 {strides = array<i32>} : memref<48x8x128xf32, #tpu.memory_space<vmem>>, vector<16xf32>,
      %swap3A_1651 = arith.constant 6 : i32
      %swap3A_1652 = arith.index_cast %scan3A_1386 : i32 to index
      %swap3A_1653 = arith.index_cast %swap3A_1651 : i32 to index
      %swap3A_1654 = arith.constant 80 : index
      %swap3A_1655 = tpu.vector_load %arg15[%swap3A_1652, %swap3A_1653, %swap3A_1654] {strides = array<i32>} : memref<48x8x128xf32, #tpu.memory_space<vmem>>, vector<16xf32>,
      tpu.vector_store %arg15[%swap3A_1652, %swap3A_1653, %swap3A_1654], %broadcast_in_dim3A_14 {strides = array<i32>} : memref<48x8x128xf32, #tpu.memory_space<vmem>>, vector<16xf32>,
      %swap3A_1656 = arith.constant 6 : i32
      %swap3A_1657 = arith.index_cast %scan3A_1386 : i32 to index
      %swap3A_1658 = arith.index_cast %swap3A_1656 : i32 to index
      %swap3A_1659 = arith.constant 96 : index
      %swap3A_1660 = tpu.vector_load %arg15[%swap3A_1657, %swap3A_1658, %swap3A_1659] {strides = array<i32>} : memref<48x8x128xf32, #tpu.memory_space<vmem>>, vector<16xf32>,
      tpu.vector_store %arg15[%swap3A_1657, %swap3A_1658, %swap3A_1659], %broadcast_in_dim3A_14 {strides = array<i32>} : memref<48x8x128xf32, #tpu.memory_space<vmem>>, vector<16xf32>,
      %swap3A_1661 = arith.constant 6 : i32
      %swap3A_1662 = arith.index_cast %scan3A_1386 : i32 to index
      %swap3A_1663 = arith.index_cast %swap3A_1661 : i32 to index
      %swap3A_1664 = arith.constant 112 : index
      %swap3A_1665 = tpu.vector_load %arg15[%swap3A_1662, %swap3A_1663, %swap3A_1664] {strides = array<i32>} : memref<48x8x128xf32, #tpu.memory_space<vmem>>, vector<16xf32>,
      tpu.vector_store %arg15[%swap3A_1662, %swap3A_1663, %swap3A_1664], %broadcast_in_dim3A_14 {strides = array<i32>} : memref<48x8x128xf32, #tpu.memory_space<vmem>>, vector<16xf32>,
      %swap3A_1666 = arith.constant 7 : i32
      %swap3A_1667 = arith.index_cast %scan3A_1386 : i32 to index
      %swap3A_1668 = arith.index_cast %swap3A_1666 : i32 to index
      %swap3A_1669 = arith.constant 0 : index
      %swap3A_1670 = tpu.vector_load %arg15[%swap3A_1667, %swap3A_1668, %swap3A_1669] {strides = array<i32>} : memref<48x8x128xf32, #tpu.memory_space<vmem>>, vector<16xf32>,
      tpu.vector_store %arg15[%swap3A_1667, %swap3A_1668, %swap3A_1669], %broadcast_in_dim3A_14 {strides = array<i32>} : memref<48x8x128xf32, #tpu.memory_space<vmem>>, vector<16xf32>,
      %swap3A_1671 = arith.constant 7 : i32
      %swap3A_1672 = arith.index_cast %scan3A_1386 : i32 to index
      %swap3A_1673 = arith.index_cast %swap3A_1671 : i32 to index
      %swap3A_1674 = arith.constant 16 : index
      %swap3A_1675 = tpu.vector_load %arg15[%swap3A_1672, %swap3A_1673, %swap3A_1674] {strides = array<i32>} : memref<48x8x128xf32, #tpu.memory_space<vmem>>, vector<16xf32>,
      tpu.vector_store %arg15[%swap3A_1672, %swap3A_1673, %swap3A_1674], %broadcast_in_dim3A_14 {strides = array<i32>} : memref<48x8x128xf32, #tpu.memory_space<vmem>>, vector<16xf32>,
      %swap3A_1676 = arith.constant 7 : i32
      %swap3A_1677 = arith.index_cast %scan3A_1386 : i32 to index
      %swap3A_1678 = arith.index_cast %swap3A_1676 : i32 to index
      %swap3A_1679 = arith.constant 32 : index
      %swap3A_1680 = tpu.vector_load %arg15[%swap3A_1677, %swap3A_1678, %swap3A_1679] {strides = array<i32>} : memref<48x8x128xf32, #tpu.memory_space<vmem>>, vector<16xf32>,
      tpu.vector_store %arg15[%swap3A_1677, %swap3A_1678, %swap3A_1679], %broadcast_in_dim3A_14 {strides = array<i32>} : memref<48x8x128xf32, #tpu.memory_space<vmem>>, vector<16xf32>,
      %swap3A_1681 = arith.constant 7 : i32
      %swap3A_1682 = arith.index_cast %scan3A_1386 : i32 to index
      %swap3A_1683 = arith.index_cast %swap3A_1681 : i32 to index
      %swap3A_1684 = arith.constant 48 : index
      %swap3A_1685 = tpu.vector_load %arg15[%swap3A_1682, %swap3A_1683, %swap3A_1684] {strides = array<i32>} : memref<48x8x128xf32, #tpu.memory_space<vmem>>, vector<16xf32>,
      tpu.vector_store %arg15[%swap3A_1682, %swap3A_1683, %swap3A_1684], %broadcast_in_dim3A_14 {strides = array<i32>} : memref<48x8x128xf32, #tpu.memory_space<vmem>>, vector<16xf32>,
      %swap3A_1686 = arith.constant 7 : i32
      %swap3A_1687 = arith.index_cast %scan3A_1386 : i32 to index
      %swap3A_1688 = arith.index_cast %swap3A_1686 : i32 to index
      %swap3A_1689 = arith.constant 64 : index
      %swap3A_1690 = tpu.vector_load %arg15[%swap3A_1687, %swap3A_1688, %swap3A_1689] {strides = array<i32>} : memref<48x8x128xf32, #tpu.memory_space<vmem>>, vector<16xf32>,
      tpu.vector_store %arg15[%swap3A_1687, %swap3A_1688, %swap3A_1689], %broadcast_in_dim3A_14 {strides = array<i32>} : memref<48x8x128xf32, #tpu.memory_space<vmem>>, vector<16xf32>,
      %swap3A_1691 = arith.constant 7 : i32
      %swap3A_1692 = arith.index_cast %scan3A_1386 : i32 to index
      %swap3A_1693 = arith.index_cast %swap3A_1691 : i32 to index
      %swap3A_1694 = arith.constant 80 : index
      %swap3A_1695 = tpu.vector_load %arg15[%swap3A_1692, %swap3A_1693, %swap3A_1694] {strides = array<i32>} : memref<48x8x128xf32, #tpu.memory_space<vmem>>, vector<16xf32>,
      tpu.vector_store %arg15[%swap3A_1692, %swap3A_1693, %swap3A_1694], %broadcast_in_dim3A_14 {strides = array<i32>} : memref<48x8x128xf32, #tpu.memory_space<vmem>>, vector<16xf32>,
      %swap3A_1696 = arith.constant 7 : i32
      %swap3A_1697 = arith.index_cast %scan3A_1386 : i32 to index
      %swap3A_1698 = arith.index_cast %swap3A_1696 : i32 to index
      %swap3A_1699 = arith.constant 96 : index
      %swap3A_1700 = tpu.vector_load %arg15[%swap3A_1697, %swap3A_1698, %swap3A_1699] {strides = array<i32>} : memref<48x8x128xf32, #tpu.memory_space<vmem>>, vector<16xf32>,
      tpu.vector_store %arg15[%swap3A_1697, %swap3A_1698, %swap3A_1699], %broadcast_in_dim3A_14 {strides = array<i32>} : memref<48x8x128xf32, #tpu.memory_space<vmem>>, vector<16xf32>,
      %swap3A_1701 = arith.constant 7 : i32
      %swap3A_1702 = arith.index_cast %scan3A_1386 : i32 to index
      %swap3A_1703 = arith.index_cast %swap3A_1701 : i32 to index
      %swap3A_1704 = arith.constant 112 : index
      %swap3A_1705 = tpu.vector_load %arg15[%swap3A_1702, %swap3A_1703, %swap3A_1704] {strides = array<i32>} : memref<48x8x128xf32, #tpu.memory_space<vmem>>, vector<16xf32>,
      tpu.vector_store %arg15[%swap3A_1702, %swap3A_1703, %swap3A_1704], %broadcast_in_dim3A_14 {strides = array<i32>} : memref<48x8x128xf32, #tpu.memory_space<vmem>>, vector<16xf32>,
    }
    %scan3A_19 = arith.constant 48 : i32
    %dma_wait3A = tpu.memref_slice %arg2[%mul3A_2] : memref<16384xi32, #tpu.memory_space<hbm>> -> memref<512xi32, #tpu.memory_space<hbm>>
    %dma_wait3A_20 = tpu.memref_slice %arg2[%mul3A_2] : memref<16384xi32, #tpu.memory_space<hbm>> -> memref<512xi32, #tpu.memory_space<hbm>>
    tpu.wait_dma2 semaphore(%arg16 : memref<!tpu.dma_semaphore, #tpu.memory_space<semaphore_mem>>) src(%dma_wait3A_20 : memref<512xi32, #tpu.memory_space<hbm>>) dst(%arg9 : memref<512xi32, #tpu.memory_space<vmem>>)
    %dma_wait3A_21 = tpu.memref_slice %arg3[%mul3A_2] : memref<16384xi32, #tpu.memory_space<hbm>> -> memref<512xi32, #tpu.memory_space<hbm>>
    %dma_wait3A_22 = tpu.memref_slice %arg3[%mul3A_2] : memref<16384xi32, #tpu.memory_space<hbm>> -> memref<512xi32, #tpu.memory_space<hbm>>
    tpu.wait_dma2 semaphore(%arg16 : memref<!tpu.dma_semaphore, #tpu.memory_space<semaphore_mem>>) src(%dma_wait3A_22 : memref<512xi32, #tpu.memory_space<hbm>>) dst(%arg10 : memref<512xi32, #tpu.memory_space<vmem>>)
    %dma_wait3A_23 = tpu.memref_slice %arg4[%mul3A_2] : memref<16384xi32, #tpu.memory_space<hbm>> -> memref<512xi32, #tpu.memory_space<hbm>>
    %dma_wait3A_24 = tpu.memref_slice %arg4[%mul3A_2] : memref<16384xi32, #tpu.memory_space<hbm>> -> memref<512xi32, #tpu.memory_space<hbm>>
    tpu.wait_dma2 semaphore(%arg16 : memref<!tpu.dma_semaphore, #tpu.memory_space<semaphore_mem>>) src(%dma_wait3A_24 : memref<512xi32, #tpu.memory_space<hbm>>) dst(%arg11 : memref<512xi32, #tpu.memory_space<vmem>>)
    %dma_wait3A_25 = tpu.memref_slice %arg5[%mul3A_2] : memref<16384xi32, #tpu.memory_space<hbm>> -> memref<512xi32, #tpu.memory_space<hbm>>
    %dma_wait3A_26 = tpu.memref_slice %arg5[%mul3A_2] : memref<16384xi32, #tpu.memory_space<hbm>> -> memref<512xi32, #tpu.memory_space<hbm>>
    tpu.wait_dma2 semaphore(%arg16 : memref<!tpu.dma_semaphore, #tpu.memory_space<semaphore_mem>>) src(%dma_wait3A_26 : memref<512xi32, #tpu.memory_space<hbm>>) dst(%arg12 : memref<512xi32, #tpu.memory_space<vmem>>)
    %dma_wait3A_27 = tpu.memref_slice %arg6[%mul3A_2] : memref<16384xi32, #tpu.memory_space<hbm>> -> memref<512xi32, #tpu.memory_space<hbm>>
    %dma_wait3A_28 = tpu.memref_slice %arg6[%mul3A_2] : memref<16384xi32, #tpu.memory_space<hbm>> -> memref<512xi32, #tpu.memory_space<hbm>>
    tpu.wait_dma2 semaphore(%arg16 : memref<!tpu.dma_semaphore, #tpu.memory_space<semaphore_mem>>) src(%dma_wait3A_28 : memref<512xi32, #tpu.memory_space<hbm>>) dst(%arg13 : memref<512xi32, #tpu.memory_space<vmem>>)
    %dma_wait3A_29 = tpu.memref_slice %arg7[%mul3A_2] : memref<16384xi32, #tpu.memory_space<hbm>> -> memref<512xi32, #tpu.memory_space<hbm>>
    %dma_wait3A_30 = tpu.memref_slice %arg7[%mul3A_2] : memref<16384xi32, #tpu.memory_space<hbm>> -> memref<512xi32, #tpu.memory_space<hbm>>
    tpu.wait_dma2 semaphore(%arg16 : memref<!tpu.dma_semaphore, #tpu.memory_space<semaphore_mem>>) src(%dma_wait3A_30 : memref<512xi32, #tpu.memory_space<hbm>>) dst(%arg14 : memref<512xi32, #tpu.memory_space<vmem>>)
    %broadcast_in_dim3A_31 = arith.constant 1.000000e+00 : f32
    %broadcast_in_dim3A_32 = vector.broadcast %broadcast_in_dim3A_31 : f32 to vector<16xf32>
    %get3A = arith.constant 0 : index
    %get3A_33 = tpu.vector_load %arg9[%get3A] {strides = array<i32>} : memref<512xi32, #tpu.memory_space<vmem>>, vector<16xi32>,
    %get3A_34 = arith.constant 0 : index
    %get3A_35 = tpu.vector_load %arg10[%get3A_34] {strides = array<i32>} : memref<512xi32, #tpu.memory_space<vmem>>, vector<16xi32>,
    %add3A_36 = arith.constant 0 : i32
    %add3A_37 = vector.broadcast %add3A_36 : i32 to vector<16xi32>
    %add3A_38 = arith.addi %get3A_35, %add3A_37 : vector<16xi32>
    %shift_right_logical3A = arith.constant 7 : i32
    %shift_right_logical3A_39 = vector.broadcast %shift_right_logical3A : i32 to vector<16xi32>
    %shift_right_logical3A_40 = arith.shrui %get3A_33, %shift_right_logical3A_39 : vector<16xi32>
    %and3A = arith.constant 127 : i32
    %and3A_41 = vector.broadcast %and3A : i32 to vector<16xi32>
    %and3A_42 = arith.andi %get3A_33, %and3A_41 : vector<16xi32>
    tpu.vector_store_idx %arg15[%add3A_38, %shift_right_logical3A_40, %and3A_42], %broadcast_in_dim3A_32 {add = true} : memref<48x8x128xf32, #tpu.memory_space<vmem>>[vector<16xi32>, vector<16xi32>, vector<16xi32>], vector<16xf32>,
    %get3A_43 = arith.constant 16 : index
    %get3A_44 = tpu.vector_load %arg9[%get3A_43] {strides = array<i32>} : memref<512xi32, #tpu.memory_space<vmem>>, vector<16xi32>,
    %get3A_45 = arith.constant 16 : index
    %get3A_46 = tpu.vector_load %arg10[%get3A_45] {strides = array<i32>} : memref<512xi32, #tpu.memory_space<vmem>>, vector<16xi32>,
    %add3A_47 = arith.constant 0 : i32
    %add3A_48 = vector.broadcast %add3A_47 : i32 to vector<16xi32>
    %add3A_49 = arith.addi %get3A_46, %add3A_48 : vector<16xi32>
    %shift_right_logical3A_50 = arith.constant 7 : i32
    %shift_right_logical3A_51 = vector.broadcast %shift_right_logical3A_50 : i32 to vector<16xi32>
    %shift_right_logical3A_52 = arith.shrui %get3A_44, %shift_right_logical3A_51 : vector<16xi32>
    %and3A_53 = arith.constant 127 : i32
    %and3A_54 = vector.broadcast %and3A_53 : i32 to vector<16xi32>
    %and3A_55 = arith.andi %get3A_44, %and3A_54 : vector<16xi32>
    tpu.vector_store_idx %arg15[%add3A_49, %shift_right_logical3A_52, %and3A_55], %broadcast_in_dim3A_32 {add = true} : memref<48x8x128xf32, #tpu.memory_space<vmem>>[vector<16xi32>, vector<16xi32>, vector<16xi32>], vector<16xf32>,
    %get3A_56 = arith.constant 32 : index
    %get3A_57 = tpu.vector_load %arg9[%get3A_56] {strides = array<i32>} : memref<512xi32, #tpu.memory_space<vmem>>, vector<16xi32>,
    %get3A_58 = arith.constant 32 : index
    %get3A_59 = tpu.vector_load %arg10[%get3A_58] {strides = array<i32>} : memref<512xi32, #tpu.memory_space<vmem>>, vector<16xi32>,
    %add3A_60 = arith.constant 0 : i32
    %add3A_61 = vector.broadcast %add3A_60 : i32 to vector<16xi32>
    %add3A_62 = arith.addi %get3A_59, %add3A_61 : vector<16xi32>
    %shift_right_logical3A_63 = arith.constant 7 : i32
    %shift_right_logical3A_64 = vector.broadcast %shift_right_logical3A_63 : i32 to vector<16xi32>
    %shift_right_logical3A_65 = arith.shrui %get3A_57, %shift_right_logical3A_64 : vector<16xi32>
    %and3A_66 = arith.constant 127 : i32
    %and3A_67 = vector.broadcast %and3A_66 : i32 to vector<16xi32>
    %and3A_68 = arith.andi %get3A_57, %and3A_67 : vector<16xi32>
    tpu.vector_store_idx %arg15[%add3A_62, %shift_right_logical3A_65, %and3A_68], %broadcast_in_dim3A_32 {add = true} : memref<48x8x128xf32, #tpu.memory_space<vmem>>[vector<16xi32>, vector<16xi32>, vector<16xi32>], vector<16xf32>,
    %get3A_69 = arith.constant 48 : index
    %get3A_70 = tpu.vector_load %arg9[%get3A_69] {strides = array<i32>} : memref<512xi32, #tpu.memory_space<vmem>>, vector<16xi32>,
    %get3A_71 = arith.constant 48 : index
    %get3A_72 = tpu.vector_load %arg10[%get3A_71] {strides = array<i32>} : memref<512xi32, #tpu.memory_space<vmem>>, vector<16xi32>,
    %add3A_73 = arith.constant 0 : i32
    %add3A_74 = vector.broadcast %add3A_73 : i32 to vector<16xi32>
    %add3A_75 = arith.addi %get3A_72, %add3A_74 : vector<16xi32>
    %shift_right_logical3A_76 = arith.constant 7 : i32
    %shift_right_logical3A_77 = vector.broadcast %shift_right_logical3A_76 : i32 to vector<16xi32>
    %shift_right_logical3A_78 = arith.shrui %get3A_70, %shift_right_logical3A_77 : vector<16xi32>
    %and3A_79 = arith.constant 127 : i32
    %and3A_80 = vector.broadcast %and3A_79 : i32 to vector<16xi32>
    %and3A_81 = arith.andi %get3A_70, %and3A_80 : vector<16xi32>
    tpu.vector_store_idx %arg15[%add3A_75, %shift_right_logical3A_78, %and3A_81], %broadcast_in_dim3A_32 {add = true} : memref<48x8x128xf32, #tpu.memory_space<vmem>>[vector<16xi32>, vector<16xi32>, vector<16xi32>], vector<16xf32>,
    %get3A_82 = arith.constant 64 : index
    %get3A_83 = tpu.vector_load %arg9[%get3A_82] {strides = array<i32>} : memref<512xi32, #tpu.memory_space<vmem>>, vector<16xi32>,
    %get3A_84 = arith.constant 64 : index
    %get3A_85 = tpu.vector_load %arg10[%get3A_84] {strides = array<i32>} : memref<512xi32, #tpu.memory_space<vmem>>, vector<16xi32>,
    %add3A_86 = arith.constant 0 : i32
    %add3A_87 = vector.broadcast %add3A_86 : i32 to vector<16xi32>
    %add3A_88 = arith.addi %get3A_85, %add3A_87 : vector<16xi32>
    %shift_right_logical3A_89 = arith.constant 7 : i32
    %shift_right_logical3A_90 = vector.broadcast %shift_right_logical3A_89 : i32 to vector<16xi32>
    %shift_right_logical3A_91 = arith.shrui %get3A_83, %shift_right_logical3A_90 : vector<16xi32>
    %and3A_92 = arith.constant 127 : i32
    %and3A_93 = vector.broadcast %and3A_92 : i32 to vector<16xi32>
    %and3A_94 = arith.andi %get3A_83, %and3A_93 : vector<16xi32>
    tpu.vector_store_idx %arg15[%add3A_88, %shift_right_logical3A_91, %and3A_94], %broadcast_in_dim3A_32 {add = true} : memref<48x8x128xf32, #tpu.memory_space<vmem>>[vector<16xi32>, vector<16xi32>, vector<16xi32>], vector<16xf32>,
    %get3A_95 = arith.constant 80 : index
    %get3A_96 = tpu.vector_load %arg9[%get3A_95] {strides = array<i32>} : memref<512xi32, #tpu.memory_space<vmem>>, vector<16xi32>,
    %get3A_97 = arith.constant 80 : index
    %get3A_98 = tpu.vector_load %arg10[%get3A_97] {strides = array<i32>} : memref<512xi32, #tpu.memory_space<vmem>>, vector<16xi32>,
    %add3A_99 = arith.constant 0 : i32
    %add3A_100 = vector.broadcast %add3A_99 : i32 to vector<16xi32>
    %add3A_101 = arith.addi %get3A_98, %add3A_100 : vector<16xi32>
    %shift_right_logical3A_102 = arith.constant 7 : i32
    %shift_right_logical3A_103 = vector.broadcast %shift_right_logical3A_102 : i32 to vector<16xi32>
    %shift_right_logical3A_104 = arith.shrui %get3A_96, %shift_right_logical3A_103 : vector<16xi32>
    %and3A_105 = arith.constant 127 : i32
    %and3A_106 = vector.broadcast %and3A_105 : i32 to vector<16xi32>
    %and3A_107 = arith.andi %get3A_96, %and3A_106 : vector<16xi32>
    tpu.vector_store_idx %arg15[%add3A_101, %shift_right_logical3A_104, %and3A_107], %broadcast_in_dim3A_32 {add = true} : memref<48x8x128xf32, #tpu.memory_space<vmem>>[vector<16xi32>, vector<16xi32>, vector<16xi32>], vector<16xf32>,
    %get3A_108 = arith.constant 96 : index
    %get3A_109 = tpu.vector_load %arg9[%get3A_108] {strides = array<i32>} : memref<512xi32, #tpu.memory_space<vmem>>, vector<16xi32>,
    %get3A_110 = arith.constant 96 : index
    %get3A_111 = tpu.vector_load %arg10[%get3A_110] {strides = array<i32>} : memref<512xi32, #tpu.memory_space<vmem>>, vector<16xi32>,
    %add3A_112 = arith.constant 0 : i32
    %add3A_113 = vector.broadcast %add3A_112 : i32 to vector<16xi32>
    %add3A_114 = arith.addi %get3A_111, %add3A_113 : vector<16xi32>
    %shift_right_logical3A_115 = arith.constant 7 : i32
    %shift_right_logical3A_116 = vector.broadcast %shift_right_logical3A_115 : i32 to vector<16xi32>
    %shift_right_logical3A_117 = arith.shrui %get3A_109, %shift_right_logical3A_116 : vector<16xi32>
    %and3A_118 = arith.constant 127 : i32
    %and3A_119 = vector.broadcast %and3A_118 : i32 to vector<16xi32>
    %and3A_120 = arith.andi %get3A_109, %and3A_119 : vector<16xi32>
    tpu.vector_store_idx %arg15[%add3A_114, %shift_right_logical3A_117, %and3A_120], %broadcast_in_dim3A_32 {add = true} : memref<48x8x128xf32, #tpu.memory_space<vmem>>[vector<16xi32>, vector<16xi32>, vector<16xi32>], vector<16xf32>,
    %get3A_121 = arith.constant 112 : index
    %get3A_122 = tpu.vector_load %arg9[%get3A_121] {strides = array<i32>} : memref<512xi32, #tpu.memory_space<vmem>>, vector<16xi32>,
    %get3A_123 = arith.constant 112 : index
    %get3A_124 = tpu.vector_load %arg10[%get3A_123] {strides = array<i32>} : memref<512xi32, #tpu.memory_space<vmem>>, vector<16xi32>,
    %add3A_125 = arith.constant 0 : i32
    %add3A_126 = vector.broadcast %add3A_125 : i32 to vector<16xi32>
    %add3A_127 = arith.addi %get3A_124, %add3A_126 : vector<16xi32>
    %shift_right_logical3A_128 = arith.constant 7 : i32
    %shift_right_logical3A_129 = vector.broadcast %shift_right_logical3A_128 : i32 to vector<16xi32>
    %shift_right_logical3A_130 = arith.shrui %get3A_122, %shift_right_logical3A_129 : vector<16xi32>
    %and3A_131 = arith.constant 127 : i32
    %and3A_132 = vector.broadcast %and3A_131 : i32 to vector<16xi32>
    %and3A_133 = arith.andi %get3A_122, %and3A_132 : vector<16xi32>
    tpu.vector_store_idx %arg15[%add3A_127, %shift_right_logical3A_130, %and3A_133], %broadcast_in_dim3A_32 {add = true} : memref<48x8x128xf32, #tpu.memory_space<vmem>>[vector<16xi32>, vector<16xi32>, vector<16xi32>], vector<16xf32>,
    %get3A_134 = arith.constant 128 : index
    %get3A_135 = tpu.vector_load %arg9[%get3A_134] {strides = array<i32>} : memref<512xi32, #tpu.memory_space<vmem>>, vector<16xi32>,
    %get3A_136 = arith.constant 128 : index
    %get3A_137 = tpu.vector_load %arg10[%get3A_136] {strides = array<i32>} : memref<512xi32, #tpu.memory_space<vmem>>, vector<16xi32>,
    %add3A_138 = arith.constant 0 : i32
    %add3A_139 = vector.broadcast %add3A_138 : i32 to vector<16xi32>
    %add3A_140 = arith.addi %get3A_137, %add3A_139 : vector<16xi32>
    %shift_right_logical3A_141 = arith.constant 7 : i32
    %shift_right_logical3A_142 = vector.broadcast %shift_right_logical3A_141 : i32 to vector<16xi32>
    %shift_right_logical3A_143 = arith.shrui %get3A_135, %shift_right_logical3A_142 : vector<16xi32>
    %and3A_144 = arith.constant 127 : i32
    %and3A_145 = vector.broadcast %and3A_144 : i32 to vector<16xi32>
    %and3A_146 = arith.andi %get3A_135, %and3A_145 : vector<16xi32>
    tpu.vector_store_idx %arg15[%add3A_140, %shift_right_logical3A_143, %and3A_146], %broadcast_in_dim3A_32 {add = true} : memref<48x8x128xf32, #tpu.memory_space<vmem>>[vector<16xi32>, vector<16xi32>, vector<16xi32>], vector<16xf32>,
    %get3A_147 = arith.constant 144 : index
    %get3A_148 = tpu.vector_load %arg9[%get3A_147] {strides = array<i32>} : memref<512xi32, #tpu.memory_space<vmem>>, vector<16xi32>,
    %get3A_149 = arith.constant 144 : index
    %get3A_150 = tpu.vector_load %arg10[%get3A_149] {strides = array<i32>} : memref<512xi32, #tpu.memory_space<vmem>>, vector<16xi32>,
    %add3A_151 = arith.constant 0 : i32
    %add3A_152 = vector.broadcast %add3A_151 : i32 to vector<16xi32>
    %add3A_153 = arith.addi %get3A_150, %add3A_152 : vector<16xi32>
    %shift_right_logical3A_154 = arith.constant 7 : i32
    %shift_right_logical3A_155 = vector.broadcast %shift_right_logical3A_154 : i32 to vector<16xi32>
    %shift_right_logical3A_156 = arith.shrui %get3A_148, %shift_right_logical3A_155 : vector<16xi32>
    %and3A_157 = arith.constant 127 : i32
    %and3A_158 = vector.broadcast %and3A_157 : i32 to vector<16xi32>
    %and3A_159 = arith.andi %get3A_148, %and3A_158 : vector<16xi32>
    tpu.vector_store_idx %arg15[%add3A_153, %shift_right_logical3A_156, %and3A_159], %broadcast_in_dim3A_32 {add = true} : memref<48x8x128xf32, #tpu.memory_space<vmem>>[vector<16xi32>, vector<16xi32>, vector<16xi32>], vector<16xf32>,
    %get3A_160 = arith.constant 160 : index
    %get3A_161 = tpu.vector_load %arg9[%get3A_160] {strides = array<i32>} : memref<512xi32, #tpu.memory_space<vmem>>, vector<16xi32>,
    %get3A_162 = arith.constant 160 : index
    %get3A_163 = tpu.vector_load %arg10[%get3A_162] {strides = array<i32>} : memref<512xi32, #tpu.memory_space<vmem>>, vector<16xi32>,
    %add3A_164 = arith.constant 0 : i32
    %add3A_165 = vector.broadcast %add3A_164 : i32 to vector<16xi32>
    %add3A_166 = arith.addi %get3A_163, %add3A_165 : vector<16xi32>
    %shift_right_logical3A_167 = arith.constant 7 : i32
    %shift_right_logical3A_168 = vector.broadcast %shift_right_logical3A_167 : i32 to vector<16xi32>
    %shift_right_logical3A_169 = arith.shrui %get3A_161, %shift_right_logical3A_168 : vector<16xi32>
    %and3A_170 = arith.constant 127 : i32
    %and3A_171 = vector.broadcast %and3A_170 : i32 to vector<16xi32>
    %and3A_172 = arith.andi %get3A_161, %and3A_171 : vector<16xi32>
    tpu.vector_store_idx %arg15[%add3A_166, %shift_right_logical3A_169, %and3A_172], %broadcast_in_dim3A_32 {add = true} : memref<48x8x128xf32, #tpu.memory_space<vmem>>[vector<16xi32>, vector<16xi32>, vector<16xi32>], vector<16xf32>,
    %get3A_173 = arith.constant 176 : index
    %get3A_174 = tpu.vector_load %arg9[%get3A_173] {strides = array<i32>} : memref<512xi32, #tpu.memory_space<vmem>>, vector<16xi32>,
    %get3A_175 = arith.constant 176 : index
    %get3A_176 = tpu.vector_load %arg10[%get3A_175] {strides = array<i32>} : memref<512xi32, #tpu.memory_space<vmem>>, vector<16xi32>,
    %add3A_177 = arith.constant 0 : i32
    %add3A_178 = vector.broadcast %add3A_177 : i32 to vector<16xi32>
    %add3A_179 = arith.addi %get3A_176, %add3A_178 : vector<16xi32>
    %shift_right_logical3A_180 = arith.constant 7 : i32
    %shift_right_logical3A_181 = vector.broadcast %shift_right_logical3A_180 : i32 to vector<16xi32>
    %shift_right_logical3A_182 = arith.shrui %get3A_174, %shift_right_logical3A_181 : vector<16xi32>
    %and3A_183 = arith.constant 127 : i32
    %and3A_184 = vector.broadcast %and3A_183 : i32 to vector<16xi32>
    %and3A_185 = arith.andi %get3A_174, %and3A_184 : vector<16xi32>
    tpu.vector_store_idx %arg15[%add3A_179, %shift_right_logical3A_182, %and3A_185], %broadcast_in_dim3A_32 {add = true} : memref<48x8x128xf32, #tpu.memory_space<vmem>>[vector<16xi32>, vector<16xi32>, vector<16xi32>], vector<16xf32>,
    %get3A_186 = arith.constant 192 : index
    %get3A_187 = tpu.vector_load %arg9[%get3A_186] {strides = array<i32>} : memref<512xi32, #tpu.memory_space<vmem>>, vector<16xi32>,
    %get3A_188 = arith.constant 192 : index
    %get3A_189 = tpu.vector_load %arg10[%get3A_188] {strides = array<i32>} : memref<512xi32, #tpu.memory_space<vmem>>, vector<16xi32>,
    %add3A_190 = arith.constant 0 : i32
    %add3A_191 = vector.broadcast %add3A_190 : i32 to vector<16xi32>
    %add3A_192 = arith.addi %get3A_189, %add3A_191 : vector<16xi32>
    %shift_right_logical3A_193 = arith.constant 7 : i32
    %shift_right_logical3A_194 = vector.broadcast %shift_right_logical3A_193 : i32 to vector<16xi32>
    %shift_right_logical3A_195 = arith.shrui %get3A_187, %shift_right_logical3A_194 : vector<16xi32>
    %and3A_196 = arith.constant 127 : i32
    %and3A_197 = vector.broadcast %and3A_196 : i32 to vector<16xi32>
    %and3A_198 = arith.andi %get3A_187, %and3A_197 : vector<16xi32>
    tpu.vector_store_idx %arg15[%add3A_192, %shift_right_logical3A_195, %and3A_198], %broadcast_in_dim3A_32 {add = true} : memref<48x8x128xf32, #tpu.memory_space<vmem>>[vector<16xi32>, vector<16xi32>, vector<16xi32>], vector<16xf32>,
    %get3A_199 = arith.constant 208 : index
    %get3A_200 = tpu.vector_load %arg9[%get3A_199] {strides = array<i32>} : memref<512xi32, #tpu.memory_space<vmem>>, vector<16xi32>,
    %get3A_201 = arith.constant 208 : index
    %get3A_202 = tpu.vector_load %arg10[%get3A_201] {strides = array<i32>} : memref<512xi32, #tpu.memory_space<vmem>>, vector<16xi32>,
    %add3A_203 = arith.constant 0 : i32
    %add3A_204 = vector.broadcast %add3A_203 : i32 to vector<16xi32>
    %add3A_205 = arith.addi %get3A_202, %add3A_204 : vector<16xi32>
    %shift_right_logical3A_206 = arith.constant 7 : i32
    %shift_right_logical3A_207 = vector.broadcast %shift_right_logical3A_206 : i32 to vector<16xi32>
    %shift_right_logical3A_208 = arith.shrui %get3A_200, %shift_right_logical3A_207 : vector<16xi32>
    %and3A_209 = arith.constant 127 : i32
    %and3A_210 = vector.broadcast %and3A_209 : i32 to vector<16xi32>
    %and3A_211 = arith.andi %get3A_200, %and3A_210 : vector<16xi32>
    tpu.vector_store_idx %arg15[%add3A_205, %shift_right_logical3A_208, %and3A_211], %broadcast_in_dim3A_32 {add = true} : memref<48x8x128xf32, #tpu.memory_space<vmem>>[vector<16xi32>, vector<16xi32>, vector<16xi32>], vector<16xf32>,
    %get3A_212 = arith.constant 224 : index
    %get3A_213 = tpu.vector_load %arg9[%get3A_212] {strides = array<i32>} : memref<512xi32, #tpu.memory_space<vmem>>, vector<16xi32>,
    %get3A_214 = arith.constant 224 : index
    %get3A_215 = tpu.vector_load %arg10[%get3A_214] {strides = array<i32>} : memref<512xi32, #tpu.memory_space<vmem>>, vector<16xi32>,
    %add3A_216 = arith.constant 0 : i32
    %add3A_217 = vector.broadcast %add3A_216 : i32 to vector<16xi32>
    %add3A_218 = arith.addi %get3A_215, %add3A_217 : vector<16xi32>
    %shift_right_logical3A_219 = arith.constant 7 : i32
    %shift_right_logical3A_220 = vector.broadcast %shift_right_logical3A_219 : i32 to vector<16xi32>
    %shift_right_logical3A_221 = arith.shrui %get3A_213, %shift_right_logical3A_220 : vector<16xi32>
    %and3A_222 = arith.constant 127 : i32
    %and3A_223 = vector.broadcast %and3A_222 : i32 to vector<16xi32>
    %and3A_224 = arith.andi %get3A_213, %and3A_223 : vector<16xi32>
    tpu.vector_store_idx %arg15[%add3A_218, %shift_right_logical3A_221, %and3A_224], %broadcast_in_dim3A_32 {add = true} : memref<48x8x128xf32, #tpu.memory_space<vmem>>[vector<16xi32>, vector<16xi32>, vector<16xi32>], vector<16xf32>,
    %get3A_225 = arith.constant 240 : index
    %get3A_226 = tpu.vector_load %arg9[%get3A_225] {strides = array<i32>} : memref<512xi32, #tpu.memory_space<vmem>>, vector<16xi32>,
    %get3A_227 = arith.constant 240 : index
    %get3A_228 = tpu.vector_load %arg10[%get3A_227] {strides = array<i32>} : memref<512xi32, #tpu.memory_space<vmem>>, vector<16xi32>,
    %add3A_229 = arith.constant 0 : i32
    %add3A_230 = vector.broadcast %add3A_229 : i32 to vector<16xi32>
    %add3A_231 = arith.addi %get3A_228, %add3A_230 : vector<16xi32>
    %shift_right_logical3A_232 = arith.constant 7 : i32
    %shift_right_logical3A_233 = vector.broadcast %shift_right_logical3A_232 : i32 to vector<16xi32>
    %shift_right_logical3A_234 = arith.shrui %get3A_226, %shift_right_logical3A_233 : vector<16xi32>
    %and3A_235 = arith.constant 127 : i32
    %and3A_236 = vector.broadcast %and3A_235 : i32 to vector<16xi32>
    %and3A_237 = arith.andi %get3A_226, %and3A_236 : vector<16xi32>
    tpu.vector_store_idx %arg15[%add3A_231, %shift_right_logical3A_234, %and3A_237], %broadcast_in_dim3A_32 {add = true} : memref<48x8x128xf32, #tpu.memory_space<vmem>>[vector<16xi32>, vector<16xi32>, vector<16xi32>], vector<16xf32>,
    %get3A_238 = arith.constant 256 : index
    %get3A_239 = tpu.vector_load %arg9[%get3A_238] {strides = array<i32>} : memref<512xi32, #tpu.memory_space<vmem>>, vector<16xi32>,
    %get3A_240 = arith.constant 256 : index
    %get3A_241 = tpu.vector_load %arg10[%get3A_240] {strides = array<i32>} : memref<512xi32, #tpu.memory_space<vmem>>, vector<16xi32>,
    %add3A_242 = arith.constant 0 : i32
    %add3A_243 = vector.broadcast %add3A_242 : i32 to vector<16xi32>
    %add3A_244 = arith.addi %get3A_241, %add3A_243 : vector<16xi32>
    %shift_right_logical3A_245 = arith.constant 7 : i32
    %shift_right_logical3A_246 = vector.broadcast %shift_right_logical3A_245 : i32 to vector<16xi32>
    %shift_right_logical3A_247 = arith.shrui %get3A_239, %shift_right_logical3A_246 : vector<16xi32>
    %and3A_248 = arith.constant 127 : i32
    %and3A_249 = vector.broadcast %and3A_248 : i32 to vector<16xi32>
    %and3A_250 = arith.andi %get3A_239, %and3A_249 : vector<16xi32>
    tpu.vector_store_idx %arg15[%add3A_244, %shift_right_logical3A_247, %and3A_250], %broadcast_in_dim3A_32 {add = true} : memref<48x8x128xf32, #tpu.memory_space<vmem>>[vector<16xi32>, vector<16xi32>, vector<16xi32>], vector<16xf32>,
    %get3A_251 = arith.constant 272 : index
    %get3A_252 = tpu.vector_load %arg9[%get3A_251] {strides = array<i32>} : memref<512xi32, #tpu.memory_space<vmem>>, vector<16xi32>,
    %get3A_253 = arith.constant 272 : index
    %get3A_254 = tpu.vector_load %arg10[%get3A_253] {strides = array<i32>} : memref<512xi32, #tpu.memory_space<vmem>>, vector<16xi32>,
    %add3A_255 = arith.constant 0 : i32
    %add3A_256 = vector.broadcast %add3A_255 : i32 to vector<16xi32>
    %add3A_257 = arith.addi %get3A_254, %add3A_256 : vector<16xi32>
    %shift_right_logical3A_258 = arith.constant 7 : i32
    %shift_right_logical3A_259 = vector.broadcast %shift_right_logical3A_258 : i32 to vector<16xi32>
    %shift_right_logical3A_260 = arith.shrui %get3A_252, %shift_right_logical3A_259 : vector<16xi32>
    %and3A_261 = arith.constant 127 : i32
    %and3A_262 = vector.broadcast %and3A_261 : i32 to vector<16xi32>
    %and3A_263 = arith.andi %get3A_252, %and3A_262 : vector<16xi32>
    tpu.vector_store_idx %arg15[%add3A_257, %shift_right_logical3A_260, %and3A_263], %broadcast_in_dim3A_32 {add = true} : memref<48x8x128xf32, #tpu.memory_space<vmem>>[vector<16xi32>, vector<16xi32>, vector<16xi32>], vector<16xf32>,
    %get3A_264 = arith.constant 288 : index
    %get3A_265 = tpu.vector_load %arg9[%get3A_264] {strides = array<i32>} : memref<512xi32, #tpu.memory_space<vmem>>, vector<16xi32>,
    %get3A_266 = arith.constant 288 : index
    %get3A_267 = tpu.vector_load %arg10[%get3A_266] {strides = array<i32>} : memref<512xi32, #tpu.memory_space<vmem>>, vector<16xi32>,
    %add3A_268 = arith.constant 0 : i32
    %add3A_269 = vector.broadcast %add3A_268 : i32 to vector<16xi32>
    %add3A_270 = arith.addi %get3A_267, %add3A_269 : vector<16xi32>
    %shift_right_logical3A_271 = arith.constant 7 : i32
    %shift_right_logical3A_272 = vector.broadcast %shift_right_logical3A_271 : i32 to vector<16xi32>
    %shift_right_logical3A_273 = arith.shrui %get3A_265, %shift_right_logical3A_272 : vector<16xi32>
    %and3A_274 = arith.constant 127 : i32
    %and3A_275 = vector.broadcast %and3A_274 : i32 to vector<16xi32>
    %and3A_276 = arith.andi %get3A_265, %and3A_275 : vector<16xi32>
    tpu.vector_store_idx %arg15[%add3A_270, %shift_right_logical3A_273, %and3A_276], %broadcast_in_dim3A_32 {add = true} : memref<48x8x128xf32, #tpu.memory_space<vmem>>[vector<16xi32>, vector<16xi32>, vector<16xi32>], vector<16xf32>,
    %get3A_277 = arith.constant 304 : index
    %get3A_278 = tpu.vector_load %arg9[%get3A_277] {strides = array<i32>} : memref<512xi32, #tpu.memory_space<vmem>>, vector<16xi32>,
    %get3A_279 = arith.constant 304 : index
    %get3A_280 = tpu.vector_load %arg10[%get3A_279] {strides = array<i32>} : memref<512xi32, #tpu.memory_space<vmem>>, vector<16xi32>,
    %add3A_281 = arith.constant 0 : i32
    %add3A_282 = vector.broadcast %add3A_281 : i32 to vector<16xi32>
    %add3A_283 = arith.addi %get3A_280, %add3A_282 : vector<16xi32>
    %shift_right_logical3A_284 = arith.constant 7 : i32
    %shift_right_logical3A_285 = vector.broadcast %shift_right_logical3A_284 : i32 to vector<16xi32>
    %shift_right_logical3A_286 = arith.shrui %get3A_278, %shift_right_logical3A_285 : vector<16xi32>
    %and3A_287 = arith.constant 127 : i32
    %and3A_288 = vector.broadcast %and3A_287 : i32 to vector<16xi32>
    %and3A_289 = arith.andi %get3A_278, %and3A_288 : vector<16xi32>
    tpu.vector_store_idx %arg15[%add3A_283, %shift_right_logical3A_286, %and3A_289], %broadcast_in_dim3A_32 {add = true} : memref<48x8x128xf32, #tpu.memory_space<vmem>>[vector<16xi32>, vector<16xi32>, vector<16xi32>], vector<16xf32>,
    %get3A_290 = arith.constant 320 : index
    %get3A_291 = tpu.vector_load %arg9[%get3A_290] {strides = array<i32>} : memref<512xi32, #tpu.memory_space<vmem>>, vector<16xi32>,
    %get3A_292 = arith.constant 320 : index
    %get3A_293 = tpu.vector_load %arg10[%get3A_292] {strides = array<i32>} : memref<512xi32, #tpu.memory_space<vmem>>, vector<16xi32>,
    %add3A_294 = arith.constant 0 : i32
    %add3A_295 = vector.broadcast %add3A_294 : i32 to vector<16xi32>
    %add3A_296 = arith.addi %get3A_293, %add3A_295 : vector<16xi32>
    %shift_right_logical3A_297 = arith.constant 7 : i32
    %shift_right_logical3A_298 = vector.broadcast %shift_right_logical3A_297 : i32 to vector<16xi32>
    %shift_right_logical3A_299 = arith.shrui %get3A_291, %shift_right_logical3A_298 : vector<16xi32>
    %and3A_300 = arith.constant 127 : i32
    %and3A_301 = vector.broadcast %and3A_300 : i32 to vector<16xi32>
    %and3A_302 = arith.andi %get3A_291, %and3A_301 : vector<16xi32>
    tpu.vector_store_idx %arg15[%add3A_296, %shift_right_logical3A_299, %and3A_302], %broadcast_in_dim3A_32 {add = true} : memref<48x8x128xf32, #tpu.memory_space<vmem>>[vector<16xi32>, vector<16xi32>, vector<16xi32>], vector<16xf32>,
    %get3A_303 = arith.constant 336 : index
    %get3A_304 = tpu.vector_load %arg9[%get3A_303] {strides = array<i32>} : memref<512xi32, #tpu.memory_space<vmem>>, vector<16xi32>,
    %get3A_305 = arith.constant 336 : index
    %get3A_306 = tpu.vector_load %arg10[%get3A_305] {strides = array<i32>} : memref<512xi32, #tpu.memory_space<vmem>>, vector<16xi32>,
    %add3A_307 = arith.constant 0 : i32
    %add3A_308 = vector.broadcast %add3A_307 : i32 to vector<16xi32>
    %add3A_309 = arith.addi %get3A_306, %add3A_308 : vector<16xi32>
    %shift_right_logical3A_310 = arith.constant 7 : i32
    %shift_right_logical3A_311 = vector.broadcast %shift_right_logical3A_310 : i32 to vector<16xi32>
    %shift_right_logical3A_312 = arith.shrui %get3A_304, %shift_right_logical3A_311 : vector<16xi32>
    %and3A_313 = arith.constant 127 : i32
    %and3A_314 = vector.broadcast %and3A_313 : i32 to vector<16xi32>
    %and3A_315 = arith.andi %get3A_304, %and3A_314 : vector<16xi32>
    tpu.vector_store_idx %arg15[%add3A_309, %shift_right_logical3A_312, %and3A_315], %broadcast_in_dim3A_32 {add = true} : memref<48x8x128xf32, #tpu.memory_space<vmem>>[vector<16xi32>, vector<16xi32>, vector<16xi32>], vector<16xf32>,
    %get3A_316 = arith.constant 352 : index
    %get3A_317 = tpu.vector_load %arg9[%get3A_316] {strides = array<i32>} : memref<512xi32, #tpu.memory_space<vmem>>, vector<16xi32>,
    %get3A_318 = arith.constant 352 : index
    %get3A_319 = tpu.vector_load %arg10[%get3A_318] {strides = array<i32>} : memref<512xi32, #tpu.memory_space<vmem>>, vector<16xi32>,
    %add3A_320 = arith.constant 0 : i32
    %add3A_321 = vector.broadcast %add3A_320 : i32 to vector<16xi32>
    %add3A_322 = arith.addi %get3A_319, %add3A_321 : vector<16xi32>
    %shift_right_logical3A_323 = arith.constant 7 : i32
    %shift_right_logical3A_324 = vector.broadcast %shift_right_logical3A_323 : i32 to vector<16xi32>
    %shift_right_logical3A_325 = arith.shrui %get3A_317, %shift_right_logical3A_324 : vector<16xi32>
    %and3A_326 = arith.constant 127 : i32
    %and3A_327 = vector.broadcast %and3A_326 : i32 to vector<16xi32>
    %and3A_328 = arith.andi %get3A_317, %and3A_327 : vector<16xi32>
    tpu.vector_store_idx %arg15[%add3A_322, %shift_right_logical3A_325, %and3A_328], %broadcast_in_dim3A_32 {add = true} : memref<48x8x128xf32, #tpu.memory_space<vmem>>[vector<16xi32>, vector<16xi32>, vector<16xi32>], vector<16xf32>,
    %get3A_329 = arith.constant 368 : index
    %get3A_330 = tpu.vector_load %arg9[%get3A_329] {strides = array<i32>} : memref<512xi32, #tpu.memory_space<vmem>>, vector<16xi32>,
    %get3A_331 = arith.constant 368 : index
    %get3A_332 = tpu.vector_load %arg10[%get3A_331] {strides = array<i32>} : memref<512xi32, #tpu.memory_space<vmem>>, vector<16xi32>,
    %add3A_333 = arith.constant 0 : i32
    %add3A_334 = vector.broadcast %add3A_333 : i32 to vector<16xi32>
    %add3A_335 = arith.addi %get3A_332, %add3A_334 : vector<16xi32>
    %shift_right_logical3A_336 = arith.constant 7 : i32
    %shift_right_logical3A_337 = vector.broadcast %shift_right_logical3A_336 : i32 to vector<16xi32>
    %shift_right_logical3A_338 = arith.shrui %get3A_330, %shift_right_logical3A_337 : vector<16xi32>
    %and3A_339 = arith.constant 127 : i32
    %and3A_340 = vector.broadcast %and3A_339 : i32 to vector<16xi32>
    %and3A_341 = arith.andi %get3A_330, %and3A_340 : vector<16xi32>
    tpu.vector_store_idx %arg15[%add3A_335, %shift_right_logical3A_338, %and3A_341], %broadcast_in_dim3A_32 {add = true} : memref<48x8x128xf32, #tpu.memory_space<vmem>>[vector<16xi32>, vector<16xi32>, vector<16xi32>], vector<16xf32>,
    %get3A_342 = arith.constant 384 : index
    %get3A_343 = tpu.vector_load %arg9[%get3A_342] {strides = array<i32>} : memref<512xi32, #tpu.memory_space<vmem>>, vector<16xi32>,
    %get3A_344 = arith.constant 384 : index
    %get3A_345 = tpu.vector_load %arg10[%get3A_344] {strides = array<i32>} : memref<512xi32, #tpu.memory_space<vmem>>, vector<16xi32>,
    %add3A_346 = arith.constant 0 : i32
    %add3A_347 = vector.broadcast %add3A_346 : i32 to vector<16xi32>
    %add3A_348 = arith.addi %get3A_345, %add3A_347 : vector<16xi32>
    %shift_right_logical3A_349 = arith.constant 7 : i32
    %shift_right_logical3A_350 = vector.broadcast %shift_right_logical3A_349 : i32 to vector<16xi32>
    %shift_right_logical3A_351 = arith.shrui %get3A_343, %shift_right_logical3A_350 : vector<16xi32>
    %and3A_352 = arith.constant 127 : i32
    %and3A_353 = vector.broadcast %and3A_352 : i32 to vector<16xi32>
    %and3A_354 = arith.andi %get3A_343, %and3A_353 : vector<16xi32>
    tpu.vector_store_idx %arg15[%add3A_348, %shift_right_logical3A_351, %and3A_354], %broadcast_in_dim3A_32 {add = true} : memref<48x8x128xf32, #tpu.memory_space<vmem>>[vector<16xi32>, vector<16xi32>, vector<16xi32>], vector<16xf32>,
    %get3A_355 = arith.constant 400 : index
    %get3A_356 = tpu.vector_load %arg9[%get3A_355] {strides = array<i32>} : memref<512xi32, #tpu.memory_space<vmem>>, vector<16xi32>,
    %get3A_357 = arith.constant 400 : index
    %get3A_358 = tpu.vector_load %arg10[%get3A_357] {strides = array<i32>} : memref<512xi32, #tpu.memory_space<vmem>>, vector<16xi32>,
    %add3A_359 = arith.constant 0 : i32
    %add3A_360 = vector.broadcast %add3A_359 : i32 to vector<16xi32>
    %add3A_361 = arith.addi %get3A_358, %add3A_360 : vector<16xi32>
    %shift_right_logical3A_362 = arith.constant 7 : i32
    %shift_right_logical3A_363 = vector.broadcast %shift_right_logical3A_362 : i32 to vector<16xi32>
    %shift_right_logical3A_364 = arith.shrui %get3A_356, %shift_right_logical3A_363 : vector<16xi32>
    %and3A_365 = arith.constant 127 : i32
    %and3A_366 = vector.broadcast %and3A_365 : i32 to vector<16xi32>
    %and3A_367 = arith.andi %get3A_356, %and3A_366 : vector<16xi32>
    tpu.vector_store_idx %arg15[%add3A_361, %shift_right_logical3A_364, %and3A_367], %broadcast_in_dim3A_32 {add = true} : memref<48x8x128xf32, #tpu.memory_space<vmem>>[vector<16xi32>, vector<16xi32>, vector<16xi32>], vector<16xf32>,
    %get3A_368 = arith.constant 416 : index
    %get3A_369 = tpu.vector_load %arg9[%get3A_368] {strides = array<i32>} : memref<512xi32, #tpu.memory_space<vmem>>, vector<16xi32>,
    %get3A_370 = arith.constant 416 : index
    %get3A_371 = tpu.vector_load %arg10[%get3A_370] {strides = array<i32>} : memref<512xi32, #tpu.memory_space<vmem>>, vector<16xi32>,
    %add3A_372 = arith.constant 0 : i32
    %add3A_373 = vector.broadcast %add3A_372 : i32 to vector<16xi32>
    %add3A_374 = arith.addi %get3A_371, %add3A_373 : vector<16xi32>
    %shift_right_logical3A_375 = arith.constant 7 : i32
    %shift_right_logical3A_376 = vector.broadcast %shift_right_logical3A_375 : i32 to vector<16xi32>
    %shift_right_logical3A_377 = arith.shrui %get3A_369, %shift_right_logical3A_376 : vector<16xi32>
    %and3A_378 = arith.constant 127 : i32
    %and3A_379 = vector.broadcast %and3A_378 : i32 to vector<16xi32>
    %and3A_380 = arith.andi %get3A_369, %and3A_379 : vector<16xi32>
    tpu.vector_store_idx %arg15[%add3A_374, %shift_right_logical3A_377, %and3A_380], %broadcast_in_dim3A_32 {add = true} : memref<48x8x128xf32, #tpu.memory_space<vmem>>[vector<16xi32>, vector<16xi32>, vector<16xi32>], vector<16xf32>,
    %get3A_381 = arith.constant 432 : index
    %get3A_382 = tpu.vector_load %arg9[%get3A_381] {strides = array<i32>} : memref<512xi32, #tpu.memory_space<vmem>>, vector<16xi32>,
    %get3A_383 = arith.constant 432 : index
    %get3A_384 = tpu.vector_load %arg10[%get3A_383] {strides = array<i32>} : memref<512xi32, #tpu.memory_space<vmem>>, vector<16xi32>,
    %add3A_385 = arith.constant 0 : i32
    %add3A_386 = vector.broadcast %add3A_385 : i32 to vector<16xi32>
    %add3A_387 = arith.addi %get3A_384, %add3A_386 : vector<16xi32>
    %shift_right_logical3A_388 = arith.constant 7 : i32
    %shift_right_logical3A_389 = vector.broadcast %shift_right_logical3A_388 : i32 to vector<16xi32>
    %shift_right_logical3A_390 = arith.shrui %get3A_382, %shift_right_logical3A_389 : vector<16xi32>
    %and3A_391 = arith.constant 127 : i32
    %and3A_392 = vector.broadcast %and3A_391 : i32 to vector<16xi32>
    %and3A_393 = arith.andi %get3A_382, %and3A_392 : vector<16xi32>
    tpu.vector_store_idx %arg15[%add3A_387, %shift_right_logical3A_390, %and3A_393], %broadcast_in_dim3A_32 {add = true} : memref<48x8x128xf32, #tpu.memory_space<vmem>>[vector<16xi32>, vector<16xi32>, vector<16xi32>], vector<16xf32>,
    %get3A_394 = arith.constant 448 : index
    %get3A_395 = tpu.vector_load %arg9[%get3A_394] {strides = array<i32>} : memref<512xi32, #tpu.memory_space<vmem>>, vector<16xi32>,
    %get3A_396 = arith.constant 448 : index
    %get3A_397 = tpu.vector_load %arg10[%get3A_396] {strides = array<i32>} : memref<512xi32, #tpu.memory_space<vmem>>, vector<16xi32>,
    %add3A_398 = arith.constant 0 : i32
    %add3A_399 = vector.broadcast %add3A_398 : i32 to vector<16xi32>
    %add3A_400 = arith.addi %get3A_397, %add3A_399 : vector<16xi32>
    %shift_right_logical3A_401 = arith.constant 7 : i32
    %shift_right_logical3A_402 = vector.broadcast %shift_right_logical3A_401 : i32 to vector<16xi32>
    %shift_right_logical3A_403 = arith.shrui %get3A_395, %shift_right_logical3A_402 : vector<16xi32>
    %and3A_404 = arith.constant 127 : i32
    %and3A_405 = vector.broadcast %and3A_404 : i32 to vector<16xi32>
    %and3A_406 = arith.andi %get3A_395, %and3A_405 : vector<16xi32>
    tpu.vector_store_idx %arg15[%add3A_400, %shift_right_logical3A_403, %and3A_406], %broadcast_in_dim3A_32 {add = true} : memref<48x8x128xf32, #tpu.memory_space<vmem>>[vector<16xi32>, vector<16xi32>, vector<16xi32>], vector<16xf32>,
    %get3A_407 = arith.constant 464 : index
    %get3A_408 = tpu.vector_load %arg9[%get3A_407] {strides = array<i32>} : memref<512xi32, #tpu.memory_space<vmem>>, vector<16xi32>,
    %get3A_409 = arith.constant 464 : index
    %get3A_410 = tpu.vector_load %arg10[%get3A_409] {strides = array<i32>} : memref<512xi32, #tpu.memory_space<vmem>>, vector<16xi32>,
    %add3A_411 = arith.constant 0 : i32
    %add3A_412 = vector.broadcast %add3A_411 : i32 to vector<16xi32>
    %add3A_413 = arith.addi %get3A_410, %add3A_412 : vector<16xi32>
    %shift_right_logical3A_414 = arith.constant 7 : i32
    %shift_right_logical3A_415 = vector.broadcast %shift_right_logical3A_414 : i32 to vector<16xi32>
    %shift_right_logical3A_416 = arith.shrui %get3A_408, %shift_right_logical3A_415 : vector<16xi32>
    %and3A_417 = arith.constant 127 : i32
    %and3A_418 = vector.broadcast %and3A_417 : i32 to vector<16xi32>
    %and3A_419 = arith.andi %get3A_408, %and3A_418 : vector<16xi32>
    tpu.vector_store_idx %arg15[%add3A_413, %shift_right_logical3A_416, %and3A_419], %broadcast_in_dim3A_32 {add = true} : memref<48x8x128xf32, #tpu.memory_space<vmem>>[vector<16xi32>, vector<16xi32>, vector<16xi32>], vector<16xf32>,
    %get3A_420 = arith.constant 480 : index
    %get3A_421 = tpu.vector_load %arg9[%get3A_420] {strides = array<i32>} : memref<512xi32, #tpu.memory_space<vmem>>, vector<16xi32>,
    %get3A_422 = arith.constant 480 : index
    %get3A_423 = tpu.vector_load %arg10[%get3A_422] {strides = array<i32>} : memref<512xi32, #tpu.memory_space<vmem>>, vector<16xi32>,
    %add3A_424 = arith.constant 0 : i32
    %add3A_425 = vector.broadcast %add3A_424 : i32 to vector<16xi32>
    %add3A_426 = arith.addi %get3A_423, %add3A_425 : vector<16xi32>
    %shift_right_logical3A_427 = arith.constant 7 : i32
    %shift_right_logical3A_428 = vector.broadcast %shift_right_logical3A_427 : i32 to vector<16xi32>
    %shift_right_logical3A_429 = arith.shrui %get3A_421, %shift_right_logical3A_428 : vector<16xi32>
    %and3A_430 = arith.constant 127 : i32
    %and3A_431 = vector.broadcast %and3A_430 : i32 to vector<16xi32>
    %and3A_432 = arith.andi %get3A_421, %and3A_431 : vector<16xi32>
    tpu.vector_store_idx %arg15[%add3A_426, %shift_right_logical3A_429, %and3A_432], %broadcast_in_dim3A_32 {add = true} : memref<48x8x128xf32, #tpu.memory_space<vmem>>[vector<16xi32>, vector<16xi32>, vector<16xi32>], vector<16xf32>,
    %get3A_433 = arith.constant 496 : index
    %get3A_434 = tpu.vector_load %arg9[%get3A_433] {strides = array<i32>} : memref<512xi32, #tpu.memory_space<vmem>>, vector<16xi32>,
    %get3A_435 = arith.constant 496 : index
    %get3A_436 = tpu.vector_load %arg10[%get3A_435] {strides = array<i32>} : memref<512xi32, #tpu.memory_space<vmem>>, vector<16xi32>,
    %add3A_437 = arith.constant 0 : i32
    %add3A_438 = vector.broadcast %add3A_437 : i32 to vector<16xi32>
    %add3A_439 = arith.addi %get3A_436, %add3A_438 : vector<16xi32>
    %shift_right_logical3A_440 = arith.constant 7 : i32
    %shift_right_logical3A_441 = vector.broadcast %shift_right_logical3A_440 : i32 to vector<16xi32>
    %shift_right_logical3A_442 = arith.shrui %get3A_434, %shift_right_logical3A_441 : vector<16xi32>
    %and3A_443 = arith.constant 127 : i32
    %and3A_444 = vector.broadcast %and3A_443 : i32 to vector<16xi32>
    %and3A_445 = arith.andi %get3A_434, %and3A_444 : vector<16xi32>
    tpu.vector_store_idx %arg15[%add3A_439, %shift_right_logical3A_442, %and3A_445], %broadcast_in_dim3A_32 {add = true} : memref<48x8x128xf32, #tpu.memory_space<vmem>>[vector<16xi32>, vector<16xi32>, vector<16xi32>], vector<16xf32>,
    %dma_start3A_446 = arith.constant 0 : i32
    %dma_start3A_447 = arith.constant 0 : i32
    %dma_start3A_448 = arith.constant 0 : i32
    %dma_start3A_449 = tpu.memref_slice %arg15[%dma_start3A_446, %dma_start3A_447, %dma_start3A_448] : memref<48x8x128xf32, #tpu.memory_space<vmem>> -> memref<16x8x128xf32, #tpu.memory_space<vmem>>
    %dma_start3A_450 = arith.constant 0 : i32
    %dma_start3A_451 = arith.constant 0 : i32
    %dma_start3A_452 = arith.constant 0 : i32
    %dma_start3A_453 = tpu.memref_slice %arg8[%add3A, %dma_start3A_450, %dma_start3A_451, %dma_start3A_452] : memref<32x48x8x128xf32, #tpu.memory_space<hbm>> -> memref<1x16x8x128xf32, #tpu.memory_space<hbm>>
    %dma_start3A_454 = tpu.memref_squeeze %dma_start3A_453 : memref<1x16x8x128xf32, #tpu.memory_space<hbm>> -> memref<16x8x128xf32, #tpu.memory_space<hbm>>
    %dma_start3A_455 = arith.constant 0 : i32
    %dma_start3A_456 = arith.constant 0 : i32
    %dma_start3A_457 = arith.constant 0 : i32
    %dma_start3A_458 = tpu.memref_slice %arg8[%add3A, %dma_start3A_455, %dma_start3A_456, %dma_start3A_457] : memref<32x48x8x128xf32, #tpu.memory_space<hbm>> -> memref<1x16x8x128xf32, #tpu.memory_space<hbm>>
    %dma_start3A_459 = tpu.memref_squeeze %dma_start3A_458 : memref<1x16x8x128xf32, #tpu.memory_space<hbm>> -> memref<16x8x128xf32, #tpu.memory_space<hbm>>
    %dma_start3A_460 = arith.constant 0 : i32
    %dma_start3A_461 = arith.constant 0 : i32
    %dma_start3A_462 = arith.constant 0 : i32
    %dma_start3A_463 = tpu.memref_slice %arg15[%dma_start3A_460, %dma_start3A_461, %dma_start3A_462] : memref<48x8x128xf32, #tpu.memory_space<vmem>> -> memref<16x8x128xf32, #tpu.memory_space<vmem>>
    tpu.enqueue_dma source(%dma_start3A_463 : memref<16x8x128xf32, #tpu.memory_space<vmem>>) target(%dma_start3A_459 : memref<16x8x128xf32, #tpu.memory_space<hbm>>) target_semaphore(%arg16 : memref<!tpu.dma_semaphore, #tpu.memory_space<semaphore_mem>>)
    %get3A_464 = arith.constant 0 : index
    %get3A_465 = tpu.vector_load %arg11[%get3A_464] {strides = array<i32>} : memref<512xi32, #tpu.memory_space<vmem>>, vector<16xi32>,
    %get3A_466 = arith.constant 0 : index
    %get3A_467 = tpu.vector_load %arg12[%get3A_466] {strides = array<i32>} : memref<512xi32, #tpu.memory_space<vmem>>, vector<16xi32>,
    %add3A_468 = arith.constant 16 : i32
    %add3A_469 = vector.broadcast %add3A_468 : i32 to vector<16xi32>
    %add3A_470 = arith.addi %get3A_467, %add3A_469 : vector<16xi32>
    %shift_right_logical3A_471 = arith.constant 7 : i32
    %shift_right_logical3A_472 = vector.broadcast %shift_right_logical3A_471 : i32 to vector<16xi32>
    %shift_right_logical3A_473 = arith.shrui %get3A_465, %shift_right_logical3A_472 : vector<16xi32>
    %and3A_474 = arith.constant 127 : i32
    %and3A_475 = vector.broadcast %and3A_474 : i32 to vector<16xi32>
    %and3A_476 = arith.andi %get3A_465, %and3A_475 : vector<16xi32>
    tpu.vector_store_idx %arg15[%add3A_470, %shift_right_logical3A_473, %and3A_476], %broadcast_in_dim3A_32 {add = true} : memref<48x8x128xf32, #tpu.memory_space<vmem>>[vector<16xi32>, vector<16xi32>, vector<16xi32>], vector<16xf32>,
    %get3A_477 = arith.constant 16 : index
    %get3A_478 = tpu.vector_load %arg11[%get3A_477] {strides = array<i32>} : memref<512xi32, #tpu.memory_space<vmem>>, vector<16xi32>,
    %get3A_479 = arith.constant 16 : index
    %get3A_480 = tpu.vector_load %arg12[%get3A_479] {strides = array<i32>} : memref<512xi32, #tpu.memory_space<vmem>>, vector<16xi32>,
    %add3A_481 = arith.constant 16 : i32
    %add3A_482 = vector.broadcast %add3A_481 : i32 to vector<16xi32>
    %add3A_483 = arith.addi %get3A_480, %add3A_482 : vector<16xi32>
    %shift_right_logical3A_484 = arith.constant 7 : i32
    %shift_right_logical3A_485 = vector.broadcast %shift_right_logical3A_484 : i32 to vector<16xi32>
    %shift_right_logical3A_486 = arith.shrui %get3A_478, %shift_right_logical3A_485 : vector<16xi32>
    %and3A_487 = arith.constant 127 : i32
    %and3A_488 = vector.broadcast %and3A_487 : i32 to vector<16xi32>
    %and3A_489 = arith.andi %get3A_478, %and3A_488 : vector<16xi32>
    tpu.vector_store_idx %arg15[%add3A_483, %shift_right_logical3A_486, %and3A_489], %broadcast_in_dim3A_32 {add = true} : memref<48x8x128xf32, #tpu.memory_space<vmem>>[vector<16xi32>, vector<16xi32>, vector<16xi32>], vector<16xf32>,
    %get3A_490 = arith.constant 32 : index
    %get3A_491 = tpu.vector_load %arg11[%get3A_490] {strides = array<i32>} : memref<512xi32, #tpu.memory_space<vmem>>, vector<16xi32>,
    %get3A_492 = arith.constant 32 : index
    %get3A_493 = tpu.vector_load %arg12[%get3A_492] {strides = array<i32>} : memref<512xi32, #tpu.memory_space<vmem>>, vector<16xi32>,
    %add3A_494 = arith.constant 16 : i32
    %add3A_495 = vector.broadcast %add3A_494 : i32 to vector<16xi32>
    %add3A_496 = arith.addi %get3A_493, %add3A_495 : vector<16xi32>
    %shift_right_logical3A_497 = arith.constant 7 : i32
    %shift_right_logical3A_498 = vector.broadcast %shift_right_logical3A_497 : i32 to vector<16xi32>
    %shift_right_logical3A_499 = arith.shrui %get3A_491, %shift_right_logical3A_498 : vector<16xi32>
    %and3A_500 = arith.constant 127 : i32
    %and3A_501 = vector.broadcast %and3A_500 : i32 to vector<16xi32>
    %and3A_502 = arith.andi %get3A_491, %and3A_501 : vector<16xi32>
    tpu.vector_store_idx %arg15[%add3A_496, %shift_right_logical3A_499, %and3A_502], %broadcast_in_dim3A_32 {add = true} : memref<48x8x128xf32, #tpu.memory_space<vmem>>[vector<16xi32>, vector<16xi32>, vector<16xi32>], vector<16xf32>,
    %get3A_503 = arith.constant 48 : index
    %get3A_504 = tpu.vector_load %arg11[%get3A_503] {strides = array<i32>} : memref<512xi32, #tpu.memory_space<vmem>>, vector<16xi32>,
    %get3A_505 = arith.constant 48 : index
    %get3A_506 = tpu.vector_load %arg12[%get3A_505] {strides = array<i32>} : memref<512xi32, #tpu.memory_space<vmem>>, vector<16xi32>,
    %add3A_507 = arith.constant 16 : i32
    %add3A_508 = vector.broadcast %add3A_507 : i32 to vector<16xi32>
    %add3A_509 = arith.addi %get3A_506, %add3A_508 : vector<16xi32>
    %shift_right_logical3A_510 = arith.constant 7 : i32
    %shift_right_logical3A_511 = vector.broadcast %shift_right_logical3A_510 : i32 to vector<16xi32>
    %shift_right_logical3A_512 = arith.shrui %get3A_504, %shift_right_logical3A_511 : vector<16xi32>
    %and3A_513 = arith.constant 127 : i32
    %and3A_514 = vector.broadcast %and3A_513 : i32 to vector<16xi32>
    %and3A_515 = arith.andi %get3A_504, %and3A_514 : vector<16xi32>
    tpu.vector_store_idx %arg15[%add3A_509, %shift_right_logical3A_512, %and3A_515], %broadcast_in_dim3A_32 {add = true} : memref<48x8x128xf32, #tpu.memory_space<vmem>>[vector<16xi32>, vector<16xi32>, vector<16xi32>], vector<16xf32>,
    %get3A_516 = arith.constant 64 : index
    %get3A_517 = tpu.vector_load %arg11[%get3A_516] {strides = array<i32>} : memref<512xi32, #tpu.memory_space<vmem>>, vector<16xi32>,
    %get3A_518 = arith.constant 64 : index
    %get3A_519 = tpu.vector_load %arg12[%get3A_518] {strides = array<i32>} : memref<512xi32, #tpu.memory_space<vmem>>, vector<16xi32>,
    %add3A_520 = arith.constant 16 : i32
    %add3A_521 = vector.broadcast %add3A_520 : i32 to vector<16xi32>
    %add3A_522 = arith.addi %get3A_519, %add3A_521 : vector<16xi32>
    %shift_right_logical3A_523 = arith.constant 7 : i32
    %shift_right_logical3A_524 = vector.broadcast %shift_right_logical3A_523 : i32 to vector<16xi32>
    %shift_right_logical3A_525 = arith.shrui %get3A_517, %shift_right_logical3A_524 : vector<16xi32>
    %and3A_526 = arith.constant 127 : i32
    %and3A_527 = vector.broadcast %and3A_526 : i32 to vector<16xi32>
    %and3A_528 = arith.andi %get3A_517, %and3A_527 : vector<16xi32>
    tpu.vector_store_idx %arg15[%add3A_522, %shift_right_logical3A_525, %and3A_528], %broadcast_in_dim3A_32 {add = true} : memref<48x8x128xf32, #tpu.memory_space<vmem>>[vector<16xi32>, vector<16xi32>, vector<16xi32>], vector<16xf32>,
    %get3A_529 = arith.constant 80 : index
    %get3A_530 = tpu.vector_load %arg11[%get3A_529] {strides = array<i32>} : memref<512xi32, #tpu.memory_space<vmem>>, vector<16xi32>,
    %get3A_531 = arith.constant 80 : index
    %get3A_532 = tpu.vector_load %arg12[%get3A_531] {strides = array<i32>} : memref<512xi32, #tpu.memory_space<vmem>>, vector<16xi32>,
    %add3A_533 = arith.constant 16 : i32
    %add3A_534 = vector.broadcast %add3A_533 : i32 to vector<16xi32>
    %add3A_535 = arith.addi %get3A_532, %add3A_534 : vector<16xi32>
    %shift_right_logical3A_536 = arith.constant 7 : i32
    %shift_right_logical3A_537 = vector.broadcast %shift_right_logical3A_536 : i32 to vector<16xi32>
    %shift_right_logical3A_538 = arith.shrui %get3A_530, %shift_right_logical3A_537 : vector<16xi32>
    %and3A_539 = arith.constant 127 : i32
    %and3A_540 = vector.broadcast %and3A_539 : i32 to vector<16xi32>
    %and3A_541 = arith.andi %get3A_530, %and3A_540 : vector<16xi32>
    tpu.vector_store_idx %arg15[%add3A_535, %shift_right_logical3A_538, %and3A_541], %broadcast_in_dim3A_32 {add = true} : memref<48x8x128xf32, #tpu.memory_space<vmem>>[vector<16xi32>, vector<16xi32>, vector<16xi32>], vector<16xf32>,
    %get3A_542 = arith.constant 96 : index
    %get3A_543 = tpu.vector_load %arg11[%get3A_542] {strides = array<i32>} : memref<512xi32, #tpu.memory_space<vmem>>, vector<16xi32>,
    %get3A_544 = arith.constant 96 : index
    %get3A_545 = tpu.vector_load %arg12[%get3A_544] {strides = array<i32>} : memref<512xi32, #tpu.memory_space<vmem>>, vector<16xi32>,
    %add3A_546 = arith.constant 16 : i32
    %add3A_547 = vector.broadcast %add3A_546 : i32 to vector<16xi32>
    %add3A_548 = arith.addi %get3A_545, %add3A_547 : vector<16xi32>
    %shift_right_logical3A_549 = arith.constant 7 : i32
    %shift_right_logical3A_550 = vector.broadcast %shift_right_logical3A_549 : i32 to vector<16xi32>
    %shift_right_logical3A_551 = arith.shrui %get3A_543, %shift_right_logical3A_550 : vector<16xi32>
    %and3A_552 = arith.constant 127 : i32
    %and3A_553 = vector.broadcast %and3A_552 : i32 to vector<16xi32>
    %and3A_554 = arith.andi %get3A_543, %and3A_553 : vector<16xi32>
    tpu.vector_store_idx %arg15[%add3A_548, %shift_right_logical3A_551, %and3A_554], %broadcast_in_dim3A_32 {add = true} : memref<48x8x128xf32, #tpu.memory_space<vmem>>[vector<16xi32>, vector<16xi32>, vector<16xi32>], vector<16xf32>,
    %get3A_555 = arith.constant 112 : index
    %get3A_556 = tpu.vector_load %arg11[%get3A_555] {strides = array<i32>} : memref<512xi32, #tpu.memory_space<vmem>>, vector<16xi32>,
    %get3A_557 = arith.constant 112 : index
    %get3A_558 = tpu.vector_load %arg12[%get3A_557] {strides = array<i32>} : memref<512xi32, #tpu.memory_space<vmem>>, vector<16xi32>,
    %add3A_559 = arith.constant 16 : i32
    %add3A_560 = vector.broadcast %add3A_559 : i32 to vector<16xi32>
    %add3A_561 = arith.addi %get3A_558, %add3A_560 : vector<16xi32>
    %shift_right_logical3A_562 = arith.constant 7 : i32
    %shift_right_logical3A_563 = vector.broadcast %shift_right_logical3A_562 : i32 to vector<16xi32>
    %shift_right_logical3A_564 = arith.shrui %get3A_556, %shift_right_logical3A_563 : vector<16xi32>
    %and3A_565 = arith.constant 127 : i32
    %and3A_566 = vector.broadcast %and3A_565 : i32 to vector<16xi32>
    %and3A_567 = arith.andi %get3A_556, %and3A_566 : vector<16xi32>
    tpu.vector_store_idx %arg15[%add3A_561, %shift_right_logical3A_564, %and3A_567], %broadcast_in_dim3A_32 {add = true} : memref<48x8x128xf32, #tpu.memory_space<vmem>>[vector<16xi32>, vector<16xi32>, vector<16xi32>], vector<16xf32>,
    %get3A_568 = arith.constant 128 : index
    %get3A_569 = tpu.vector_load %arg11[%get3A_568] {strides = array<i32>} : memref<512xi32, #tpu.memory_space<vmem>>, vector<16xi32>,
    %get3A_570 = arith.constant 128 : index
    %get3A_571 = tpu.vector_load %arg12[%get3A_570] {strides = array<i32>} : memref<512xi32, #tpu.memory_space<vmem>>, vector<16xi32>,
    %add3A_572 = arith.constant 16 : i32
    %add3A_573 = vector.broadcast %add3A_572 : i32 to vector<16xi32>
    %add3A_574 = arith.addi %get3A_571, %add3A_573 : vector<16xi32>
    %shift_right_logical3A_575 = arith.constant 7 : i32
    %shift_right_logical3A_576 = vector.broadcast %shift_right_logical3A_575 : i32 to vector<16xi32>
    %shift_right_logical3A_577 = arith.shrui %get3A_569, %shift_right_logical3A_576 : vector<16xi32>
    %and3A_578 = arith.constant 127 : i32
    %and3A_579 = vector.broadcast %and3A_578 : i32 to vector<16xi32>
    %and3A_580 = arith.andi %get3A_569, %and3A_579 : vector<16xi32>
    tpu.vector_store_idx %arg15[%add3A_574, %shift_right_logical3A_577, %and3A_580], %broadcast_in_dim3A_32 {add = true} : memref<48x8x128xf32, #tpu.memory_space<vmem>>[vector<16xi32>, vector<16xi32>, vector<16xi32>], vector<16xf32>,
    %get3A_581 = arith.constant 144 : index
    %get3A_582 = tpu.vector_load %arg11[%get3A_581] {strides = array<i32>} : memref<512xi32, #tpu.memory_space<vmem>>, vector<16xi32>,
    %get3A_583 = arith.constant 144 : index
    %get3A_584 = tpu.vector_load %arg12[%get3A_583] {strides = array<i32>} : memref<512xi32, #tpu.memory_space<vmem>>, vector<16xi32>,
    %add3A_585 = arith.constant 16 : i32
    %add3A_586 = vector.broadcast %add3A_585 : i32 to vector<16xi32>
    %add3A_587 = arith.addi %get3A_584, %add3A_586 : vector<16xi32>
    %shift_right_logical3A_588 = arith.constant 7 : i32
    %shift_right_logical3A_589 = vector.broadcast %shift_right_logical3A_588 : i32 to vector<16xi32>
    %shift_right_logical3A_590 = arith.shrui %get3A_582, %shift_right_logical3A_589 : vector<16xi32>
    %and3A_591 = arith.constant 127 : i32
    %and3A_592 = vector.broadcast %and3A_591 : i32 to vector<16xi32>
    %and3A_593 = arith.andi %get3A_582, %and3A_592 : vector<16xi32>
    tpu.vector_store_idx %arg15[%add3A_587, %shift_right_logical3A_590, %and3A_593], %broadcast_in_dim3A_32 {add = true} : memref<48x8x128xf32, #tpu.memory_space<vmem>>[vector<16xi32>, vector<16xi32>, vector<16xi32>], vector<16xf32>,
    %get3A_594 = arith.constant 160 : index
    %get3A_595 = tpu.vector_load %arg11[%get3A_594] {strides = array<i32>} : memref<512xi32, #tpu.memory_space<vmem>>, vector<16xi32>,
    %get3A_596 = arith.constant 160 : index
    %get3A_597 = tpu.vector_load %arg12[%get3A_596] {strides = array<i32>} : memref<512xi32, #tpu.memory_space<vmem>>, vector<16xi32>,
    %add3A_598 = arith.constant 16 : i32
    %add3A_599 = vector.broadcast %add3A_598 : i32 to vector<16xi32>
    %add3A_600 = arith.addi %get3A_597, %add3A_599 : vector<16xi32>
    %shift_right_logical3A_601 = arith.constant 7 : i32
    %shift_right_logical3A_602 = vector.broadcast %shift_right_logical3A_601 : i32 to vector<16xi32>
    %shift_right_logical3A_603 = arith.shrui %get3A_595, %shift_right_logical3A_602 : vector<16xi32>
    %and3A_604 = arith.constant 127 : i32
    %and3A_605 = vector.broadcast %and3A_604 : i32 to vector<16xi32>
    %and3A_606 = arith.andi %get3A_595, %and3A_605 : vector<16xi32>
    tpu.vector_store_idx %arg15[%add3A_600, %shift_right_logical3A_603, %and3A_606], %broadcast_in_dim3A_32 {add = true} : memref<48x8x128xf32, #tpu.memory_space<vmem>>[vector<16xi32>, vector<16xi32>, vector<16xi32>], vector<16xf32>,
    %get3A_607 = arith.constant 176 : index
    %get3A_608 = tpu.vector_load %arg11[%get3A_607] {strides = array<i32>} : memref<512xi32, #tpu.memory_space<vmem>>, vector<16xi32>,
    %get3A_609 = arith.constant 176 : index
    %get3A_610 = tpu.vector_load %arg12[%get3A_609] {strides = array<i32>} : memref<512xi32, #tpu.memory_space<vmem>>, vector<16xi32>,
    %add3A_611 = arith.constant 16 : i32
    %add3A_612 = vector.broadcast %add3A_611 : i32 to vector<16xi32>
    %add3A_613 = arith.addi %get3A_610, %add3A_612 : vector<16xi32>
    %shift_right_logical3A_614 = arith.constant 7 : i32
    %shift_right_logical3A_615 = vector.broadcast %shift_right_logical3A_614 : i32 to vector<16xi32>
    %shift_right_logical3A_616 = arith.shrui %get3A_608, %shift_right_logical3A_615 : vector<16xi32>
    %and3A_617 = arith.constant 127 : i32
    %and3A_618 = vector.broadcast %and3A_617 : i32 to vector<16xi32>
    %and3A_619 = arith.andi %get3A_608, %and3A_618 : vector<16xi32>
    tpu.vector_store_idx %arg15[%add3A_613, %shift_right_logical3A_616, %and3A_619], %broadcast_in_dim3A_32 {add = true} : memref<48x8x128xf32, #tpu.memory_space<vmem>>[vector<16xi32>, vector<16xi32>, vector<16xi32>], vector<16xf32>,
    %get3A_620 = arith.constant 192 : index
    %get3A_621 = tpu.vector_load %arg11[%get3A_620] {strides = array<i32>} : memref<512xi32, #tpu.memory_space<vmem>>, vector<16xi32>,
    %get3A_622 = arith.constant 192 : index
    %get3A_623 = tpu.vector_load %arg12[%get3A_622] {strides = array<i32>} : memref<512xi32, #tpu.memory_space<vmem>>, vector<16xi32>,
    %add3A_624 = arith.constant 16 : i32
    %add3A_625 = vector.broadcast %add3A_624 : i32 to vector<16xi32>
    %add3A_626 = arith.addi %get3A_623, %add3A_625 : vector<16xi32>
    %shift_right_logical3A_627 = arith.constant 7 : i32
    %shift_right_logical3A_628 = vector.broadcast %shift_right_logical3A_627 : i32 to vector<16xi32>
    %shift_right_logical3A_629 = arith.shrui %get3A_621, %shift_right_logical3A_628 : vector<16xi32>
    %and3A_630 = arith.constant 127 : i32
    %and3A_631 = vector.broadcast %and3A_630 : i32 to vector<16xi32>
    %and3A_632 = arith.andi %get3A_621, %and3A_631 : vector<16xi32>
    tpu.vector_store_idx %arg15[%add3A_626, %shift_right_logical3A_629, %and3A_632], %broadcast_in_dim3A_32 {add = true} : memref<48x8x128xf32, #tpu.memory_space<vmem>>[vector<16xi32>, vector<16xi32>, vector<16xi32>], vector<16xf32>,
    %get3A_633 = arith.constant 208 : index
    %get3A_634 = tpu.vector_load %arg11[%get3A_633] {strides = array<i32>} : memref<512xi32, #tpu.memory_space<vmem>>, vector<16xi32>,
    %get3A_635 = arith.constant 208 : index
    %get3A_636 = tpu.vector_load %arg12[%get3A_635] {strides = array<i32>} : memref<512xi32, #tpu.memory_space<vmem>>, vector<16xi32>,
    %add3A_637 = arith.constant 16 : i32
    %add3A_638 = vector.broadcast %add3A_637 : i32 to vector<16xi32>
    %add3A_639 = arith.addi %get3A_636, %add3A_638 : vector<16xi32>
    %shift_right_logical3A_640 = arith.constant 7 : i32
    %shift_right_logical3A_641 = vector.broadcast %shift_right_logical3A_640 : i32 to vector<16xi32>
    %shift_right_logical3A_642 = arith.shrui %get3A_634, %shift_right_logical3A_641 : vector<16xi32>
    %and3A_643 = arith.constant 127 : i32
    %and3A_644 = vector.broadcast %and3A_643 : i32 to vector<16xi32>
    %and3A_645 = arith.andi %get3A_634, %and3A_644 : vector<16xi32>
    tpu.vector_store_idx %arg15[%add3A_639, %shift_right_logical3A_642, %and3A_645], %broadcast_in_dim3A_32 {add = true} : memref<48x8x128xf32, #tpu.memory_space<vmem>>[vector<16xi32>, vector<16xi32>, vector<16xi32>], vector<16xf32>,
    %get3A_646 = arith.constant 224 : index
    %get3A_647 = tpu.vector_load %arg11[%get3A_646] {strides = array<i32>} : memref<512xi32, #tpu.memory_space<vmem>>, vector<16xi32>,
    %get3A_648 = arith.constant 224 : index
    %get3A_649 = tpu.vector_load %arg12[%get3A_648] {strides = array<i32>} : memref<512xi32, #tpu.memory_space<vmem>>, vector<16xi32>,
    %add3A_650 = arith.constant 16 : i32
    %add3A_651 = vector.broadcast %add3A_650 : i32 to vector<16xi32>
    %add3A_652 = arith.addi %get3A_649, %add3A_651 : vector<16xi32>
    %shift_right_logical3A_653 = arith.constant 7 : i32
    %shift_right_logical3A_654 = vector.broadcast %shift_right_logical3A_653 : i32 to vector<16xi32>
    %shift_right_logical3A_655 = arith.shrui %get3A_647, %shift_right_logical3A_654 : vector<16xi32>
    %and3A_656 = arith.constant 127 : i32
    %and3A_657 = vector.broadcast %and3A_656 : i32 to vector<16xi32>
    %and3A_658 = arith.andi %get3A_647, %and3A_657 : vector<16xi32>
    tpu.vector_store_idx %arg15[%add3A_652, %shift_right_logical3A_655, %and3A_658], %broadcast_in_dim3A_32 {add = true} : memref<48x8x128xf32, #tpu.memory_space<vmem>>[vector<16xi32>, vector<16xi32>, vector<16xi32>], vector<16xf32>,
    %get3A_659 = arith.constant 240 : index
    %get3A_660 = tpu.vector_load %arg11[%get3A_659] {strides = array<i32>} : memref<512xi32, #tpu.memory_space<vmem>>, vector<16xi32>,
    %get3A_661 = arith.constant 240 : index
    %get3A_662 = tpu.vector_load %arg12[%get3A_661] {strides = array<i32>} : memref<512xi32, #tpu.memory_space<vmem>>, vector<16xi32>,
    %add3A_663 = arith.constant 16 : i32
    %add3A_664 = vector.broadcast %add3A_663 : i32 to vector<16xi32>
    %add3A_665 = arith.addi %get3A_662, %add3A_664 : vector<16xi32>
    %shift_right_logical3A_666 = arith.constant 7 : i32
    %shift_right_logical3A_667 = vector.broadcast %shift_right_logical3A_666 : i32 to vector<16xi32>
    %shift_right_logical3A_668 = arith.shrui %get3A_660, %shift_right_logical3A_667 : vector<16xi32>
    %and3A_669 = arith.constant 127 : i32
    %and3A_670 = vector.broadcast %and3A_669 : i32 to vector<16xi32>
    %and3A_671 = arith.andi %get3A_660, %and3A_670 : vector<16xi32>
    tpu.vector_store_idx %arg15[%add3A_665, %shift_right_logical3A_668, %and3A_671], %broadcast_in_dim3A_32 {add = true} : memref<48x8x128xf32, #tpu.memory_space<vmem>>[vector<16xi32>, vector<16xi32>, vector<16xi32>], vector<16xf32>,
    %get3A_672 = arith.constant 256 : index
    %get3A_673 = tpu.vector_load %arg11[%get3A_672] {strides = array<i32>} : memref<512xi32, #tpu.memory_space<vmem>>, vector<16xi32>,
    %get3A_674 = arith.constant 256 : index
    %get3A_675 = tpu.vector_load %arg12[%get3A_674] {strides = array<i32>} : memref<512xi32, #tpu.memory_space<vmem>>, vector<16xi32>,
    %add3A_676 = arith.constant 16 : i32
    %add3A_677 = vector.broadcast %add3A_676 : i32 to vector<16xi32>
    %add3A_678 = arith.addi %get3A_675, %add3A_677 : vector<16xi32>
    %shift_right_logical3A_679 = arith.constant 7 : i32
    %shift_right_logical3A_680 = vector.broadcast %shift_right_logical3A_679 : i32 to vector<16xi32>
    %shift_right_logical3A_681 = arith.shrui %get3A_673, %shift_right_logical3A_680 : vector<16xi32>
    %and3A_682 = arith.constant 127 : i32
    %and3A_683 = vector.broadcast %and3A_682 : i32 to vector<16xi32>
    %and3A_684 = arith.andi %get3A_673, %and3A_683 : vector<16xi32>
    tpu.vector_store_idx %arg15[%add3A_678, %shift_right_logical3A_681, %and3A_684], %broadcast_in_dim3A_32 {add = true} : memref<48x8x128xf32, #tpu.memory_space<vmem>>[vector<16xi32>, vector<16xi32>, vector<16xi32>], vector<16xf32>,
    %get3A_685 = arith.constant 272 : index
    %get3A_686 = tpu.vector_load %arg11[%get3A_685] {strides = array<i32>} : memref<512xi32, #tpu.memory_space<vmem>>, vector<16xi32>,
    %get3A_687 = arith.constant 272 : index
    %get3A_688 = tpu.vector_load %arg12[%get3A_687] {strides = array<i32>} : memref<512xi32, #tpu.memory_space<vmem>>, vector<16xi32>,
    %add3A_689 = arith.constant 16 : i32
    %add3A_690 = vector.broadcast %add3A_689 : i32 to vector<16xi32>
    %add3A_691 = arith.addi %get3A_688, %add3A_690 : vector<16xi32>
    %shift_right_logical3A_692 = arith.constant 7 : i32
    %shift_right_logical3A_693 = vector.broadcast %shift_right_logical3A_692 : i32 to vector<16xi32>
    %shift_right_logical3A_694 = arith.shrui %get3A_686, %shift_right_logical3A_693 : vector<16xi32>
    %and3A_695 = arith.constant 127 : i32
    %and3A_696 = vector.broadcast %and3A_695 : i32 to vector<16xi32>
    %and3A_697 = arith.andi %get3A_686, %and3A_696 : vector<16xi32>
    tpu.vector_store_idx %arg15[%add3A_691, %shift_right_logical3A_694, %and3A_697], %broadcast_in_dim3A_32 {add = true} : memref<48x8x128xf32, #tpu.memory_space<vmem>>[vector<16xi32>, vector<16xi32>, vector<16xi32>], vector<16xf32>,
    %get3A_698 = arith.constant 288 : index
    %get3A_699 = tpu.vector_load %arg11[%get3A_698] {strides = array<i32>} : memref<512xi32, #tpu.memory_space<vmem>>, vector<16xi32>,
    %get3A_700 = arith.constant 288 : index
    %get3A_701 = tpu.vector_load %arg12[%get3A_700] {strides = array<i32>} : memref<512xi32, #tpu.memory_space<vmem>>, vector<16xi32>,
    %add3A_702 = arith.constant 16 : i32
    %add3A_703 = vector.broadcast %add3A_702 : i32 to vector<16xi32>
    %add3A_704 = arith.addi %get3A_701, %add3A_703 : vector<16xi32>
    %shift_right_logical3A_705 = arith.constant 7 : i32
    %shift_right_logical3A_706 = vector.broadcast %shift_right_logical3A_705 : i32 to vector<16xi32>
    %shift_right_logical3A_707 = arith.shrui %get3A_699, %shift_right_logical3A_706 : vector<16xi32>
    %and3A_708 = arith.constant 127 : i32
    %and3A_709 = vector.broadcast %and3A_708 : i32 to vector<16xi32>
    %and3A_710 = arith.andi %get3A_699, %and3A_709 : vector<16xi32>
    tpu.vector_store_idx %arg15[%add3A_704, %shift_right_logical3A_707, %and3A_710], %broadcast_in_dim3A_32 {add = true} : memref<48x8x128xf32, #tpu.memory_space<vmem>>[vector<16xi32>, vector<16xi32>, vector<16xi32>], vector<16xf32>,
    %get3A_711 = arith.constant 304 : index
    %get3A_712 = tpu.vector_load %arg11[%get3A_711] {strides = array<i32>} : memref<512xi32, #tpu.memory_space<vmem>>, vector<16xi32>,
    %get3A_713 = arith.constant 304 : index
    %get3A_714 = tpu.vector_load %arg12[%get3A_713] {strides = array<i32>} : memref<512xi32, #tpu.memory_space<vmem>>, vector<16xi32>,
    %add3A_715 = arith.constant 16 : i32
    %add3A_716 = vector.broadcast %add3A_715 : i32 to vector<16xi32>
    %add3A_717 = arith.addi %get3A_714, %add3A_716 : vector<16xi32>
    %shift_right_logical3A_718 = arith.constant 7 : i32
    %shift_right_logical3A_719 = vector.broadcast %shift_right_logical3A_718 : i32 to vector<16xi32>
    %shift_right_logical3A_720 = arith.shrui %get3A_712, %shift_right_logical3A_719 : vector<16xi32>
    %and3A_721 = arith.constant 127 : i32
    %and3A_722 = vector.broadcast %and3A_721 : i32 to vector<16xi32>
    %and3A_723 = arith.andi %get3A_712, %and3A_722 : vector<16xi32>
    tpu.vector_store_idx %arg15[%add3A_717, %shift_right_logical3A_720, %and3A_723], %broadcast_in_dim3A_32 {add = true} : memref<48x8x128xf32, #tpu.memory_space<vmem>>[vector<16xi32>, vector<16xi32>, vector<16xi32>], vector<16xf32>,
    %get3A_724 = arith.constant 320 : index
    %get3A_725 = tpu.vector_load %arg11[%get3A_724] {strides = array<i32>} : memref<512xi32, #tpu.memory_space<vmem>>, vector<16xi32>,
    %get3A_726 = arith.constant 320 : index
    %get3A_727 = tpu.vector_load %arg12[%get3A_726] {strides = array<i32>} : memref<512xi32, #tpu.memory_space<vmem>>, vector<16xi32>,
    %add3A_728 = arith.constant 16 : i32
    %add3A_729 = vector.broadcast %add3A_728 : i32 to vector<16xi32>
    %add3A_730 = arith.addi %get3A_727, %add3A_729 : vector<16xi32>
    %shift_right_logical3A_731 = arith.constant 7 : i32
    %shift_right_logical3A_732 = vector.broadcast %shift_right_logical3A_731 : i32 to vector<16xi32>
    %shift_right_logical3A_733 = arith.shrui %get3A_725, %shift_right_logical3A_732 : vector<16xi32>
    %and3A_734 = arith.constant 127 : i32
    %and3A_735 = vector.broadcast %and3A_734 : i32 to vector<16xi32>
    %and3A_736 = arith.andi %get3A_725, %and3A_735 : vector<16xi32>
    tpu.vector_store_idx %arg15[%add3A_730, %shift_right_logical3A_733, %and3A_736], %broadcast_in_dim3A_32 {add = true} : memref<48x8x128xf32, #tpu.memory_space<vmem>>[vector<16xi32>, vector<16xi32>, vector<16xi32>], vector<16xf32>,
    %get3A_737 = arith.constant 336 : index
    %get3A_738 = tpu.vector_load %arg11[%get3A_737] {strides = array<i32>} : memref<512xi32, #tpu.memory_space<vmem>>, vector<16xi32>,
    %get3A_739 = arith.constant 336 : index
    %get3A_740 = tpu.vector_load %arg12[%get3A_739] {strides = array<i32>} : memref<512xi32, #tpu.memory_space<vmem>>, vector<16xi32>,
    %add3A_741 = arith.constant 16 : i32
    %add3A_742 = vector.broadcast %add3A_741 : i32 to vector<16xi32>
    %add3A_743 = arith.addi %get3A_740, %add3A_742 : vector<16xi32>
    %shift_right_logical3A_744 = arith.constant 7 : i32
    %shift_right_logical3A_745 = vector.broadcast %shift_right_logical3A_744 : i32 to vector<16xi32>
    %shift_right_logical3A_746 = arith.shrui %get3A_738, %shift_right_logical3A_745 : vector<16xi32>
    %and3A_747 = arith.constant 127 : i32
    %and3A_748 = vector.broadcast %and3A_747 : i32 to vector<16xi32>
    %and3A_749 = arith.andi %get3A_738, %and3A_748 : vector<16xi32>
    tpu.vector_store_idx %arg15[%add3A_743, %shift_right_logical3A_746, %and3A_749], %broadcast_in_dim3A_32 {add = true} : memref<48x8x128xf32, #tpu.memory_space<vmem>>[vector<16xi32>, vector<16xi32>, vector<16xi32>], vector<16xf32>,
    %get3A_750 = arith.constant 352 : index
    %get3A_751 = tpu.vector_load %arg11[%get3A_750] {strides = array<i32>} : memref<512xi32, #tpu.memory_space<vmem>>, vector<16xi32>,
    %get3A_752 = arith.constant 352 : index
    %get3A_753 = tpu.vector_load %arg12[%get3A_752] {strides = array<i32>} : memref<512xi32, #tpu.memory_space<vmem>>, vector<16xi32>,
    %add3A_754 = arith.constant 16 : i32
    %add3A_755 = vector.broadcast %add3A_754 : i32 to vector<16xi32>
    %add3A_756 = arith.addi %get3A_753, %add3A_755 : vector<16xi32>
    %shift_right_logical3A_757 = arith.constant 7 : i32
    %shift_right_logical3A_758 = vector.broadcast %shift_right_logical3A_757 : i32 to vector<16xi32>
    %shift_right_logical3A_759 = arith.shrui %get3A_751, %shift_right_logical3A_758 : vector<16xi32>
    %and3A_760 = arith.constant 127 : i32
    %and3A_761 = vector.broadcast %and3A_760 : i32 to vector<16xi32>
    %and3A_762 = arith.andi %get3A_751, %and3A_761 : vector<16xi32>
    tpu.vector_store_idx %arg15[%add3A_756, %shift_right_logical3A_759, %and3A_762], %broadcast_in_dim3A_32 {add = true} : memref<48x8x128xf32, #tpu.memory_space<vmem>>[vector<16xi32>, vector<16xi32>, vector<16xi32>], vector<16xf32>,
    %get3A_763 = arith.constant 368 : index
    %get3A_764 = tpu.vector_load %arg11[%get3A_763] {strides = array<i32>} : memref<512xi32, #tpu.memory_space<vmem>>, vector<16xi32>,
    %get3A_765 = arith.constant 368 : index
    %get3A_766 = tpu.vector_load %arg12[%get3A_765] {strides = array<i32>} : memref<512xi32, #tpu.memory_space<vmem>>, vector<16xi32>,
    %add3A_767 = arith.constant 16 : i32
    %add3A_768 = vector.broadcast %add3A_767 : i32 to vector<16xi32>
    %add3A_769 = arith.addi %get3A_766, %add3A_768 : vector<16xi32>
    %shift_right_logical3A_770 = arith.constant 7 : i32
    %shift_right_logical3A_771 = vector.broadcast %shift_right_logical3A_770 : i32 to vector<16xi32>
    %shift_right_logical3A_772 = arith.shrui %get3A_764, %shift_right_logical3A_771 : vector<16xi32>
    %and3A_773 = arith.constant 127 : i32
    %and3A_774 = vector.broadcast %and3A_773 : i32 to vector<16xi32>
    %and3A_775 = arith.andi %get3A_764, %and3A_774 : vector<16xi32>
    tpu.vector_store_idx %arg15[%add3A_769, %shift_right_logical3A_772, %and3A_775], %broadcast_in_dim3A_32 {add = true} : memref<48x8x128xf32, #tpu.memory_space<vmem>>[vector<16xi32>, vector<16xi32>, vector<16xi32>], vector<16xf32>,
    %get3A_776 = arith.constant 384 : index
    %get3A_777 = tpu.vector_load %arg11[%get3A_776] {strides = array<i32>} : memref<512xi32, #tpu.memory_space<vmem>>, vector<16xi32>,
    %get3A_778 = arith.constant 384 : index
    %get3A_779 = tpu.vector_load %arg12[%get3A_778] {strides = array<i32>} : memref<512xi32, #tpu.memory_space<vmem>>, vector<16xi32>,
    %add3A_780 = arith.constant 16 : i32
    %add3A_781 = vector.broadcast %add3A_780 : i32 to vector<16xi32>
    %add3A_782 = arith.addi %get3A_779, %add3A_781 : vector<16xi32>
    %shift_right_logical3A_783 = arith.constant 7 : i32
    %shift_right_logical3A_784 = vector.broadcast %shift_right_logical3A_783 : i32 to vector<16xi32>
    %shift_right_logical3A_785 = arith.shrui %get3A_777, %shift_right_logical3A_784 : vector<16xi32>
    %and3A_786 = arith.constant 127 : i32
    %and3A_787 = vector.broadcast %and3A_786 : i32 to vector<16xi32>
    %and3A_788 = arith.andi %get3A_777, %and3A_787 : vector<16xi32>
    tpu.vector_store_idx %arg15[%add3A_782, %shift_right_logical3A_785, %and3A_788], %broadcast_in_dim3A_32 {add = true} : memref<48x8x128xf32, #tpu.memory_space<vmem>>[vector<16xi32>, vector<16xi32>, vector<16xi32>], vector<16xf32>,
    %get3A_789 = arith.constant 400 : index
    %get3A_790 = tpu.vector_load %arg11[%get3A_789] {strides = array<i32>} : memref<512xi32, #tpu.memory_space<vmem>>, vector<16xi32>,
    %get3A_791 = arith.constant 400 : index
    %get3A_792 = tpu.vector_load %arg12[%get3A_791] {strides = array<i32>} : memref<512xi32, #tpu.memory_space<vmem>>, vector<16xi32>,
    %add3A_793 = arith.constant 16 : i32
    %add3A_794 = vector.broadcast %add3A_793 : i32 to vector<16xi32>
    %add3A_795 = arith.addi %get3A_792, %add3A_794 : vector<16xi32>
    %shift_right_logical3A_796 = arith.constant 7 : i32
    %shift_right_logical3A_797 = vector.broadcast %shift_right_logical3A_796 : i32 to vector<16xi32>
    %shift_right_logical3A_798 = arith.shrui %get3A_790, %shift_right_logical3A_797 : vector<16xi32>
    %and3A_799 = arith.constant 127 : i32
    %and3A_800 = vector.broadcast %and3A_799 : i32 to vector<16xi32>
    %and3A_801 = arith.andi %get3A_790, %and3A_800 : vector<16xi32>
    tpu.vector_store_idx %arg15[%add3A_795, %shift_right_logical3A_798, %and3A_801], %broadcast_in_dim3A_32 {add = true} : memref<48x8x128xf32, #tpu.memory_space<vmem>>[vector<16xi32>, vector<16xi32>, vector<16xi32>], vector<16xf32>,
    %get3A_802 = arith.constant 416 : index
    %get3A_803 = tpu.vector_load %arg11[%get3A_802] {strides = array<i32>} : memref<512xi32, #tpu.memory_space<vmem>>, vector<16xi32>,
    %get3A_804 = arith.constant 416 : index
    %get3A_805 = tpu.vector_load %arg12[%get3A_804] {strides = array<i32>} : memref<512xi32, #tpu.memory_space<vmem>>, vector<16xi32>,
    %add3A_806 = arith.constant 16 : i32
    %add3A_807 = vector.broadcast %add3A_806 : i32 to vector<16xi32>
    %add3A_808 = arith.addi %get3A_805, %add3A_807 : vector<16xi32>
    %shift_right_logical3A_809 = arith.constant 7 : i32
    %shift_right_logical3A_810 = vector.broadcast %shift_right_logical3A_809 : i32 to vector<16xi32>
    %shift_right_logical3A_811 = arith.shrui %get3A_803, %shift_right_logical3A_810 : vector<16xi32>
    %and3A_812 = arith.constant 127 : i32
    %and3A_813 = vector.broadcast %and3A_812 : i32 to vector<16xi32>
    %and3A_814 = arith.andi %get3A_803, %and3A_813 : vector<16xi32>
    tpu.vector_store_idx %arg15[%add3A_808, %shift_right_logical3A_811, %and3A_814], %broadcast_in_dim3A_32 {add = true} : memref<48x8x128xf32, #tpu.memory_space<vmem>>[vector<16xi32>, vector<16xi32>, vector<16xi32>], vector<16xf32>,
    %get3A_815 = arith.constant 432 : index
    %get3A_816 = tpu.vector_load %arg11[%get3A_815] {strides = array<i32>} : memref<512xi32, #tpu.memory_space<vmem>>, vector<16xi32>,
    %get3A_817 = arith.constant 432 : index
    %get3A_818 = tpu.vector_load %arg12[%get3A_817] {strides = array<i32>} : memref<512xi32, #tpu.memory_space<vmem>>, vector<16xi32>,
    %add3A_819 = arith.constant 16 : i32
    %add3A_820 = vector.broadcast %add3A_819 : i32 to vector<16xi32>
    %add3A_821 = arith.addi %get3A_818, %add3A_820 : vector<16xi32>
    %shift_right_logical3A_822 = arith.constant 7 : i32
    %shift_right_logical3A_823 = vector.broadcast %shift_right_logical3A_822 : i32 to vector<16xi32>
    %shift_right_logical3A_824 = arith.shrui %get3A_816, %shift_right_logical3A_823 : vector<16xi32>
    %and3A_825 = arith.constant 127 : i32
    %and3A_826 = vector.broadcast %and3A_825 : i32 to vector<16xi32>
    %and3A_827 = arith.andi %get3A_816, %and3A_826 : vector<16xi32>
    tpu.vector_store_idx %arg15[%add3A_821, %shift_right_logical3A_824, %and3A_827], %broadcast_in_dim3A_32 {add = true} : memref<48x8x128xf32, #tpu.memory_space<vmem>>[vector<16xi32>, vector<16xi32>, vector<16xi32>], vector<16xf32>,
    %get3A_828 = arith.constant 448 : index
    %get3A_829 = tpu.vector_load %arg11[%get3A_828] {strides = array<i32>} : memref<512xi32, #tpu.memory_space<vmem>>, vector<16xi32>,
    %get3A_830 = arith.constant 448 : index
    %get3A_831 = tpu.vector_load %arg12[%get3A_830] {strides = array<i32>} : memref<512xi32, #tpu.memory_space<vmem>>, vector<16xi32>,
    %add3A_832 = arith.constant 16 : i32
    %add3A_833 = vector.broadcast %add3A_832 : i32 to vector<16xi32>
    %add3A_834 = arith.addi %get3A_831, %add3A_833 : vector<16xi32>
    %shift_right_logical3A_835 = arith.constant 7 : i32
    %shift_right_logical3A_836 = vector.broadcast %shift_right_logical3A_835 : i32 to vector<16xi32>
    %shift_right_logical3A_837 = arith.shrui %get3A_829, %shift_right_logical3A_836 : vector<16xi32>
    %and3A_838 = arith.constant 127 : i32
    %and3A_839 = vector.broadcast %and3A_838 : i32 to vector<16xi32>
    %and3A_840 = arith.andi %get3A_829, %and3A_839 : vector<16xi32>
    tpu.vector_store_idx %arg15[%add3A_834, %shift_right_logical3A_837, %and3A_840], %broadcast_in_dim3A_32 {add = true} : memref<48x8x128xf32, #tpu.memory_space<vmem>>[vector<16xi32>, vector<16xi32>, vector<16xi32>], vector<16xf32>,
    %get3A_841 = arith.constant 464 : index
    %get3A_842 = tpu.vector_load %arg11[%get3A_841] {strides = array<i32>} : memref<512xi32, #tpu.memory_space<vmem>>, vector<16xi32>,
    %get3A_843 = arith.constant 464 : index
    %get3A_844 = tpu.vector_load %arg12[%get3A_843] {strides = array<i32>} : memref<512xi32, #tpu.memory_space<vmem>>, vector<16xi32>,
    %add3A_845 = arith.constant 16 : i32
    %add3A_846 = vector.broadcast %add3A_845 : i32 to vector<16xi32>
    %add3A_847 = arith.addi %get3A_844, %add3A_846 : vector<16xi32>
    %shift_right_logical3A_848 = arith.constant 7 : i32
    %shift_right_logical3A_849 = vector.broadcast %shift_right_logical3A_848 : i32 to vector<16xi32>
    %shift_right_logical3A_850 = arith.shrui %get3A_842, %shift_right_logical3A_849 : vector<16xi32>
    %and3A_851 = arith.constant 127 : i32
    %and3A_852 = vector.broadcast %and3A_851 : i32 to vector<16xi32>
    %and3A_853 = arith.andi %get3A_842, %and3A_852 : vector<16xi32>
    tpu.vector_store_idx %arg15[%add3A_847, %shift_right_logical3A_850, %and3A_853], %broadcast_in_dim3A_32 {add = true} : memref<48x8x128xf32, #tpu.memory_space<vmem>>[vector<16xi32>, vector<16xi32>, vector<16xi32>], vector<16xf32>,
    %get3A_854 = arith.constant 480 : index
    %get3A_855 = tpu.vector_load %arg11[%get3A_854] {strides = array<i32>} : memref<512xi32, #tpu.memory_space<vmem>>, vector<16xi32>,
    %get3A_856 = arith.constant 480 : index
    %get3A_857 = tpu.vector_load %arg12[%get3A_856] {strides = array<i32>} : memref<512xi32, #tpu.memory_space<vmem>>, vector<16xi32>,
    %add3A_858 = arith.constant 16 : i32
    %add3A_859 = vector.broadcast %add3A_858 : i32 to vector<16xi32>
    %add3A_860 = arith.addi %get3A_857, %add3A_859 : vector<16xi32>
    %shift_right_logical3A_861 = arith.constant 7 : i32
    %shift_right_logical3A_862 = vector.broadcast %shift_right_logical3A_861 : i32 to vector<16xi32>
    %shift_right_logical3A_863 = arith.shrui %get3A_855, %shift_right_logical3A_862 : vector<16xi32>
    %and3A_864 = arith.constant 127 : i32
    %and3A_865 = vector.broadcast %and3A_864 : i32 to vector<16xi32>
    %and3A_866 = arith.andi %get3A_855, %and3A_865 : vector<16xi32>
    tpu.vector_store_idx %arg15[%add3A_860, %shift_right_logical3A_863, %and3A_866], %broadcast_in_dim3A_32 {add = true} : memref<48x8x128xf32, #tpu.memory_space<vmem>>[vector<16xi32>, vector<16xi32>, vector<16xi32>], vector<16xf32>,
    %get3A_867 = arith.constant 496 : index
    %get3A_868 = tpu.vector_load %arg11[%get3A_867] {strides = array<i32>} : memref<512xi32, #tpu.memory_space<vmem>>, vector<16xi32>,
    %get3A_869 = arith.constant 496 : index
    %get3A_870 = tpu.vector_load %arg12[%get3A_869] {strides = array<i32>} : memref<512xi32, #tpu.memory_space<vmem>>, vector<16xi32>,
    %add3A_871 = arith.constant 16 : i32
    %add3A_872 = vector.broadcast %add3A_871 : i32 to vector<16xi32>
    %add3A_873 = arith.addi %get3A_870, %add3A_872 : vector<16xi32>
    %shift_right_logical3A_874 = arith.constant 7 : i32
    %shift_right_logical3A_875 = vector.broadcast %shift_right_logical3A_874 : i32 to vector<16xi32>
    %shift_right_logical3A_876 = arith.shrui %get3A_868, %shift_right_logical3A_875 : vector<16xi32>
    %and3A_877 = arith.constant 127 : i32
    %and3A_878 = vector.broadcast %and3A_877 : i32 to vector<16xi32>
    %and3A_879 = arith.andi %get3A_868, %and3A_878 : vector<16xi32>
    tpu.vector_store_idx %arg15[%add3A_873, %shift_right_logical3A_876, %and3A_879], %broadcast_in_dim3A_32 {add = true} : memref<48x8x128xf32, #tpu.memory_space<vmem>>[vector<16xi32>, vector<16xi32>, vector<16xi32>], vector<16xf32>,
    %dma_start3A_880 = arith.constant 16 : i32
    %dma_start3A_881 = arith.constant 0 : i32
    %dma_start3A_882 = arith.constant 0 : i32
    %dma_start3A_883 = tpu.memref_slice %arg15[%dma_start3A_880, %dma_start3A_881, %dma_start3A_882] : memref<48x8x128xf32, #tpu.memory_space<vmem>> -> memref<16x8x128xf32, #tpu.memory_space<vmem>>
    %dma_start3A_884 = arith.constant 16 : i32
    %dma_start3A_885 = arith.constant 0 : i32
    %dma_start3A_886 = arith.constant 0 : i32
    %dma_start3A_887 = tpu.memref_slice %arg8[%add3A, %dma_start3A_884, %dma_start3A_885, %dma_start3A_886] : memref<32x48x8x128xf32, #tpu.memory_space<hbm>> -> memref<1x16x8x128xf32, #tpu.memory_space<hbm>>
    %dma_start3A_888 = tpu.memref_squeeze %dma_start3A_887 : memref<1x16x8x128xf32, #tpu.memory_space<hbm>> -> memref<16x8x128xf32, #tpu.memory_space<hbm>>
    %dma_start3A_889 = arith.constant 16 : i32
    %dma_start3A_890 = arith.constant 0 : i32
    %dma_start3A_891 = arith.constant 0 : i32
    %dma_start3A_892 = tpu.memref_slice %arg8[%add3A, %dma_start3A_889, %dma_start3A_890, %dma_start3A_891] : memref<32x48x8x128xf32, #tpu.memory_space<hbm>> -> memref<1x16x8x128xf32, #tpu.memory_space<hbm>>
    %dma_start3A_893 = tpu.memref_squeeze %dma_start3A_892 : memref<1x16x8x128xf32, #tpu.memory_space<hbm>> -> memref<16x8x128xf32, #tpu.memory_space<hbm>>
    %dma_start3A_894 = arith.constant 16 : i32
    %dma_start3A_895 = arith.constant 0 : i32
    %dma_start3A_896 = arith.constant 0 : i32
    %dma_start3A_897 = tpu.memref_slice %arg15[%dma_start3A_894, %dma_start3A_895, %dma_start3A_896] : memref<48x8x128xf32, #tpu.memory_space<vmem>> -> memref<16x8x128xf32, #tpu.memory_space<vmem>>
    tpu.enqueue_dma source(%dma_start3A_897 : memref<16x8x128xf32, #tpu.memory_space<vmem>>) target(%dma_start3A_893 : memref<16x8x128xf32, #tpu.memory_space<hbm>>) target_semaphore(%arg16 : memref<!tpu.dma_semaphore, #tpu.memory_space<semaphore_mem>>)
    %get3A_898 = arith.constant 0 : index
    %get3A_899 = tpu.vector_load %arg13[%get3A_898] {strides = array<i32>} : memref<512xi32, #tpu.memory_space<vmem>>, vector<16xi32>,
    %get3A_900 = arith.constant 0 : index
    %get3A_901 = tpu.vector_load %arg14[%get3A_900] {strides = array<i32>} : memref<512xi32, #tpu.memory_space<vmem>>, vector<16xi32>,
    %add3A_902 = arith.constant 32 : i32
    %add3A_903 = vector.broadcast %add3A_902 : i32 to vector<16xi32>
    %add3A_904 = arith.addi %get3A_901, %add3A_903 : vector<16xi32>
    %shift_right_logical3A_905 = arith.constant 7 : i32
    %shift_right_logical3A_906 = vector.broadcast %shift_right_logical3A_905 : i32 to vector<16xi32>
    %shift_right_logical3A_907 = arith.shrui %get3A_899, %shift_right_logical3A_906 : vector<16xi32>
    %and3A_908 = arith.constant 127 : i32
    %and3A_909 = vector.broadcast %and3A_908 : i32 to vector<16xi32>
    %and3A_910 = arith.andi %get3A_899, %and3A_909 : vector<16xi32>
    tpu.vector_store_idx %arg15[%add3A_904, %shift_right_logical3A_907, %and3A_910], %broadcast_in_dim3A_32 {add = true} : memref<48x8x128xf32, #tpu.memory_space<vmem>>[vector<16xi32>, vector<16xi32>, vector<16xi32>], vector<16xf32>,
    %get3A_911 = arith.constant 16 : index
    %get3A_912 = tpu.vector_load %arg13[%get3A_911] {strides = array<i32>} : memref<512xi32, #tpu.memory_space<vmem>>, vector<16xi32>,
    %get3A_913 = arith.constant 16 : index
    %get3A_914 = tpu.vector_load %arg14[%get3A_913] {strides = array<i32>} : memref<512xi32, #tpu.memory_space<vmem>>, vector<16xi32>,
    %add3A_915 = arith.constant 32 : i32
    %add3A_916 = vector.broadcast %add3A_915 : i32 to vector<16xi32>
    %add3A_917 = arith.addi %get3A_914, %add3A_916 : vector<16xi32>
    %shift_right_logical3A_918 = arith.constant 7 : i32
    %shift_right_logical3A_919 = vector.broadcast %shift_right_logical3A_918 : i32 to vector<16xi32>
    %shift_right_logical3A_920 = arith.shrui %get3A_912, %shift_right_logical3A_919 : vector<16xi32>
    %and3A_921 = arith.constant 127 : i32
    %and3A_922 = vector.broadcast %and3A_921 : i32 to vector<16xi32>
    %and3A_923 = arith.andi %get3A_912, %and3A_922 : vector<16xi32>
    tpu.vector_store_idx %arg15[%add3A_917, %shift_right_logical3A_920, %and3A_923], %broadcast_in_dim3A_32 {add = true} : memref<48x8x128xf32, #tpu.memory_space<vmem>>[vector<16xi32>, vector<16xi32>, vector<16xi32>], vector<16xf32>,
    %get3A_924 = arith.constant 32 : index
    %get3A_925 = tpu.vector_load %arg13[%get3A_924] {strides = array<i32>} : memref<512xi32, #tpu.memory_space<vmem>>, vector<16xi32>,
    %get3A_926 = arith.constant 32 : index
    %get3A_927 = tpu.vector_load %arg14[%get3A_926] {strides = array<i32>} : memref<512xi32, #tpu.memory_space<vmem>>, vector<16xi32>,
    %add3A_928 = arith.constant 32 : i32
    %add3A_929 = vector.broadcast %add3A_928 : i32 to vector<16xi32>
    %add3A_930 = arith.addi %get3A_927, %add3A_929 : vector<16xi32>
    %shift_right_logical3A_931 = arith.constant 7 : i32
    %shift_right_logical3A_932 = vector.broadcast %shift_right_logical3A_931 : i32 to vector<16xi32>
    %shift_right_logical3A_933 = arith.shrui %get3A_925, %shift_right_logical3A_932 : vector<16xi32>
    %and3A_934 = arith.constant 127 : i32
    %and3A_935 = vector.broadcast %and3A_934 : i32 to vector<16xi32>
    %and3A_936 = arith.andi %get3A_925, %and3A_935 : vector<16xi32>
    tpu.vector_store_idx %arg15[%add3A_930, %shift_right_logical3A_933, %and3A_936], %broadcast_in_dim3A_32 {add = true} : memref<48x8x128xf32, #tpu.memory_space<vmem>>[vector<16xi32>, vector<16xi32>, vector<16xi32>], vector<16xf32>,
    %get3A_937 = arith.constant 48 : index
    %get3A_938 = tpu.vector_load %arg13[%get3A_937] {strides = array<i32>} : memref<512xi32, #tpu.memory_space<vmem>>, vector<16xi32>,
    %get3A_939 = arith.constant 48 : index
    %get3A_940 = tpu.vector_load %arg14[%get3A_939] {strides = array<i32>} : memref<512xi32, #tpu.memory_space<vmem>>, vector<16xi32>,
    %add3A_941 = arith.constant 32 : i32
    %add3A_942 = vector.broadcast %add3A_941 : i32 to vector<16xi32>
    %add3A_943 = arith.addi %get3A_940, %add3A_942 : vector<16xi32>
    %shift_right_logical3A_944 = arith.constant 7 : i32
    %shift_right_logical3A_945 = vector.broadcast %shift_right_logical3A_944 : i32 to vector<16xi32>
    %shift_right_logical3A_946 = arith.shrui %get3A_938, %shift_right_logical3A_945 : vector<16xi32>
    %and3A_947 = arith.constant 127 : i32
    %and3A_948 = vector.broadcast %and3A_947 : i32 to vector<16xi32>
    %and3A_949 = arith.andi %get3A_938, %and3A_948 : vector<16xi32>
    tpu.vector_store_idx %arg15[%add3A_943, %shift_right_logical3A_946, %and3A_949], %broadcast_in_dim3A_32 {add = true} : memref<48x8x128xf32, #tpu.memory_space<vmem>>[vector<16xi32>, vector<16xi32>, vector<16xi32>], vector<16xf32>,
    %get3A_950 = arith.constant 64 : index
    %get3A_951 = tpu.vector_load %arg13[%get3A_950] {strides = array<i32>} : memref<512xi32, #tpu.memory_space<vmem>>, vector<16xi32>,
    %get3A_952 = arith.constant 64 : index
    %get3A_953 = tpu.vector_load %arg14[%get3A_952] {strides = array<i32>} : memref<512xi32, #tpu.memory_space<vmem>>, vector<16xi32>,
    %add3A_954 = arith.constant 32 : i32
    %add3A_955 = vector.broadcast %add3A_954 : i32 to vector<16xi32>
    %add3A_956 = arith.addi %get3A_953, %add3A_955 : vector<16xi32>
    %shift_right_logical3A_957 = arith.constant 7 : i32
    %shift_right_logical3A_958 = vector.broadcast %shift_right_logical3A_957 : i32 to vector<16xi32>
    %shift_right_logical3A_959 = arith.shrui %get3A_951, %shift_right_logical3A_958 : vector<16xi32>
    %and3A_960 = arith.constant 127 : i32
    %and3A_961 = vector.broadcast %and3A_960 : i32 to vector<16xi32>
    %and3A_962 = arith.andi %get3A_951, %and3A_961 : vector<16xi32>
    tpu.vector_store_idx %arg15[%add3A_956, %shift_right_logical3A_959, %and3A_962], %broadcast_in_dim3A_32 {add = true} : memref<48x8x128xf32, #tpu.memory_space<vmem>>[vector<16xi32>, vector<16xi32>, vector<16xi32>], vector<16xf32>,
    %get3A_963 = arith.constant 80 : index
    %get3A_964 = tpu.vector_load %arg13[%get3A_963] {strides = array<i32>} : memref<512xi32, #tpu.memory_space<vmem>>, vector<16xi32>,
    %get3A_965 = arith.constant 80 : index
    %get3A_966 = tpu.vector_load %arg14[%get3A_965] {strides = array<i32>} : memref<512xi32, #tpu.memory_space<vmem>>, vector<16xi32>,
    %add3A_967 = arith.constant 32 : i32
    %add3A_968 = vector.broadcast %add3A_967 : i32 to vector<16xi32>
    %add3A_969 = arith.addi %get3A_966, %add3A_968 : vector<16xi32>
    %shift_right_logical3A_970 = arith.constant 7 : i32
    %shift_right_logical3A_971 = vector.broadcast %shift_right_logical3A_970 : i32 to vector<16xi32>
    %shift_right_logical3A_972 = arith.shrui %get3A_964, %shift_right_logical3A_971 : vector<16xi32>
    %and3A_973 = arith.constant 127 : i32
    %and3A_974 = vector.broadcast %and3A_973 : i32 to vector<16xi32>
    %and3A_975 = arith.andi %get3A_964, %and3A_974 : vector<16xi32>
    tpu.vector_store_idx %arg15[%add3A_969, %shift_right_logical3A_972, %and3A_975], %broadcast_in_dim3A_32 {add = true} : memref<48x8x128xf32, #tpu.memory_space<vmem>>[vector<16xi32>, vector<16xi32>, vector<16xi32>], vector<16xf32>,
    %get3A_976 = arith.constant 96 : index
    %get3A_977 = tpu.vector_load %arg13[%get3A_976] {strides = array<i32>} : memref<512xi32, #tpu.memory_space<vmem>>, vector<16xi32>,
    %get3A_978 = arith.constant 96 : index
    %get3A_979 = tpu.vector_load %arg14[%get3A_978] {strides = array<i32>} : memref<512xi32, #tpu.memory_space<vmem>>, vector<16xi32>,
    %add3A_980 = arith.constant 32 : i32
    %add3A_981 = vector.broadcast %add3A_980 : i32 to vector<16xi32>
    %add3A_982 = arith.addi %get3A_979, %add3A_981 : vector<16xi32>
    %shift_right_logical3A_983 = arith.constant 7 : i32
    %shift_right_logical3A_984 = vector.broadcast %shift_right_logical3A_983 : i32 to vector<16xi32>
    %shift_right_logical3A_985 = arith.shrui %get3A_977, %shift_right_logical3A_984 : vector<16xi32>
    %and3A_986 = arith.constant 127 : i32
    %and3A_987 = vector.broadcast %and3A_986 : i32 to vector<16xi32>
    %and3A_988 = arith.andi %get3A_977, %and3A_987 : vector<16xi32>
    tpu.vector_store_idx %arg15[%add3A_982, %shift_right_logical3A_985, %and3A_988], %broadcast_in_dim3A_32 {add = true} : memref<48x8x128xf32, #tpu.memory_space<vmem>>[vector<16xi32>, vector<16xi32>, vector<16xi32>], vector<16xf32>,
    %get3A_989 = arith.constant 112 : index
    %get3A_990 = tpu.vector_load %arg13[%get3A_989] {strides = array<i32>} : memref<512xi32, #tpu.memory_space<vmem>>, vector<16xi32>,
    %get3A_991 = arith.constant 112 : index
    %get3A_992 = tpu.vector_load %arg14[%get3A_991] {strides = array<i32>} : memref<512xi32, #tpu.memory_space<vmem>>, vector<16xi32>,
    %add3A_993 = arith.constant 32 : i32
    %add3A_994 = vector.broadcast %add3A_993 : i32 to vector<16xi32>
    %add3A_995 = arith.addi %get3A_992, %add3A_994 : vector<16xi32>
    %shift_right_logical3A_996 = arith.constant 7 : i32
    %shift_right_logical3A_997 = vector.broadcast %shift_right_logical3A_996 : i32 to vector<16xi32>
    %shift_right_logical3A_998 = arith.shrui %get3A_990, %shift_right_logical3A_997 : vector<16xi32>
    %and3A_999 = arith.constant 127 : i32
    %and3A_1000 = vector.broadcast %and3A_999 : i32 to vector<16xi32>
    %and3A_1001 = arith.andi %get3A_990, %and3A_1000 : vector<16xi32>
    tpu.vector_store_idx %arg15[%add3A_995, %shift_right_logical3A_998, %and3A_1001], %broadcast_in_dim3A_32 {add = true} : memref<48x8x128xf32, #tpu.memory_space<vmem>>[vector<16xi32>, vector<16xi32>, vector<16xi32>], vector<16xf32>,
    %get3A_1002 = arith.constant 128 : index
    %get3A_1003 = tpu.vector_load %arg13[%get3A_1002] {strides = array<i32>} : memref<512xi32, #tpu.memory_space<vmem>>, vector<16xi32>,
    %get3A_1004 = arith.constant 128 : index
    %get3A_1005 = tpu.vector_load %arg14[%get3A_1004] {strides = array<i32>} : memref<512xi32, #tpu.memory_space<vmem>>, vector<16xi32>,
    %add3A_1006 = arith.constant 32 : i32
    %add3A_1007 = vector.broadcast %add3A_1006 : i32 to vector<16xi32>
    %add3A_1008 = arith.addi %get3A_1005, %add3A_1007 : vector<16xi32>
    %shift_right_logical3A_1009 = arith.constant 7 : i32
    %shift_right_logical3A_1010 = vector.broadcast %shift_right_logical3A_1009 : i32 to vector<16xi32>
    %shift_right_logical3A_1011 = arith.shrui %get3A_1003, %shift_right_logical3A_1010 : vector<16xi32>
    %and3A_1012 = arith.constant 127 : i32
    %and3A_1013 = vector.broadcast %and3A_1012 : i32 to vector<16xi32>
    %and3A_1014 = arith.andi %get3A_1003, %and3A_1013 : vector<16xi32>
    tpu.vector_store_idx %arg15[%add3A_1008, %shift_right_logical3A_1011, %and3A_1014], %broadcast_in_dim3A_32 {add = true} : memref<48x8x128xf32, #tpu.memory_space<vmem>>[vector<16xi32>, vector<16xi32>, vector<16xi32>], vector<16xf32>,
    %get3A_1015 = arith.constant 144 : index
    %get3A_1016 = tpu.vector_load %arg13[%get3A_1015] {strides = array<i32>} : memref<512xi32, #tpu.memory_space<vmem>>, vector<16xi32>,
    %get3A_1017 = arith.constant 144 : index
    %get3A_1018 = tpu.vector_load %arg14[%get3A_1017] {strides = array<i32>} : memref<512xi32, #tpu.memory_space<vmem>>, vector<16xi32>,
    %add3A_1019 = arith.constant 32 : i32
    %add3A_1020 = vector.broadcast %add3A_1019 : i32 to vector<16xi32>
    %add3A_1021 = arith.addi %get3A_1018, %add3A_1020 : vector<16xi32>
    %shift_right_logical3A_1022 = arith.constant 7 : i32
    %shift_right_logical3A_1023 = vector.broadcast %shift_right_logical3A_1022 : i32 to vector<16xi32>
    %shift_right_logical3A_1024 = arith.shrui %get3A_1016, %shift_right_logical3A_1023 : vector<16xi32>
    %and3A_1025 = arith.constant 127 : i32
    %and3A_1026 = vector.broadcast %and3A_1025 : i32 to vector<16xi32>
    %and3A_1027 = arith.andi %get3A_1016, %and3A_1026 : vector<16xi32>
    tpu.vector_store_idx %arg15[%add3A_1021, %shift_right_logical3A_1024, %and3A_1027], %broadcast_in_dim3A_32 {add = true} : memref<48x8x128xf32, #tpu.memory_space<vmem>>[vector<16xi32>, vector<16xi32>, vector<16xi32>], vector<16xf32>,
    %get3A_1028 = arith.constant 160 : index
    %get3A_1029 = tpu.vector_load %arg13[%get3A_1028] {strides = array<i32>} : memref<512xi32, #tpu.memory_space<vmem>>, vector<16xi32>,
    %get3A_1030 = arith.constant 160 : index
    %get3A_1031 = tpu.vector_load %arg14[%get3A_1030] {strides = array<i32>} : memref<512xi32, #tpu.memory_space<vmem>>, vector<16xi32>,
    %add3A_1032 = arith.constant 32 : i32
    %add3A_1033 = vector.broadcast %add3A_1032 : i32 to vector<16xi32>
    %add3A_1034 = arith.addi %get3A_1031, %add3A_1033 : vector<16xi32>
    %shift_right_logical3A_1035 = arith.constant 7 : i32
    %shift_right_logical3A_1036 = vector.broadcast %shift_right_logical3A_1035 : i32 to vector<16xi32>
    %shift_right_logical3A_1037 = arith.shrui %get3A_1029, %shift_right_logical3A_1036 : vector<16xi32>
    %and3A_1038 = arith.constant 127 : i32
    %and3A_1039 = vector.broadcast %and3A_1038 : i32 to vector<16xi32>
    %and3A_1040 = arith.andi %get3A_1029, %and3A_1039 : vector<16xi32>
    tpu.vector_store_idx %arg15[%add3A_1034, %shift_right_logical3A_1037, %and3A_1040], %broadcast_in_dim3A_32 {add = true} : memref<48x8x128xf32, #tpu.memory_space<vmem>>[vector<16xi32>, vector<16xi32>, vector<16xi32>], vector<16xf32>,
    %get3A_1041 = arith.constant 176 : index
    %get3A_1042 = tpu.vector_load %arg13[%get3A_1041] {strides = array<i32>} : memref<512xi32, #tpu.memory_space<vmem>>, vector<16xi32>,
    %get3A_1043 = arith.constant 176 : index
    %get3A_1044 = tpu.vector_load %arg14[%get3A_1043] {strides = array<i32>} : memref<512xi32, #tpu.memory_space<vmem>>, vector<16xi32>,
    %add3A_1045 = arith.constant 32 : i32
    %add3A_1046 = vector.broadcast %add3A_1045 : i32 to vector<16xi32>
    %add3A_1047 = arith.addi %get3A_1044, %add3A_1046 : vector<16xi32>
    %shift_right_logical3A_1048 = arith.constant 7 : i32
    %shift_right_logical3A_1049 = vector.broadcast %shift_right_logical3A_1048 : i32 to vector<16xi32>
    %shift_right_logical3A_1050 = arith.shrui %get3A_1042, %shift_right_logical3A_1049 : vector<16xi32>
    %and3A_1051 = arith.constant 127 : i32
    %and3A_1052 = vector.broadcast %and3A_1051 : i32 to vector<16xi32>
    %and3A_1053 = arith.andi %get3A_1042, %and3A_1052 : vector<16xi32>
    tpu.vector_store_idx %arg15[%add3A_1047, %shift_right_logical3A_1050, %and3A_1053], %broadcast_in_dim3A_32 {add = true} : memref<48x8x128xf32, #tpu.memory_space<vmem>>[vector<16xi32>, vector<16xi32>, vector<16xi32>], vector<16xf32>,
    %get3A_1054 = arith.constant 192 : index
    %get3A_1055 = tpu.vector_load %arg13[%get3A_1054] {strides = array<i32>} : memref<512xi32, #tpu.memory_space<vmem>>, vector<16xi32>,
    %get3A_1056 = arith.constant 192 : index
    %get3A_1057 = tpu.vector_load %arg14[%get3A_1056] {strides = array<i32>} : memref<512xi32, #tpu.memory_space<vmem>>, vector<16xi32>,
    %add3A_1058 = arith.constant 32 : i32
    %add3A_1059 = vector.broadcast %add3A_1058 : i32 to vector<16xi32>
    %add3A_1060 = arith.addi %get3A_1057, %add3A_1059 : vector<16xi32>
    %shift_right_logical3A_1061 = arith.constant 7 : i32
    %shift_right_logical3A_1062 = vector.broadcast %shift_right_logical3A_1061 : i32 to vector<16xi32>
    %shift_right_logical3A_1063 = arith.shrui %get3A_1055, %shift_right_logical3A_1062 : vector<16xi32>
    %and3A_1064 = arith.constant 127 : i32
    %and3A_1065 = vector.broadcast %and3A_1064 : i32 to vector<16xi32>
    %and3A_1066 = arith.andi %get3A_1055, %and3A_1065 : vector<16xi32>
    tpu.vector_store_idx %arg15[%add3A_1060, %shift_right_logical3A_1063, %and3A_1066], %broadcast_in_dim3A_32 {add = true} : memref<48x8x128xf32, #tpu.memory_space<vmem>>[vector<16xi32>, vector<16xi32>, vector<16xi32>], vector<16xf32>,
    %get3A_1067 = arith.constant 208 : index
    %get3A_1068 = tpu.vector_load %arg13[%get3A_1067] {strides = array<i32>} : memref<512xi32, #tpu.memory_space<vmem>>, vector<16xi32>,
    %get3A_1069 = arith.constant 208 : index
    %get3A_1070 = tpu.vector_load %arg14[%get3A_1069] {strides = array<i32>} : memref<512xi32, #tpu.memory_space<vmem>>, vector<16xi32>,
    %add3A_1071 = arith.constant 32 : i32
    %add3A_1072 = vector.broadcast %add3A_1071 : i32 to vector<16xi32>
    %add3A_1073 = arith.addi %get3A_1070, %add3A_1072 : vector<16xi32>
    %shift_right_logical3A_1074 = arith.constant 7 : i32
    %shift_right_logical3A_1075 = vector.broadcast %shift_right_logical3A_1074 : i32 to vector<16xi32>
    %shift_right_logical3A_1076 = arith.shrui %get3A_1068, %shift_right_logical3A_1075 : vector<16xi32>
    %and3A_1077 = arith.constant 127 : i32
    %and3A_1078 = vector.broadcast %and3A_1077 : i32 to vector<16xi32>
    %and3A_1079 = arith.andi %get3A_1068, %and3A_1078 : vector<16xi32>
    tpu.vector_store_idx %arg15[%add3A_1073, %shift_right_logical3A_1076, %and3A_1079], %broadcast_in_dim3A_32 {add = true} : memref<48x8x128xf32, #tpu.memory_space<vmem>>[vector<16xi32>, vector<16xi32>, vector<16xi32>], vector<16xf32>,
    %get3A_1080 = arith.constant 224 : index
    %get3A_1081 = tpu.vector_load %arg13[%get3A_1080] {strides = array<i32>} : memref<512xi32, #tpu.memory_space<vmem>>, vector<16xi32>,
    %get3A_1082 = arith.constant 224 : index
    %get3A_1083 = tpu.vector_load %arg14[%get3A_1082] {strides = array<i32>} : memref<512xi32, #tpu.memory_space<vmem>>, vector<16xi32>,
    %add3A_1084 = arith.constant 32 : i32
    %add3A_1085 = vector.broadcast %add3A_1084 : i32 to vector<16xi32>
    %add3A_1086 = arith.addi %get3A_1083, %add3A_1085 : vector<16xi32>
    %shift_right_logical3A_1087 = arith.constant 7 : i32
    %shift_right_logical3A_1088 = vector.broadcast %shift_right_logical3A_1087 : i32 to vector<16xi32>
    %shift_right_logical3A_1089 = arith.shrui %get3A_1081, %shift_right_logical3A_1088 : vector<16xi32>
    %and3A_1090 = arith.constant 127 : i32
    %and3A_1091 = vector.broadcast %and3A_1090 : i32 to vector<16xi32>
    %and3A_1092 = arith.andi %get3A_1081, %and3A_1091 : vector<16xi32>
    tpu.vector_store_idx %arg15[%add3A_1086, %shift_right_logical3A_1089, %and3A_1092], %broadcast_in_dim3A_32 {add = true} : memref<48x8x128xf32, #tpu.memory_space<vmem>>[vector<16xi32>, vector<16xi32>, vector<16xi32>], vector<16xf32>,
    %get3A_1093 = arith.constant 240 : index
    %get3A_1094 = tpu.vector_load %arg13[%get3A_1093] {strides = array<i32>} : memref<512xi32, #tpu.memory_space<vmem>>, vector<16xi32>,
    %get3A_1095 = arith.constant 240 : index
    %get3A_1096 = tpu.vector_load %arg14[%get3A_1095] {strides = array<i32>} : memref<512xi32, #tpu.memory_space<vmem>>, vector<16xi32>,
    %add3A_1097 = arith.constant 32 : i32
    %add3A_1098 = vector.broadcast %add3A_1097 : i32 to vector<16xi32>
    %add3A_1099 = arith.addi %get3A_1096, %add3A_1098 : vector<16xi32>
    %shift_right_logical3A_1100 = arith.constant 7 : i32
    %shift_right_logical3A_1101 = vector.broadcast %shift_right_logical3A_1100 : i32 to vector<16xi32>
    %shift_right_logical3A_1102 = arith.shrui %get3A_1094, %shift_right_logical3A_1101 : vector<16xi32>
    %and3A_1103 = arith.constant 127 : i32
    %and3A_1104 = vector.broadcast %and3A_1103 : i32 to vector<16xi32>
    %and3A_1105 = arith.andi %get3A_1094, %and3A_1104 : vector<16xi32>
    tpu.vector_store_idx %arg15[%add3A_1099, %shift_right_logical3A_1102, %and3A_1105], %broadcast_in_dim3A_32 {add = true} : memref<48x8x128xf32, #tpu.memory_space<vmem>>[vector<16xi32>, vector<16xi32>, vector<16xi32>], vector<16xf32>,
    %get3A_1106 = arith.constant 256 : index
    %get3A_1107 = tpu.vector_load %arg13[%get3A_1106] {strides = array<i32>} : memref<512xi32, #tpu.memory_space<vmem>>, vector<16xi32>,
    %get3A_1108 = arith.constant 256 : index
    %get3A_1109 = tpu.vector_load %arg14[%get3A_1108] {strides = array<i32>} : memref<512xi32, #tpu.memory_space<vmem>>, vector<16xi32>,
    %add3A_1110 = arith.constant 32 : i32
    %add3A_1111 = vector.broadcast %add3A_1110 : i32 to vector<16xi32>
    %add3A_1112 = arith.addi %get3A_1109, %add3A_1111 : vector<16xi32>
    %shift_right_logical3A_1113 = arith.constant 7 : i32
    %shift_right_logical3A_1114 = vector.broadcast %shift_right_logical3A_1113 : i32 to vector<16xi32>
    %shift_right_logical3A_1115 = arith.shrui %get3A_1107, %shift_right_logical3A_1114 : vector<16xi32>
    %and3A_1116 = arith.constant 127 : i32
    %and3A_1117 = vector.broadcast %and3A_1116 : i32 to vector<16xi32>
    %and3A_1118 = arith.andi %get3A_1107, %and3A_1117 : vector<16xi32>
    tpu.vector_store_idx %arg15[%add3A_1112, %shift_right_logical3A_1115, %and3A_1118], %broadcast_in_dim3A_32 {add = true} : memref<48x8x128xf32, #tpu.memory_space<vmem>>[vector<16xi32>, vector<16xi32>, vector<16xi32>], vector<16xf32>,
    %get3A_1119 = arith.constant 272 : index
    %get3A_1120 = tpu.vector_load %arg13[%get3A_1119] {strides = array<i32>} : memref<512xi32, #tpu.memory_space<vmem>>, vector<16xi32>,
    %get3A_1121 = arith.constant 272 : index
    %get3A_1122 = tpu.vector_load %arg14[%get3A_1121] {strides = array<i32>} : memref<512xi32, #tpu.memory_space<vmem>>, vector<16xi32>,
    %add3A_1123 = arith.constant 32 : i32
    %add3A_1124 = vector.broadcast %add3A_1123 : i32 to vector<16xi32>
    %add3A_1125 = arith.addi %get3A_1122, %add3A_1124 : vector<16xi32>
    %shift_right_logical3A_1126 = arith.constant 7 : i32
    %shift_right_logical3A_1127 = vector.broadcast %shift_right_logical3A_1126 : i32 to vector<16xi32>
    %shift_right_logical3A_1128 = arith.shrui %get3A_1120, %shift_right_logical3A_1127 : vector<16xi32>
    %and3A_1129 = arith.constant 127 : i32
    %and3A_1130 = vector.broadcast %and3A_1129 : i32 to vector<16xi32>
    %and3A_1131 = arith.andi %get3A_1120, %and3A_1130 : vector<16xi32>
    tpu.vector_store_idx %arg15[%add3A_1125, %shift_right_logical3A_1128, %and3A_1131], %broadcast_in_dim3A_32 {add = true} : memref<48x8x128xf32, #tpu.memory_space<vmem>>[vector<16xi32>, vector<16xi32>, vector<16xi32>], vector<16xf32>,
    %get3A_1132 = arith.constant 288 : index
    %get3A_1133 = tpu.vector_load %arg13[%get3A_1132] {strides = array<i32>} : memref<512xi32, #tpu.memory_space<vmem>>, vector<16xi32>,
    %get3A_1134 = arith.constant 288 : index
    %get3A_1135 = tpu.vector_load %arg14[%get3A_1134] {strides = array<i32>} : memref<512xi32, #tpu.memory_space<vmem>>, vector<16xi32>,
    %add3A_1136 = arith.constant 32 : i32
    %add3A_1137 = vector.broadcast %add3A_1136 : i32 to vector<16xi32>
    %add3A_1138 = arith.addi %get3A_1135, %add3A_1137 : vector<16xi32>
    %shift_right_logical3A_1139 = arith.constant 7 : i32
    %shift_right_logical3A_1140 = vector.broadcast %shift_right_logical3A_1139 : i32 to vector<16xi32>
    %shift_right_logical3A_1141 = arith.shrui %get3A_1133, %shift_right_logical3A_1140 : vector<16xi32>
    %and3A_1142 = arith.constant 127 : i32
    %and3A_1143 = vector.broadcast %and3A_1142 : i32 to vector<16xi32>
    %and3A_1144 = arith.andi %get3A_1133, %and3A_1143 : vector<16xi32>
    tpu.vector_store_idx %arg15[%add3A_1138, %shift_right_logical3A_1141, %and3A_1144], %broadcast_in_dim3A_32 {add = true} : memref<48x8x128xf32, #tpu.memory_space<vmem>>[vector<16xi32>, vector<16xi32>, vector<16xi32>], vector<16xf32>,
    %get3A_1145 = arith.constant 304 : index
    %get3A_1146 = tpu.vector_load %arg13[%get3A_1145] {strides = array<i32>} : memref<512xi32, #tpu.memory_space<vmem>>, vector<16xi32>,
    %get3A_1147 = arith.constant 304 : index
    %get3A_1148 = tpu.vector_load %arg14[%get3A_1147] {strides = array<i32>} : memref<512xi32, #tpu.memory_space<vmem>>, vector<16xi32>,
    %add3A_1149 = arith.constant 32 : i32
    %add3A_1150 = vector.broadcast %add3A_1149 : i32 to vector<16xi32>
    %add3A_1151 = arith.addi %get3A_1148, %add3A_1150 : vector<16xi32>
    %shift_right_logical3A_1152 = arith.constant 7 : i32
    %shift_right_logical3A_1153 = vector.broadcast %shift_right_logical3A_1152 : i32 to vector<16xi32>
    %shift_right_logical3A_1154 = arith.shrui %get3A_1146, %shift_right_logical3A_1153 : vector<16xi32>
    %and3A_1155 = arith.constant 127 : i32
    %and3A_1156 = vector.broadcast %and3A_1155 : i32 to vector<16xi32>
    %and3A_1157 = arith.andi %get3A_1146, %and3A_1156 : vector<16xi32>
    tpu.vector_store_idx %arg15[%add3A_1151, %shift_right_logical3A_1154, %and3A_1157], %broadcast_in_dim3A_32 {add = true} : memref<48x8x128xf32, #tpu.memory_space<vmem>>[vector<16xi32>, vector<16xi32>, vector<16xi32>], vector<16xf32>,
    %get3A_1158 = arith.constant 320 : index
    %get3A_1159 = tpu.vector_load %arg13[%get3A_1158] {strides = array<i32>} : memref<512xi32, #tpu.memory_space<vmem>>, vector<16xi32>,
    %get3A_1160 = arith.constant 320 : index
    %get3A_1161 = tpu.vector_load %arg14[%get3A_1160] {strides = array<i32>} : memref<512xi32, #tpu.memory_space<vmem>>, vector<16xi32>,
    %add3A_1162 = arith.constant 32 : i32
    %add3A_1163 = vector.broadcast %add3A_1162 : i32 to vector<16xi32>
    %add3A_1164 = arith.addi %get3A_1161, %add3A_1163 : vector<16xi32>
    %shift_right_logical3A_1165 = arith.constant 7 : i32
    %shift_right_logical3A_1166 = vector.broadcast %shift_right_logical3A_1165 : i32 to vector<16xi32>
    %shift_right_logical3A_1167 = arith.shrui %get3A_1159, %shift_right_logical3A_1166 : vector<16xi32>
    %and3A_1168 = arith.constant 127 : i32
    %and3A_1169 = vector.broadcast %and3A_1168 : i32 to vector<16xi32>
    %and3A_1170 = arith.andi %get3A_1159, %and3A_1169 : vector<16xi32>
    tpu.vector_store_idx %arg15[%add3A_1164, %shift_right_logical3A_1167, %and3A_1170], %broadcast_in_dim3A_32 {add = true} : memref<48x8x128xf32, #tpu.memory_space<vmem>>[vector<16xi32>, vector<16xi32>, vector<16xi32>], vector<16xf32>,
    %get3A_1171 = arith.constant 336 : index
    %get3A_1172 = tpu.vector_load %arg13[%get3A_1171] {strides = array<i32>} : memref<512xi32, #tpu.memory_space<vmem>>, vector<16xi32>,
    %get3A_1173 = arith.constant 336 : index
    %get3A_1174 = tpu.vector_load %arg14[%get3A_1173] {strides = array<i32>} : memref<512xi32, #tpu.memory_space<vmem>>, vector<16xi32>,
    %add3A_1175 = arith.constant 32 : i32
    %add3A_1176 = vector.broadcast %add3A_1175 : i32 to vector<16xi32>
    %add3A_1177 = arith.addi %get3A_1174, %add3A_1176 : vector<16xi32>
    %shift_right_logical3A_1178 = arith.constant 7 : i32
    %shift_right_logical3A_1179 = vector.broadcast %shift_right_logical3A_1178 : i32 to vector<16xi32>
    %shift_right_logical3A_1180 = arith.shrui %get3A_1172, %shift_right_logical3A_1179 : vector<16xi32>
    %and3A_1181 = arith.constant 127 : i32
    %and3A_1182 = vector.broadcast %and3A_1181 : i32 to vector<16xi32>
    %and3A_1183 = arith.andi %get3A_1172, %and3A_1182 : vector<16xi32>
    tpu.vector_store_idx %arg15[%add3A_1177, %shift_right_logical3A_1180, %and3A_1183], %broadcast_in_dim3A_32 {add = true} : memref<48x8x128xf32, #tpu.memory_space<vmem>>[vector<16xi32>, vector<16xi32>, vector<16xi32>], vector<16xf32>,
    %get3A_1184 = arith.constant 352 : index
    %get3A_1185 = tpu.vector_load %arg13[%get3A_1184] {strides = array<i32>} : memref<512xi32, #tpu.memory_space<vmem>>, vector<16xi32>,
    %get3A_1186 = arith.constant 352 : index
    %get3A_1187 = tpu.vector_load %arg14[%get3A_1186] {strides = array<i32>} : memref<512xi32, #tpu.memory_space<vmem>>, vector<16xi32>,
    %add3A_1188 = arith.constant 32 : i32
    %add3A_1189 = vector.broadcast %add3A_1188 : i32 to vector<16xi32>
    %add3A_1190 = arith.addi %get3A_1187, %add3A_1189 : vector<16xi32>
    %shift_right_logical3A_1191 = arith.constant 7 : i32
    %shift_right_logical3A_1192 = vector.broadcast %shift_right_logical3A_1191 : i32 to vector<16xi32>
    %shift_right_logical3A_1193 = arith.shrui %get3A_1185, %shift_right_logical3A_1192 : vector<16xi32>
    %and3A_1194 = arith.constant 127 : i32
    %and3A_1195 = vector.broadcast %and3A_1194 : i32 to vector<16xi32>
    %and3A_1196 = arith.andi %get3A_1185, %and3A_1195 : vector<16xi32>
    tpu.vector_store_idx %arg15[%add3A_1190, %shift_right_logical3A_1193, %and3A_1196], %broadcast_in_dim3A_32 {add = true} : memref<48x8x128xf32, #tpu.memory_space<vmem>>[vector<16xi32>, vector<16xi32>, vector<16xi32>], vector<16xf32>,
    %get3A_1197 = arith.constant 368 : index
    %get3A_1198 = tpu.vector_load %arg13[%get3A_1197] {strides = array<i32>} : memref<512xi32, #tpu.memory_space<vmem>>, vector<16xi32>,
    %get3A_1199 = arith.constant 368 : index
    %get3A_1200 = tpu.vector_load %arg14[%get3A_1199] {strides = array<i32>} : memref<512xi32, #tpu.memory_space<vmem>>, vector<16xi32>,
    %add3A_1201 = arith.constant 32 : i32
    %add3A_1202 = vector.broadcast %add3A_1201 : i32 to vector<16xi32>
    %add3A_1203 = arith.addi %get3A_1200, %add3A_1202 : vector<16xi32>
    %shift_right_logical3A_1204 = arith.constant 7 : i32
    %shift_right_logical3A_1205 = vector.broadcast %shift_right_logical3A_1204 : i32 to vector<16xi32>
    %shift_right_logical3A_1206 = arith.shrui %get3A_1198, %shift_right_logical3A_1205 : vector<16xi32>
    %and3A_1207 = arith.constant 127 : i32
    %and3A_1208 = vector.broadcast %and3A_1207 : i32 to vector<16xi32>
    %and3A_1209 = arith.andi %get3A_1198, %and3A_1208 : vector<16xi32>
    tpu.vector_store_idx %arg15[%add3A_1203, %shift_right_logical3A_1206, %and3A_1209], %broadcast_in_dim3A_32 {add = true} : memref<48x8x128xf32, #tpu.memory_space<vmem>>[vector<16xi32>, vector<16xi32>, vector<16xi32>], vector<16xf32>,
    %get3A_1210 = arith.constant 384 : index
    %get3A_1211 = tpu.vector_load %arg13[%get3A_1210] {strides = array<i32>} : memref<512xi32, #tpu.memory_space<vmem>>, vector<16xi32>,
    %get3A_1212 = arith.constant 384 : index
    %get3A_1213 = tpu.vector_load %arg14[%get3A_1212] {strides = array<i32>} : memref<512xi32, #tpu.memory_space<vmem>>, vector<16xi32>,
    %add3A_1214 = arith.constant 32 : i32
    %add3A_1215 = vector.broadcast %add3A_1214 : i32 to vector<16xi32>
    %add3A_1216 = arith.addi %get3A_1213, %add3A_1215 : vector<16xi32>
    %shift_right_logical3A_1217 = arith.constant 7 : i32
    %shift_right_logical3A_1218 = vector.broadcast %shift_right_logical3A_1217 : i32 to vector<16xi32>
    %shift_right_logical3A_1219 = arith.shrui %get3A_1211, %shift_right_logical3A_1218 : vector<16xi32>
    %and3A_1220 = arith.constant 127 : i32
    %and3A_1221 = vector.broadcast %and3A_1220 : i32 to vector<16xi32>
    %and3A_1222 = arith.andi %get3A_1211, %and3A_1221 : vector<16xi32>
    tpu.vector_store_idx %arg15[%add3A_1216, %shift_right_logical3A_1219, %and3A_1222], %broadcast_in_dim3A_32 {add = true} : memref<48x8x128xf32, #tpu.memory_space<vmem>>[vector<16xi32>, vector<16xi32>, vector<16xi32>], vector<16xf32>,
    %get3A_1223 = arith.constant 400 : index
    %get3A_1224 = tpu.vector_load %arg13[%get3A_1223] {strides = array<i32>} : memref<512xi32, #tpu.memory_space<vmem>>, vector<16xi32>,
    %get3A_1225 = arith.constant 400 : index
    %get3A_1226 = tpu.vector_load %arg14[%get3A_1225] {strides = array<i32>} : memref<512xi32, #tpu.memory_space<vmem>>, vector<16xi32>,
    %add3A_1227 = arith.constant 32 : i32
    %add3A_1228 = vector.broadcast %add3A_1227 : i32 to vector<16xi32>
    %add3A_1229 = arith.addi %get3A_1226, %add3A_1228 : vector<16xi32>
    %shift_right_logical3A_1230 = arith.constant 7 : i32
    %shift_right_logical3A_1231 = vector.broadcast %shift_right_logical3A_1230 : i32 to vector<16xi32>
    %shift_right_logical3A_1232 = arith.shrui %get3A_1224, %shift_right_logical3A_1231 : vector<16xi32>
    %and3A_1233 = arith.constant 127 : i32
    %and3A_1234 = vector.broadcast %and3A_1233 : i32 to vector<16xi32>
    %and3A_1235 = arith.andi %get3A_1224, %and3A_1234 : vector<16xi32>
    tpu.vector_store_idx %arg15[%add3A_1229, %shift_right_logical3A_1232, %and3A_1235], %broadcast_in_dim3A_32 {add = true} : memref<48x8x128xf32, #tpu.memory_space<vmem>>[vector<16xi32>, vector<16xi32>, vector<16xi32>], vector<16xf32>,
    %get3A_1236 = arith.constant 416 : index
    %get3A_1237 = tpu.vector_load %arg13[%get3A_1236] {strides = array<i32>} : memref<512xi32, #tpu.memory_space<vmem>>, vector<16xi32>,
    %get3A_1238 = arith.constant 416 : index
    %get3A_1239 = tpu.vector_load %arg14[%get3A_1238] {strides = array<i32>} : memref<512xi32, #tpu.memory_space<vmem>>, vector<16xi32>,
    %add3A_1240 = arith.constant 32 : i32
    %add3A_1241 = vector.broadcast %add3A_1240 : i32 to vector<16xi32>
    %add3A_1242 = arith.addi %get3A_1239, %add3A_1241 : vector<16xi32>
    %shift_right_logical3A_1243 = arith.constant 7 : i32
    %shift_right_logical3A_1244 = vector.broadcast %shift_right_logical3A_1243 : i32 to vector<16xi32>
    %shift_right_logical3A_1245 = arith.shrui %get3A_1237, %shift_right_logical3A_1244 : vector<16xi32>
    %and3A_1246 = arith.constant 127 : i32
    %and3A_1247 = vector.broadcast %and3A_1246 : i32 to vector<16xi32>
    %and3A_1248 = arith.andi %get3A_1237, %and3A_1247 : vector<16xi32>
    tpu.vector_store_idx %arg15[%add3A_1242, %shift_right_logical3A_1245, %and3A_1248], %broadcast_in_dim3A_32 {add = true} : memref<48x8x128xf32, #tpu.memory_space<vmem>>[vector<16xi32>, vector<16xi32>, vector<16xi32>], vector<16xf32>,
    %get3A_1249 = arith.constant 432 : index
    %get3A_1250 = tpu.vector_load %arg13[%get3A_1249] {strides = array<i32>} : memref<512xi32, #tpu.memory_space<vmem>>, vector<16xi32>,
    %get3A_1251 = arith.constant 432 : index
    %get3A_1252 = tpu.vector_load %arg14[%get3A_1251] {strides = array<i32>} : memref<512xi32, #tpu.memory_space<vmem>>, vector<16xi32>,
    %add3A_1253 = arith.constant 32 : i32
    %add3A_1254 = vector.broadcast %add3A_1253 : i32 to vector<16xi32>
    %add3A_1255 = arith.addi %get3A_1252, %add3A_1254 : vector<16xi32>
    %shift_right_logical3A_1256 = arith.constant 7 : i32
    %shift_right_logical3A_1257 = vector.broadcast %shift_right_logical3A_1256 : i32 to vector<16xi32>
    %shift_right_logical3A_1258 = arith.shrui %get3A_1250, %shift_right_logical3A_1257 : vector<16xi32>
    %and3A_1259 = arith.constant 127 : i32
    %and3A_1260 = vector.broadcast %and3A_1259 : i32 to vector<16xi32>
    %and3A_1261 = arith.andi %get3A_1250, %and3A_1260 : vector<16xi32>
    tpu.vector_store_idx %arg15[%add3A_1255, %shift_right_logical3A_1258, %and3A_1261], %broadcast_in_dim3A_32 {add = true} : memref<48x8x128xf32, #tpu.memory_space<vmem>>[vector<16xi32>, vector<16xi32>, vector<16xi32>], vector<16xf32>,
    %get3A_1262 = arith.constant 448 : index
    %get3A_1263 = tpu.vector_load %arg13[%get3A_1262] {strides = array<i32>} : memref<512xi32, #tpu.memory_space<vmem>>, vector<16xi32>,
    %get3A_1264 = arith.constant 448 : index
    %get3A_1265 = tpu.vector_load %arg14[%get3A_1264] {strides = array<i32>} : memref<512xi32, #tpu.memory_space<vmem>>, vector<16xi32>,
    %add3A_1266 = arith.constant 32 : i32
    %add3A_1267 = vector.broadcast %add3A_1266 : i32 to vector<16xi32>
    %add3A_1268 = arith.addi %get3A_1265, %add3A_1267 : vector<16xi32>
    %shift_right_logical3A_1269 = arith.constant 7 : i32
    %shift_right_logical3A_1270 = vector.broadcast %shift_right_logical3A_1269 : i32 to vector<16xi32>
    %shift_right_logical3A_1271 = arith.shrui %get3A_1263, %shift_right_logical3A_1270 : vector<16xi32>
    %and3A_1272 = arith.constant 127 : i32
    %and3A_1273 = vector.broadcast %and3A_1272 : i32 to vector<16xi32>
    %and3A_1274 = arith.andi %get3A_1263, %and3A_1273 : vector<16xi32>
    tpu.vector_store_idx %arg15[%add3A_1268, %shift_right_logical3A_1271, %and3A_1274], %broadcast_in_dim3A_32 {add = true} : memref<48x8x128xf32, #tpu.memory_space<vmem>>[vector<16xi32>, vector<16xi32>, vector<16xi32>], vector<16xf32>,
    %get3A_1275 = arith.constant 464 : index
    %get3A_1276 = tpu.vector_load %arg13[%get3A_1275] {strides = array<i32>} : memref<512xi32, #tpu.memory_space<vmem>>, vector<16xi32>,
    %get3A_1277 = arith.constant 464 : index
    %get3A_1278 = tpu.vector_load %arg14[%get3A_1277] {strides = array<i32>} : memref<512xi32, #tpu.memory_space<vmem>>, vector<16xi32>,
    %add3A_1279 = arith.constant 32 : i32
    %add3A_1280 = vector.broadcast %add3A_1279 : i32 to vector<16xi32>
    %add3A_1281 = arith.addi %get3A_1278, %add3A_1280 : vector<16xi32>
    %shift_right_logical3A_1282 = arith.constant 7 : i32
    %shift_right_logical3A_1283 = vector.broadcast %shift_right_logical3A_1282 : i32 to vector<16xi32>
    %shift_right_logical3A_1284 = arith.shrui %get3A_1276, %shift_right_logical3A_1283 : vector<16xi32>
    %and3A_1285 = arith.constant 127 : i32
    %and3A_1286 = vector.broadcast %and3A_1285 : i32 to vector<16xi32>
    %and3A_1287 = arith.andi %get3A_1276, %and3A_1286 : vector<16xi32>
    tpu.vector_store_idx %arg15[%add3A_1281, %shift_right_logical3A_1284, %and3A_1287], %broadcast_in_dim3A_32 {add = true} : memref<48x8x128xf32, #tpu.memory_space<vmem>>[vector<16xi32>, vector<16xi32>, vector<16xi32>], vector<16xf32>,
    %get3A_1288 = arith.constant 480 : index
    %get3A_1289 = tpu.vector_load %arg13[%get3A_1288] {strides = array<i32>} : memref<512xi32, #tpu.memory_space<vmem>>, vector<16xi32>,
    %get3A_1290 = arith.constant 480 : index
    %get3A_1291 = tpu.vector_load %arg14[%get3A_1290] {strides = array<i32>} : memref<512xi32, #tpu.memory_space<vmem>>, vector<16xi32>,
    %add3A_1292 = arith.constant 32 : i32
    %add3A_1293 = vector.broadcast %add3A_1292 : i32 to vector<16xi32>
    %add3A_1294 = arith.addi %get3A_1291, %add3A_1293 : vector<16xi32>
    %shift_right_logical3A_1295 = arith.constant 7 : i32
    %shift_right_logical3A_1296 = vector.broadcast %shift_right_logical3A_1295 : i32 to vector<16xi32>
    %shift_right_logical3A_1297 = arith.shrui %get3A_1289, %shift_right_logical3A_1296 : vector<16xi32>
    %and3A_1298 = arith.constant 127 : i32
    %and3A_1299 = vector.broadcast %and3A_1298 : i32 to vector<16xi32>
    %and3A_1300 = arith.andi %get3A_1289, %and3A_1299 : vector<16xi32>
    tpu.vector_store_idx %arg15[%add3A_1294, %shift_right_logical3A_1297, %and3A_1300], %broadcast_in_dim3A_32 {add = true} : memref<48x8x128xf32, #tpu.memory_space<vmem>>[vector<16xi32>, vector<16xi32>, vector<16xi32>], vector<16xf32>,
    %get3A_1301 = arith.constant 496 : index
    %get3A_1302 = tpu.vector_load %arg13[%get3A_1301] {strides = array<i32>} : memref<512xi32, #tpu.memory_space<vmem>>, vector<16xi32>,
    %get3A_1303 = arith.constant 496 : index
    %get3A_1304 = tpu.vector_load %arg14[%get3A_1303] {strides = array<i32>} : memref<512xi32, #tpu.memory_space<vmem>>, vector<16xi32>,
    %add3A_1305 = arith.constant 32 : i32
    %add3A_1306 = vector.broadcast %add3A_1305 : i32 to vector<16xi32>
    %add3A_1307 = arith.addi %get3A_1304, %add3A_1306 : vector<16xi32>
    %shift_right_logical3A_1308 = arith.constant 7 : i32
    %shift_right_logical3A_1309 = vector.broadcast %shift_right_logical3A_1308 : i32 to vector<16xi32>
    %shift_right_logical3A_1310 = arith.shrui %get3A_1302, %shift_right_logical3A_1309 : vector<16xi32>
    %and3A_1311 = arith.constant 127 : i32
    %and3A_1312 = vector.broadcast %and3A_1311 : i32 to vector<16xi32>
    %and3A_1313 = arith.andi %get3A_1302, %and3A_1312 : vector<16xi32>
    tpu.vector_store_idx %arg15[%add3A_1307, %shift_right_logical3A_1310, %and3A_1313], %broadcast_in_dim3A_32 {add = true} : memref<48x8x128xf32, #tpu.memory_space<vmem>>[vector<16xi32>, vector<16xi32>, vector<16xi32>], vector<16xf32>,
    %dma_start3A_1314 = arith.constant 32 : i32
    %dma_start3A_1315 = arith.constant 0 : i32
    %dma_start3A_1316 = arith.constant 0 : i32
    %dma_start3A_1317 = tpu.memref_slice %arg15[%dma_start3A_1314, %dma_start3A_1315, %dma_start3A_1316] : memref<48x8x128xf32, #tpu.memory_space<vmem>> -> memref<16x8x128xf32, #tpu.memory_space<vmem>>
    %dma_start3A_1318 = arith.constant 32 : i32
    %dma_start3A_1319 = arith.constant 0 : i32
    %dma_start3A_1320 = arith.constant 0 : i32
    %dma_start3A_1321 = tpu.memref_slice %arg8[%add3A, %dma_start3A_1318, %dma_start3A_1319, %dma_start3A_1320] : memref<32x48x8x128xf32, #tpu.memory_space<hbm>> -> memref<1x16x8x128xf32, #tpu.memory_space<hbm>>
    %dma_start3A_1322 = tpu.memref_squeeze %dma_start3A_1321 : memref<1x16x8x128xf32, #tpu.memory_space<hbm>> -> memref<16x8x128xf32, #tpu.memory_space<hbm>>
    %dma_start3A_1323 = arith.constant 32 : i32
    %dma_start3A_1324 = arith.constant 0 : i32
    %dma_start3A_1325 = arith.constant 0 : i32
    %dma_start3A_1326 = tpu.memref_slice %arg8[%add3A, %dma_start3A_1323, %dma_start3A_1324, %dma_start3A_1325] : memref<32x48x8x128xf32, #tpu.memory_space<hbm>> -> memref<1x16x8x128xf32, #tpu.memory_space<hbm>>
    %dma_start3A_1327 = tpu.memref_squeeze %dma_start3A_1326 : memref<1x16x8x128xf32, #tpu.memory_space<hbm>> -> memref<16x8x128xf32, #tpu.memory_space<hbm>>
    %dma_start3A_1328 = arith.constant 32 : i32
    %dma_start3A_1329 = arith.constant 0 : i32
    %dma_start3A_1330 = arith.constant 0 : i32
    %dma_start3A_1331 = tpu.memref_slice %arg15[%dma_start3A_1328, %dma_start3A_1329, %dma_start3A_1330] : memref<48x8x128xf32, #tpu.memory_space<vmem>> -> memref<16x8x128xf32, #tpu.memory_space<vmem>>
    tpu.enqueue_dma source(%dma_start3A_1331 : memref<16x8x128xf32, #tpu.memory_space<vmem>>) target(%dma_start3A_1327 : memref<16x8x128xf32, #tpu.memory_space<hbm>>) target_semaphore(%arg16 : memref<!tpu.dma_semaphore, #tpu.memory_space<semaphore_mem>>)
    %dma_wait3A_1332 = arith.constant 0 : i32
    %dma_wait3A_1333 = arith.constant 0 : i32
    %dma_wait3A_1334 = arith.constant 0 : i32
    %dma_wait3A_1335 = tpu.memref_slice %arg15[%dma_wait3A_1332, %dma_wait3A_1333, %dma_wait3A_1334] : memref<48x8x128xf32, #tpu.memory_space<vmem>> -> memref<16x8x128xf32, #tpu.memory_space<vmem>>
    %dma_wait3A_1336 = arith.constant 0 : i32
    %dma_wait3A_1337 = arith.constant 0 : i32
    %dma_wait3A_1338 = arith.constant 0 : i32
    %dma_wait3A_1339 = tpu.memref_slice %arg8[%add3A, %dma_wait3A_1336, %dma_wait3A_1337, %dma_wait3A_1338] : memref<32x48x8x128xf32, #tpu.memory_space<hbm>> -> memref<1x16x8x128xf32, #tpu.memory_space<hbm>>
    %dma_wait3A_1340 = tpu.memref_squeeze %dma_wait3A_1339 : memref<1x16x8x128xf32, #tpu.memory_space<hbm>> -> memref<16x8x128xf32, #tpu.memory_space<hbm>>
    %dma_wait3A_1341 = arith.constant 0 : i32
    %dma_wait3A_1342 = arith.constant 0 : i32
    %dma_wait3A_1343 = arith.constant 0 : i32
    %dma_wait3A_1344 = tpu.memref_slice %arg8[%add3A, %dma_wait3A_1341, %dma_wait3A_1342, %dma_wait3A_1343] : memref<32x48x8x128xf32, #tpu.memory_space<hbm>> -> memref<1x16x8x128xf32, #tpu.memory_space<hbm>>
    %dma_wait3A_1345 = tpu.memref_squeeze %dma_wait3A_1344 : memref<1x16x8x128xf32, #tpu.memory_space<hbm>> -> memref<16x8x128xf32, #tpu.memory_space<hbm>>
    %dma_wait3A_1346 = arith.constant 0 : i32
    %dma_wait3A_1347 = arith.constant 0 : i32
    %dma_wait3A_1348 = arith.constant 0 : i32
    %dma_wait3A_1349 = tpu.memref_slice %arg15[%dma_wait3A_1346, %dma_wait3A_1347, %dma_wait3A_1348] : memref<48x8x128xf32, #tpu.memory_space<vmem>> -> memref<16x8x128xf32, #tpu.memory_space<vmem>>
    tpu.wait_dma2 semaphore(%arg16 : memref<!tpu.dma_semaphore, #tpu.memory_space<semaphore_mem>>) src(%dma_wait3A_1349 : memref<16x8x128xf32, #tpu.memory_space<vmem>>) dst(%dma_wait3A_1345 : memref<16x8x128xf32, #tpu.memory_space<hbm>>)
    %dma_wait3A_1350 = arith.constant 16 : i32
    %dma_wait3A_1351 = arith.constant 0 : i32
    %dma_wait3A_1352 = arith.constant 0 : i32
    %dma_wait3A_1353 = tpu.memref_slice %arg15[%dma_wait3A_1350, %dma_wait3A_1351, %dma_wait3A_1352] : memref<48x8x128xf32, #tpu.memory_space<vmem>> -> memref<16x8x128xf32, #tpu.memory_space<vmem>>
    %dma_wait3A_1354 = arith.constant 16 : i32
    %dma_wait3A_1355 = arith.constant 0 : i32
    %dma_wait3A_1356 = arith.constant 0 : i32
    %dma_wait3A_1357 = tpu.memref_slice %arg8[%add3A, %dma_wait3A_1354, %dma_wait3A_1355, %dma_wait3A_1356] : memref<32x48x8x128xf32, #tpu.memory_space<hbm>> -> memref<1x16x8x128xf32, #tpu.memory_space<hbm>>
    %dma_wait3A_1358 = tpu.memref_squeeze %dma_wait3A_1357 : memref<1x16x8x128xf32, #tpu.memory_space<hbm>> -> memref<16x8x128xf32, #tpu.memory_space<hbm>>
    %dma_wait3A_1359 = arith.constant 16 : i32
    %dma_wait3A_1360 = arith.constant 0 : i32
    %dma_wait3A_1361 = arith.constant 0 : i32
    %dma_wait3A_1362 = tpu.memref_slice %arg8[%add3A, %dma_wait3A_1359, %dma_wait3A_1360, %dma_wait3A_1361] : memref<32x48x8x128xf32, #tpu.memory_space<hbm>> -> memref<1x16x8x128xf32, #tpu.memory_space<hbm>>
    %dma_wait3A_1363 = tpu.memref_squeeze %dma_wait3A_1362 : memref<1x16x8x128xf32, #tpu.memory_space<hbm>> -> memref<16x8x128xf32, #tpu.memory_space<hbm>>
    %dma_wait3A_1364 = arith.constant 16 : i32
    %dma_wait3A_1365 = arith.constant 0 : i32
    %dma_wait3A_1366 = arith.constant 0 : i32
    %dma_wait3A_1367 = tpu.memref_slice %arg15[%dma_wait3A_1364, %dma_wait3A_1365, %dma_wait3A_1366] : memref<48x8x128xf32, #tpu.memory_space<vmem>> -> memref<16x8x128xf32, #tpu.memory_space<vmem>>
    tpu.wait_dma2 semaphore(%arg16 : memref<!tpu.dma_semaphore, #tpu.memory_space<semaphore_mem>>) src(%dma_wait3A_1367 : memref<16x8x128xf32, #tpu.memory_space<vmem>>) dst(%dma_wait3A_1363 : memref<16x8x128xf32, #tpu.memory_space<hbm>>)
    %dma_wait3A_1368 = arith.constant 32 : i32
    %dma_wait3A_1369 = arith.constant 0 : i32
    %dma_wait3A_1370 = arith.constant 0 : i32
    %dma_wait3A_1371 = tpu.memref_slice %arg15[%dma_wait3A_1368, %dma_wait3A_1369, %dma_wait3A_1370] : memref<48x8x128xf32, #tpu.memory_space<vmem>> -> memref<16x8x128xf32, #tpu.memory_space<vmem>>
    %dma_wait3A_1372 = arith.constant 32 : i32
    %dma_wait3A_1373 = arith.constant 0 : i32
    %dma_wait3A_1374 = arith.constant 0 : i32
    %dma_wait3A_1375 = tpu.memref_slice %arg8[%add3A, %dma_wait3A_1372, %dma_wait3A_1373, %dma_wait3A_1374] : memref<32x48x8x128xf32, #tpu.memory_space<hbm>> -> memref<1x16x8x128xf32, #tpu.memory_space<hbm>>
    %dma_wait3A_1376 = tpu.memref_squeeze %dma_wait3A_1375 : memref<1x16x8x128xf32, #tpu.memory_space<hbm>> -> memref<16x8x128xf32, #tpu.memory_space<hbm>>
    %dma_wait3A_1377 = arith.constant 32 : i32
    %dma_wait3A_1378 = arith.constant 0 : i32
    %dma_wait3A_1379 = arith.constant 0 : i32
    %dma_wait3A_1380 = tpu.memref_slice %arg8[%add3A, %dma_wait3A_1377, %dma_wait3A_1378, %dma_wait3A_1379] : memref<32x48x8x128xf32, #tpu.memory_space<hbm>> -> memref<1x16x8x128xf32, #tpu.memory_space<hbm>>
    %dma_wait3A_1381 = tpu.memref_squeeze %dma_wait3A_1380 : memref<1x16x8x128xf32, #tpu.memory_space<hbm>> -> memref<16x8x128xf32, #tpu.memory_space<hbm>>
    %dma_wait3A_1382 = arith.constant 32 : i32
    %dma_wait3A_1383 = arith.constant 0 : i32
    %dma_wait3A_1384 = arith.constant 0 : i32
    %dma_wait3A_1385 = tpu.memref_slice %arg15[%dma_wait3A_1382, %dma_wait3A_1383, %dma_wait3A_1384] : memref<48x8x128xf32, #tpu.memory_space<vmem>> -> memref<16x8x128xf32, #tpu.memory_space<vmem>>
    tpu.wait_dma2 semaphore(%arg16 : memref<!tpu.dma_semaphore, #tpu.memory_space<semaphore_mem>>) src(%dma_wait3A_1385 : memref<16x8x128xf32, #tpu.memory_space<vmem>>) dst(%dma_wait3A_1381 : memref<16x8x128xf32, #tpu.memory_space<hbm>>)
    return
  }
}

module attributes {stable_mosaic.version = 14 : i64} {
  func.func @_gate_body(%arg0: memref<32x48x8x128xf32, #tpu.memory_space<any>>, %arg1: memref<1000x512xf32, #tpu.memory_space<vmem>>, %arg2: memref<512x512xf32, #tpu.memory_space<vmem>>, %arg3: memref<512x512xf32, #tpu.memory_space<vmem>>, %arg4: memref<64x1xi32, #tpu.memory_space<vmem>>, %arg5: memref<16x4x512xf32, #tpu.memory_space<vmem>>, %arg6: memref<32x48x8x128xf32, #tpu.memory_space<vmem>>, %arg7: memref<4x!tpu.dma_semaphore, #tpu.memory_space<semaphore_mem>>) attributes {dimension_semantics = [], scalar_prefetch = 0 : i64, scratch_operands = 2 : i64, tpu.core_type = #tpu.core_type<tc>} {
    %dma_start3A = arith.constant 0 : i32
    %dma_start3A_0 = tpu.memref_slice %arg7[%dma_start3A] : memref<4x!tpu.dma_semaphore, #tpu.memory_space<semaphore_mem>> -> memref<1x!tpu.dma_semaphore, #tpu.memory_space<semaphore_mem>>
    %dma_start3A_1 = tpu.memref_squeeze %dma_start3A_0 : memref<1x!tpu.dma_semaphore, #tpu.memory_space<semaphore_mem>> -> memref<!tpu.dma_semaphore, #tpu.memory_space<semaphore_mem>>
    %dma_start3A_2 = arith.constant 0 : i32
    %dma_start3A_3 = arith.constant 0 : i32
    %dma_start3A_4 = arith.constant 0 : i32
    %dma_start3A_5 = arith.constant 0 : i32
    %dma_start3A_6 = tpu.memref_slice %arg6[%dma_start3A_2, %dma_start3A_3, %dma_start3A_4, %dma_start3A_5] : memref<32x48x8x128xf32, #tpu.memory_space<vmem>> -> memref<8x48x8x128xf32, #tpu.memory_space<vmem>>
    %dma_start3A_7 = arith.constant 0 : i32
    %dma_start3A_8 = arith.constant 0 : i32
    %dma_start3A_9 = arith.constant 0 : i32
    %dma_start3A_10 = arith.constant 0 : i32
    %dma_start3A_11 = tpu.memref_slice %arg0[%dma_start3A_7, %dma_start3A_8, %dma_start3A_9, %dma_start3A_10] : memref<32x48x8x128xf32, #tpu.memory_space<any>> -> memref<8x48x8x128xf32, #tpu.memory_space<any>>
    tpu.enqueue_dma source(%dma_start3A_11 : memref<8x48x8x128xf32, #tpu.memory_space<any>>) target(%dma_start3A_6 : memref<8x48x8x128xf32, #tpu.memory_space<vmem>>) target_semaphore(%dma_start3A_1 : memref<!tpu.dma_semaphore, #tpu.memory_space<semaphore_mem>>)
    %dma_start3A_12 = arith.constant 1 : i32
    %dma_start3A_13 = tpu.memref_slice %arg7[%dma_start3A_12] : memref<4x!tpu.dma_semaphore, #tpu.memory_space<semaphore_mem>> -> memref<1x!tpu.dma_semaphore, #tpu.memory_space<semaphore_mem>>
    %dma_start3A_14 = tpu.memref_squeeze %dma_start3A_13 : memref<1x!tpu.dma_semaphore, #tpu.memory_space<semaphore_mem>> -> memref<!tpu.dma_semaphore, #tpu.memory_space<semaphore_mem>>
    %dma_start3A_15 = arith.constant 8 : i32
    %dma_start3A_16 = arith.constant 0 : i32
    %dma_start3A_17 = arith.constant 0 : i32
    %dma_start3A_18 = arith.constant 0 : i32
    %dma_start3A_19 = tpu.memref_slice %arg6[%dma_start3A_15, %dma_start3A_16, %dma_start3A_17, %dma_start3A_18] : memref<32x48x8x128xf32, #tpu.memory_space<vmem>> -> memref<8x48x8x128xf32, #tpu.memory_space<vmem>>
    %dma_start3A_20 = arith.constant 8 : i32
    %dma_start3A_21 = arith.constant 0 : i32
    %dma_start3A_22 = arith.constant 0 : i32
    %dma_start3A_23 = arith.constant 0 : i32
    %dma_start3A_24 = tpu.memref_slice %arg0[%dma_start3A_20, %dma_start3A_21, %dma_start3A_22, %dma_start3A_23] : memref<32x48x8x128xf32, #tpu.memory_space<any>> -> memref<8x48x8x128xf32, #tpu.memory_space<any>>
    tpu.enqueue_dma source(%dma_start3A_24 : memref<8x48x8x128xf32, #tpu.memory_space<any>>) target(%dma_start3A_19 : memref<8x48x8x128xf32, #tpu.memory_space<vmem>>) target_semaphore(%dma_start3A_14 : memref<!tpu.dma_semaphore, #tpu.memory_space<semaphore_mem>>)
    %dma_start3A_25 = arith.constant 2 : i32
    %dma_start3A_26 = tpu.memref_slice %arg7[%dma_start3A_25] : memref<4x!tpu.dma_semaphore, #tpu.memory_space<semaphore_mem>> -> memref<1x!tpu.dma_semaphore, #tpu.memory_space<semaphore_mem>>
    %dma_start3A_27 = tpu.memref_squeeze %dma_start3A_26 : memref<1x!tpu.dma_semaphore, #tpu.memory_space<semaphore_mem>> -> memref<!tpu.dma_semaphore, #tpu.memory_space<semaphore_mem>>
    %dma_start3A_28 = arith.constant 16 : i32
    %dma_start3A_29 = arith.constant 0 : i32
    %dma_start3A_30 = arith.constant 0 : i32
    %dma_start3A_31 = arith.constant 0 : i32
    %dma_start3A_32 = tpu.memref_slice %arg6[%dma_start3A_28, %dma_start3A_29, %dma_start3A_30, %dma_start3A_31] : memref<32x48x8x128xf32, #tpu.memory_space<vmem>> -> memref<8x48x8x128xf32, #tpu.memory_space<vmem>>
    %dma_start3A_33 = arith.constant 16 : i32
    %dma_start3A_34 = arith.constant 0 : i32
    %dma_start3A_35 = arith.constant 0 : i32
    %dma_start3A_36 = arith.constant 0 : i32
    %dma_start3A_37 = tpu.memref_slice %arg0[%dma_start3A_33, %dma_start3A_34, %dma_start3A_35, %dma_start3A_36] : memref<32x48x8x128xf32, #tpu.memory_space<any>> -> memref<8x48x8x128xf32, #tpu.memory_space<any>>
    tpu.enqueue_dma source(%dma_start3A_37 : memref<8x48x8x128xf32, #tpu.memory_space<any>>) target(%dma_start3A_32 : memref<8x48x8x128xf32, #tpu.memory_space<vmem>>) target_semaphore(%dma_start3A_27 : memref<!tpu.dma_semaphore, #tpu.memory_space<semaphore_mem>>)
    %dma_start3A_38 = arith.constant 3 : i32
    %dma_start3A_39 = tpu.memref_slice %arg7[%dma_start3A_38] : memref<4x!tpu.dma_semaphore, #tpu.memory_space<semaphore_mem>> -> memref<1x!tpu.dma_semaphore, #tpu.memory_space<semaphore_mem>>
    %dma_start3A_40 = tpu.memref_squeeze %dma_start3A_39 : memref<1x!tpu.dma_semaphore, #tpu.memory_space<semaphore_mem>> -> memref<!tpu.dma_semaphore, #tpu.memory_space<semaphore_mem>>
    %dma_start3A_41 = arith.constant 24 : i32
    %dma_start3A_42 = arith.constant 0 : i32
    %dma_start3A_43 = arith.constant 0 : i32
    %dma_start3A_44 = arith.constant 0 : i32
    %dma_start3A_45 = tpu.memref_slice %arg6[%dma_start3A_41, %dma_start3A_42, %dma_start3A_43, %dma_start3A_44] : memref<32x48x8x128xf32, #tpu.memory_space<vmem>> -> memref<8x48x8x128xf32, #tpu.memory_space<vmem>>
    %dma_start3A_46 = arith.constant 24 : i32
    %dma_start3A_47 = arith.constant 0 : i32
    %dma_start3A_48 = arith.constant 0 : i32
    %dma_start3A_49 = arith.constant 0 : i32
    %dma_start3A_50 = tpu.memref_slice %arg0[%dma_start3A_46, %dma_start3A_47, %dma_start3A_48, %dma_start3A_49] : memref<32x48x8x128xf32, #tpu.memory_space<any>> -> memref<8x48x8x128xf32, #tpu.memory_space<any>>
    tpu.enqueue_dma source(%dma_start3A_50 : memref<8x48x8x128xf32, #tpu.memory_space<any>>) target(%dma_start3A_45 : memref<8x48x8x128xf32, #tpu.memory_space<vmem>>) target_semaphore(%dma_start3A_40 : memref<!tpu.dma_semaphore, #tpu.memory_space<semaphore_mem>>)
    %broadcast_in_dim3A = arith.constant 0.000000e+00 : f32
    %broadcast_in_dim3A_51 = vector.broadcast %broadcast_in_dim3A : f32 to vector<48x8x128xf32>
    %dma_wait3A = arith.constant 0 : i32
    %dma_wait3A_52 = tpu.memref_slice %arg7[%dma_wait3A] : memref<4x!tpu.dma_semaphore, #tpu.memory_space<semaphore_mem>> -> memref<1x!tpu.dma_semaphore, #tpu.memory_space<semaphore_mem>>
    %dma_wait3A_53 = tpu.memref_squeeze %dma_wait3A_52 : memref<1x!tpu.dma_semaphore, #tpu.memory_space<semaphore_mem>> -> memref<!tpu.dma_semaphore, #tpu.memory_space<semaphore_mem>>
    %dma_wait3A_54 = arith.constant 0 : i32
    %dma_wait3A_55 = arith.constant 0 : i32
    %dma_wait3A_56 = arith.constant 0 : i32
    %dma_wait3A_57 = arith.constant 0 : i32
    %dma_wait3A_58 = tpu.memref_slice %arg6[%dma_wait3A_54, %dma_wait3A_55, %dma_wait3A_56, %dma_wait3A_57] : memref<32x48x8x128xf32, #tpu.memory_space<vmem>> -> memref<8x48x8x128xf32, #tpu.memory_space<vmem>>
    %dma_wait3A_59 = arith.constant 0 : i32
    %dma_wait3A_60 = arith.constant 0 : i32
    %dma_wait3A_61 = arith.constant 0 : i32
    %dma_wait3A_62 = arith.constant 0 : i32
    %dma_wait3A_63 = tpu.memref_slice %arg0[%dma_wait3A_59, %dma_wait3A_60, %dma_wait3A_61, %dma_wait3A_62] : memref<32x48x8x128xf32, #tpu.memory_space<any>> -> memref<8x48x8x128xf32, #tpu.memory_space<any>>
    tpu.wait_dma2 semaphore(%dma_wait3A_53 : memref<!tpu.dma_semaphore, #tpu.memory_space<semaphore_mem>>) src(%dma_wait3A_63 : memref<8x48x8x128xf32, #tpu.memory_space<any>>) dst(%dma_wait3A_58 : memref<8x48x8x128xf32, #tpu.memory_space<vmem>>)
    %get3A = arith.constant 0 : index
    %get3A_64 = arith.constant 0 : index
    %get3A_65 = arith.constant 0 : index
    %get3A_66 = arith.constant 0 : index
    %get3A_67 = vector.load %arg6[%get3A, %get3A_64, %get3A_65, %get3A_66] : memref<32x48x8x128xf32, #tpu.memory_space<vmem>>, vector<8x48x8x128xf32>
    %reduce_sum3A = arith.constant dense<0.000000e+00> : vector<48x8x128xf32>
    %reduce_sum3A_68 = vector.multi_reduction <add>, %get3A_67, %reduce_sum3A [0] : vector<8x48x8x128xf32> to vector<48x8x128xf32>
    %add3A = arith.addf %broadcast_in_dim3A_51, %reduce_sum3A_68 : vector<48x8x128xf32>
    %dma_wait3A_69 = arith.constant 1 : i32
    %dma_wait3A_70 = tpu.memref_slice %arg7[%dma_wait3A_69] : memref<4x!tpu.dma_semaphore, #tpu.memory_space<semaphore_mem>> -> memref<1x!tpu.dma_semaphore, #tpu.memory_space<semaphore_mem>>
    %dma_wait3A_71 = tpu.memref_squeeze %dma_wait3A_70 : memref<1x!tpu.dma_semaphore, #tpu.memory_space<semaphore_mem>> -> memref<!tpu.dma_semaphore, #tpu.memory_space<semaphore_mem>>
    %dma_wait3A_72 = arith.constant 8 : i32
    %dma_wait3A_73 = arith.constant 0 : i32
    %dma_wait3A_74 = arith.constant 0 : i32
    %dma_wait3A_75 = arith.constant 0 : i32
    %dma_wait3A_76 = tpu.memref_slice %arg6[%dma_wait3A_72, %dma_wait3A_73, %dma_wait3A_74, %dma_wait3A_75] : memref<32x48x8x128xf32, #tpu.memory_space<vmem>> -> memref<8x48x8x128xf32, #tpu.memory_space<vmem>>
    %dma_wait3A_77 = arith.constant 8 : i32
    %dma_wait3A_78 = arith.constant 0 : i32
    %dma_wait3A_79 = arith.constant 0 : i32
    %dma_wait3A_80 = arith.constant 0 : i32
    %dma_wait3A_81 = tpu.memref_slice %arg0[%dma_wait3A_77, %dma_wait3A_78, %dma_wait3A_79, %dma_wait3A_80] : memref<32x48x8x128xf32, #tpu.memory_space<any>> -> memref<8x48x8x128xf32, #tpu.memory_space<any>>
    tpu.wait_dma2 semaphore(%dma_wait3A_71 : memref<!tpu.dma_semaphore, #tpu.memory_space<semaphore_mem>>) src(%dma_wait3A_81 : memref<8x48x8x128xf32, #tpu.memory_space<any>>) dst(%dma_wait3A_76 : memref<8x48x8x128xf32, #tpu.memory_space<vmem>>)
    %get3A_82 = arith.constant 8 : index
    %get3A_83 = arith.constant 0 : index
    %get3A_84 = arith.constant 0 : index
    %get3A_85 = arith.constant 0 : index
    %get3A_86 = vector.load %arg6[%get3A_82, %get3A_83, %get3A_84, %get3A_85] : memref<32x48x8x128xf32, #tpu.memory_space<vmem>>, vector<8x48x8x128xf32>
    %reduce_sum3A_87 = arith.constant dense<0.000000e+00> : vector<48x8x128xf32>
    %reduce_sum3A_88 = vector.multi_reduction <add>, %get3A_86, %reduce_sum3A_87 [0] : vector<8x48x8x128xf32> to vector<48x8x128xf32>
    %add3A_89 = arith.addf %add3A, %reduce_sum3A_88 : vector<48x8x128xf32>
    %dma_wait3A_90 = arith.constant 2 : i32
    %dma_wait3A_91 = tpu.memref_slice %arg7[%dma_wait3A_90] : memref<4x!tpu.dma_semaphore, #tpu.memory_space<semaphore_mem>> -> memref<1x!tpu.dma_semaphore, #tpu.memory_space<semaphore_mem>>
    %dma_wait3A_92 = tpu.memref_squeeze %dma_wait3A_91 : memref<1x!tpu.dma_semaphore, #tpu.memory_space<semaphore_mem>> -> memref<!tpu.dma_semaphore, #tpu.memory_space<semaphore_mem>>
    %dma_wait3A_93 = arith.constant 16 : i32
    %dma_wait3A_94 = arith.constant 0 : i32
    %dma_wait3A_95 = arith.constant 0 : i32
    %dma_wait3A_96 = arith.constant 0 : i32
    %dma_wait3A_97 = tpu.memref_slice %arg6[%dma_wait3A_93, %dma_wait3A_94, %dma_wait3A_95, %dma_wait3A_96] : memref<32x48x8x128xf32, #tpu.memory_space<vmem>> -> memref<8x48x8x128xf32, #tpu.memory_space<vmem>>
    %dma_wait3A_98 = arith.constant 16 : i32
    %dma_wait3A_99 = arith.constant 0 : i32
    %dma_wait3A_100 = arith.constant 0 : i32
    %dma_wait3A_101 = arith.constant 0 : i32
    %dma_wait3A_102 = tpu.memref_slice %arg0[%dma_wait3A_98, %dma_wait3A_99, %dma_wait3A_100, %dma_wait3A_101] : memref<32x48x8x128xf32, #tpu.memory_space<any>> -> memref<8x48x8x128xf32, #tpu.memory_space<any>>
    tpu.wait_dma2 semaphore(%dma_wait3A_92 : memref<!tpu.dma_semaphore, #tpu.memory_space<semaphore_mem>>) src(%dma_wait3A_102 : memref<8x48x8x128xf32, #tpu.memory_space<any>>) dst(%dma_wait3A_97 : memref<8x48x8x128xf32, #tpu.memory_space<vmem>>)
    %get3A_103 = arith.constant 16 : index
    %get3A_104 = arith.constant 0 : index
    %get3A_105 = arith.constant 0 : index
    %get3A_106 = arith.constant 0 : index
    %get3A_107 = vector.load %arg6[%get3A_103, %get3A_104, %get3A_105, %get3A_106] : memref<32x48x8x128xf32, #tpu.memory_space<vmem>>, vector<8x48x8x128xf32>
    %reduce_sum3A_108 = arith.constant dense<0.000000e+00> : vector<48x8x128xf32>
    %reduce_sum3A_109 = vector.multi_reduction <add>, %get3A_107, %reduce_sum3A_108 [0] : vector<8x48x8x128xf32> to vector<48x8x128xf32>
    %add3A_110 = arith.addf %add3A_89, %reduce_sum3A_109 : vector<48x8x128xf32>
    %dma_wait3A_111 = arith.constant 3 : i32
    %dma_wait3A_112 = tpu.memref_slice %arg7[%dma_wait3A_111] : memref<4x!tpu.dma_semaphore, #tpu.memory_space<semaphore_mem>> -> memref<1x!tpu.dma_semaphore, #tpu.memory_space<semaphore_mem>>
    %dma_wait3A_113 = tpu.memref_squeeze %dma_wait3A_112 : memref<1x!tpu.dma_semaphore, #tpu.memory_space<semaphore_mem>> -> memref<!tpu.dma_semaphore, #tpu.memory_space<semaphore_mem>>
    %dma_wait3A_114 = arith.constant 24 : i32
    %dma_wait3A_115 = arith.constant 0 : i32
    %dma_wait3A_116 = arith.constant 0 : i32
    %dma_wait3A_117 = arith.constant 0 : i32
    %dma_wait3A_118 = tpu.memref_slice %arg6[%dma_wait3A_114, %dma_wait3A_115, %dma_wait3A_116, %dma_wait3A_117] : memref<32x48x8x128xf32, #tpu.memory_space<vmem>> -> memref<8x48x8x128xf32, #tpu.memory_space<vmem>>
    %dma_wait3A_119 = arith.constant 24 : i32
    %dma_wait3A_120 = arith.constant 0 : i32
    %dma_wait3A_121 = arith.constant 0 : i32
    %dma_wait3A_122 = arith.constant 0 : i32
    %dma_wait3A_123 = tpu.memref_slice %arg0[%dma_wait3A_119, %dma_wait3A_120, %dma_wait3A_121, %dma_wait3A_122] : memref<32x48x8x128xf32, #tpu.memory_space<any>> -> memref<8x48x8x128xf32, #tpu.memory_space<any>>
    tpu.wait_dma2 semaphore(%dma_wait3A_113 : memref<!tpu.dma_semaphore, #tpu.memory_space<semaphore_mem>>) src(%dma_wait3A_123 : memref<8x48x8x128xf32, #tpu.memory_space<any>>) dst(%dma_wait3A_118 : memref<8x48x8x128xf32, #tpu.memory_space<vmem>>)
    %get3A_124 = arith.constant 24 : index
    %get3A_125 = arith.constant 0 : index
    %get3A_126 = arith.constant 0 : index
    %get3A_127 = arith.constant 0 : index
    %get3A_128 = vector.load %arg6[%get3A_124, %get3A_125, %get3A_126, %get3A_127] : memref<32x48x8x128xf32, #tpu.memory_space<vmem>>, vector<8x48x8x128xf32>
    %reduce_sum3A_129 = arith.constant dense<0.000000e+00> : vector<48x8x128xf32>
    %reduce_sum3A_130 = vector.multi_reduction <add>, %get3A_128, %reduce_sum3A_129 [0] : vector<8x48x8x128xf32> to vector<48x8x128xf32>
    %add3A_131 = arith.addf %add3A_110, %reduce_sum3A_130 : vector<48x8x128xf32>
    %get3A_132 = arith.constant 0 : index
    %get3A_133 = arith.constant 0 : index
    %get3A_134 = vector.load %arg4[%get3A_132, %get3A_133] : memref<64x1xi32, #tpu.memory_space<vmem>>, vector<64x1xi32>
    %broadcast_in_dim3A_135 = arith.constant 0.000000e+00 : f32
    %broadcast_in_dim3A_136 = vector.broadcast %broadcast_in_dim3A_135 : f32 to vector<48x512xf32>
    %broadcast_in_dim3A_137 = arith.constant 0.000000e+00 : f32
    %broadcast_in_dim3A_138 = vector.broadcast %broadcast_in_dim3A_137 : f32 to vector<64x512xf32>
    %get3A_139 = arith.constant 0 : index
    %get3A_140 = arith.constant 0 : index
    %get3A_141 = vector.load %arg1[%get3A_139, %get3A_140] : memref<1000x512xf32, #tpu.memory_space<vmem>>, vector<128x512xf32>
    %slice3A = vector.extract_strided_slice %add3A_131 {offsets = [0, 0, 0], sizes = [48, 1, 128], strides = [1, 1, 1]} : vector<48x8x128xf32> to vector<48x1x128xf32>
    %squeeze3A = vector.shape_cast %slice3A : vector<48x1x128xf32> to vector<48x128xf32>
    %dot_general3A = arith.constant dense<0.000000e+00> : vector<48x512xf32>
    %dot_general3A_142 = tpu.matmul %squeeze3A, %get3A_141, %dot_general3A {dimension_numbers = #tpu.dot_dimension_numbers<[1], [0], [0], [1], [0, 0, 1, 1], [], []>, precision = #tpu.contract_precision<fp32>, transpose_lhs_hint = false} : vector<48x128xf32>, vector<128x512xf32>, vector<48x512xf32> -> vector<48x512xf32>
    %add3A_143 = arith.addf %broadcast_in_dim3A_136, %dot_general3A_142 : vector<48x512xf32>
    %iota3A = tpu.iota {dimensions = array<i32: 1>} : vector<64x128xi32>
    %add3A_144 = arith.constant 0 : i32
    %add3A_145 = vector.broadcast %add3A_144 : i32 to vector<64x128xi32>
    %add3A_146 = arith.addi %iota3A, %add3A_145 : vector<64x128xi32>
    %eq3A = vector.broadcast %get3A_134 : vector<64x1xi32> to vector<64x128xi32>
    %eq3A_147 = arith.cmpi eq, %add3A_146, %eq3A : vector<64x128xi32>
    %convert_element_type3A = arith.extui %eq3A_147 : vector<64x128xi1> to vector<64x128xi32>
    %convert_element_type3A_148 = arith.sitofp %convert_element_type3A : vector<64x128xi32> to vector<64x128xf32>
    %dot_general3A_149 = arith.constant dense<0.000000e+00> : vector<64x512xf32>
    %dot_general3A_150 = tpu.matmul %convert_element_type3A_148, %get3A_141, %dot_general3A_149 {dimension_numbers = #tpu.dot_dimension_numbers<[1], [0], [0], [1], [0, 0, 1, 1], [], []>, precision = #tpu.contract_precision<fp32>, transpose_lhs_hint = false} : vector<64x128xf32>, vector<128x512xf32>, vector<64x512xf32> -> vector<64x512xf32>
    %add3A_151 = arith.addf %broadcast_in_dim3A_138, %dot_general3A_150 : vector<64x512xf32>
    %get3A_152 = arith.constant 128 : index
    %get3A_153 = arith.constant 0 : index
    %get3A_154 = vector.load %arg1[%get3A_152, %get3A_153] : memref<1000x512xf32, #tpu.memory_space<vmem>>, vector<128x512xf32>
    %slice3A_155 = vector.extract_strided_slice %add3A_131 {offsets = [0, 1, 0], sizes = [48, 1, 128], strides = [1, 1, 1]} : vector<48x8x128xf32> to vector<48x1x128xf32>
    %squeeze3A_156 = vector.shape_cast %slice3A_155 : vector<48x1x128xf32> to vector<48x128xf32>
    %dot_general3A_157 = arith.constant dense<0.000000e+00> : vector<48x512xf32>
    %dot_general3A_158 = tpu.matmul %squeeze3A_156, %get3A_154, %dot_general3A_157 {dimension_numbers = #tpu.dot_dimension_numbers<[1], [0], [0], [1], [0, 0, 1, 1], [], []>, precision = #tpu.contract_precision<fp32>, transpose_lhs_hint = false} : vector<48x128xf32>, vector<128x512xf32>, vector<48x512xf32> -> vector<48x512xf32>
    %add3A_159 = arith.addf %add3A_143, %dot_general3A_158 : vector<48x512xf32>
    %iota3A_160 = tpu.iota {dimensions = array<i32: 1>} : vector<64x128xi32>
    %add3A_161 = arith.constant 128 : i32
    %add3A_162 = vector.broadcast %add3A_161 : i32 to vector<64x128xi32>
    %add3A_163 = arith.addi %iota3A_160, %add3A_162 : vector<64x128xi32>
    %eq3A_164 = vector.broadcast %get3A_134 : vector<64x1xi32> to vector<64x128xi32>
    %eq3A_165 = arith.cmpi eq, %add3A_163, %eq3A_164 : vector<64x128xi32>
    %convert_element_type3A_166 = arith.extui %eq3A_165 : vector<64x128xi1> to vector<64x128xi32>
    %convert_element_type3A_167 = arith.sitofp %convert_element_type3A_166 : vector<64x128xi32> to vector<64x128xf32>
    %dot_general3A_168 = arith.constant dense<0.000000e+00> : vector<64x512xf32>
    %dot_general3A_169 = tpu.matmul %convert_element_type3A_167, %get3A_154, %dot_general3A_168 {dimension_numbers = #tpu.dot_dimension_numbers<[1], [0], [0], [1], [0, 0, 1, 1], [], []>, precision = #tpu.contract_precision<fp32>, transpose_lhs_hint = false} : vector<64x128xf32>, vector<128x512xf32>, vector<64x512xf32> -> vector<64x512xf32>
    %add3A_170 = arith.addf %add3A_151, %dot_general3A_169 : vector<64x512xf32>
    %get3A_171 = arith.constant 256 : index
    %get3A_172 = arith.constant 0 : index
    %get3A_173 = vector.load %arg1[%get3A_171, %get3A_172] : memref<1000x512xf32, #tpu.memory_space<vmem>>, vector<128x512xf32>
    %slice3A_174 = vector.extract_strided_slice %add3A_131 {offsets = [0, 2, 0], sizes = [48, 1, 128], strides = [1, 1, 1]} : vector<48x8x128xf32> to vector<48x1x128xf32>
    %squeeze3A_175 = vector.shape_cast %slice3A_174 : vector<48x1x128xf32> to vector<48x128xf32>
    %dot_general3A_176 = arith.constant dense<0.000000e+00> : vector<48x512xf32>
    %dot_general3A_177 = tpu.matmul %squeeze3A_175, %get3A_173, %dot_general3A_176 {dimension_numbers = #tpu.dot_dimension_numbers<[1], [0], [0], [1], [0, 0, 1, 1], [], []>, precision = #tpu.contract_precision<fp32>, transpose_lhs_hint = false} : vector<48x128xf32>, vector<128x512xf32>, vector<48x512xf32> -> vector<48x512xf32>
    %add3A_178 = arith.addf %add3A_159, %dot_general3A_177 : vector<48x512xf32>
    %iota3A_179 = tpu.iota {dimensions = array<i32: 1>} : vector<64x128xi32>
    %add3A_180 = arith.constant 256 : i32
    %add3A_181 = vector.broadcast %add3A_180 : i32 to vector<64x128xi32>
    %add3A_182 = arith.addi %iota3A_179, %add3A_181 : vector<64x128xi32>
    %eq3A_183 = vector.broadcast %get3A_134 : vector<64x1xi32> to vector<64x128xi32>
    %eq3A_184 = arith.cmpi eq, %add3A_182, %eq3A_183 : vector<64x128xi32>
    %convert_element_type3A_185 = arith.extui %eq3A_184 : vector<64x128xi1> to vector<64x128xi32>
    %convert_element_type3A_186 = arith.sitofp %convert_element_type3A_185 : vector<64x128xi32> to vector<64x128xf32>
    %dot_general3A_187 = arith.constant dense<0.000000e+00> : vector<64x512xf32>
    %dot_general3A_188 = tpu.matmul %convert_element_type3A_186, %get3A_173, %dot_general3A_187 {dimension_numbers = #tpu.dot_dimension_numbers<[1], [0], [0], [1], [0, 0, 1, 1], [], []>, precision = #tpu.contract_precision<fp32>, transpose_lhs_hint = false} : vector<64x128xf32>, vector<128x512xf32>, vector<64x512xf32> -> vector<64x512xf32>
    %add3A_189 = arith.addf %add3A_170, %dot_general3A_188 : vector<64x512xf32>
    %get3A_190 = arith.constant 384 : index
    %get3A_191 = arith.constant 0 : index
    %get3A_192 = vector.load %arg1[%get3A_190, %get3A_191] : memref<1000x512xf32, #tpu.memory_space<vmem>>, vector<128x512xf32>
    %slice3A_193 = vector.extract_strided_slice %add3A_131 {offsets = [0, 3, 0], sizes = [48, 1, 128], strides = [1, 1, 1]} : vector<48x8x128xf32> to vector<48x1x128xf32>
    %squeeze3A_194 = vector.shape_cast %slice3A_193 : vector<48x1x128xf32> to vector<48x128xf32>
    %dot_general3A_195 = arith.constant dense<0.000000e+00> : vector<48x512xf32>
    %dot_general3A_196 = tpu.matmul %squeeze3A_194, %get3A_192, %dot_general3A_195 {dimension_numbers = #tpu.dot_dimension_numbers<[1], [0], [0], [1], [0, 0, 1, 1], [], []>, precision = #tpu.contract_precision<fp32>, transpose_lhs_hint = false} : vector<48x128xf32>, vector<128x512xf32>, vector<48x512xf32> -> vector<48x512xf32>
    %add3A_197 = arith.addf %add3A_178, %dot_general3A_196 : vector<48x512xf32>
    %iota3A_198 = tpu.iota {dimensions = array<i32: 1>} : vector<64x128xi32>
    %add3A_199 = arith.constant 384 : i32
    %add3A_200 = vector.broadcast %add3A_199 : i32 to vector<64x128xi32>
    %add3A_201 = arith.addi %iota3A_198, %add3A_200 : vector<64x128xi32>
    %eq3A_202 = vector.broadcast %get3A_134 : vector<64x1xi32> to vector<64x128xi32>
    %eq3A_203 = arith.cmpi eq, %add3A_201, %eq3A_202 : vector<64x128xi32>
    %convert_element_type3A_204 = arith.extui %eq3A_203 : vector<64x128xi1> to vector<64x128xi32>
    %convert_element_type3A_205 = arith.sitofp %convert_element_type3A_204 : vector<64x128xi32> to vector<64x128xf32>
    %dot_general3A_206 = arith.constant dense<0.000000e+00> : vector<64x512xf32>
    %dot_general3A_207 = tpu.matmul %convert_element_type3A_205, %get3A_192, %dot_general3A_206 {dimension_numbers = #tpu.dot_dimension_numbers<[1], [0], [0], [1], [0, 0, 1, 1], [], []>, precision = #tpu.contract_precision<fp32>, transpose_lhs_hint = false} : vector<64x128xf32>, vector<128x512xf32>, vector<64x512xf32> -> vector<64x512xf32>
    %add3A_208 = arith.addf %add3A_189, %dot_general3A_207 : vector<64x512xf32>
    %get3A_209 = arith.constant 512 : index
    %get3A_210 = arith.constant 0 : index
    %get3A_211 = vector.load %arg1[%get3A_209, %get3A_210] : memref<1000x512xf32, #tpu.memory_space<vmem>>, vector<128x512xf32>
    %slice3A_212 = vector.extract_strided_slice %add3A_131 {offsets = [0, 4, 0], sizes = [48, 1, 128], strides = [1, 1, 1]} : vector<48x8x128xf32> to vector<48x1x128xf32>
    %squeeze3A_213 = vector.shape_cast %slice3A_212 : vector<48x1x128xf32> to vector<48x128xf32>
    %dot_general3A_214 = arith.constant dense<0.000000e+00> : vector<48x512xf32>
    %dot_general3A_215 = tpu.matmul %squeeze3A_213, %get3A_211, %dot_general3A_214 {dimension_numbers = #tpu.dot_dimension_numbers<[1], [0], [0], [1], [0, 0, 1, 1], [], []>, precision = #tpu.contract_precision<fp32>, transpose_lhs_hint = false} : vector<48x128xf32>, vector<128x512xf32>, vector<48x512xf32> -> vector<48x512xf32>
    %add3A_216 = arith.addf %add3A_197, %dot_general3A_215 : vector<48x512xf32>
    %iota3A_217 = tpu.iota {dimensions = array<i32: 1>} : vector<64x128xi32>
    %add3A_218 = arith.constant 512 : i32
    %add3A_219 = vector.broadcast %add3A_218 : i32 to vector<64x128xi32>
    %add3A_220 = arith.addi %iota3A_217, %add3A_219 : vector<64x128xi32>
    %eq3A_221 = vector.broadcast %get3A_134 : vector<64x1xi32> to vector<64x128xi32>
    %eq3A_222 = arith.cmpi eq, %add3A_220, %eq3A_221 : vector<64x128xi32>
    %convert_element_type3A_223 = arith.extui %eq3A_222 : vector<64x128xi1> to vector<64x128xi32>
    %convert_element_type3A_224 = arith.sitofp %convert_element_type3A_223 : vector<64x128xi32> to vector<64x128xf32>
    %dot_general3A_225 = arith.constant dense<0.000000e+00> : vector<64x512xf32>
    %dot_general3A_226 = tpu.matmul %convert_element_type3A_224, %get3A_211, %dot_general3A_225 {dimension_numbers = #tpu.dot_dimension_numbers<[1], [0], [0], [1], [0, 0, 1, 1], [], []>, precision = #tpu.contract_precision<fp32>, transpose_lhs_hint = false} : vector<64x128xf32>, vector<128x512xf32>, vector<64x512xf32> -> vector<64x512xf32>
    %add3A_227 = arith.addf %add3A_208, %dot_general3A_226 : vector<64x512xf32>
    %get3A_228 = arith.constant 640 : index
    %get3A_229 = arith.constant 0 : index
    %get3A_230 = vector.load %arg1[%get3A_228, %get3A_229] : memref<1000x512xf32, #tpu.memory_space<vmem>>, vector<128x512xf32>
    %slice3A_231 = vector.extract_strided_slice %add3A_131 {offsets = [0, 5, 0], sizes = [48, 1, 128], strides = [1, 1, 1]} : vector<48x8x128xf32> to vector<48x1x128xf32>
    %squeeze3A_232 = vector.shape_cast %slice3A_231 : vector<48x1x128xf32> to vector<48x128xf32>
    %dot_general3A_233 = arith.constant dense<0.000000e+00> : vector<48x512xf32>
    %dot_general3A_234 = tpu.matmul %squeeze3A_232, %get3A_230, %dot_general3A_233 {dimension_numbers = #tpu.dot_dimension_numbers<[1], [0], [0], [1], [0, 0, 1, 1], [], []>, precision = #tpu.contract_precision<fp32>, transpose_lhs_hint = false} : vector<48x128xf32>, vector<128x512xf32>, vector<48x512xf32> -> vector<48x512xf32>
    %add3A_235 = arith.addf %add3A_216, %dot_general3A_234 : vector<48x512xf32>
    %iota3A_236 = tpu.iota {dimensions = array<i32: 1>} : vector<64x128xi32>
    %add3A_237 = arith.constant 640 : i32
    %add3A_238 = vector.broadcast %add3A_237 : i32 to vector<64x128xi32>
    %add3A_239 = arith.addi %iota3A_236, %add3A_238 : vector<64x128xi32>
    %eq3A_240 = vector.broadcast %get3A_134 : vector<64x1xi32> to vector<64x128xi32>
    %eq3A_241 = arith.cmpi eq, %add3A_239, %eq3A_240 : vector<64x128xi32>
    %convert_element_type3A_242 = arith.extui %eq3A_241 : vector<64x128xi1> to vector<64x128xi32>
    %convert_element_type3A_243 = arith.sitofp %convert_element_type3A_242 : vector<64x128xi32> to vector<64x128xf32>
    %dot_general3A_244 = arith.constant dense<0.000000e+00> : vector<64x512xf32>
    %dot_general3A_245 = tpu.matmul %convert_element_type3A_243, %get3A_230, %dot_general3A_244 {dimension_numbers = #tpu.dot_dimension_numbers<[1], [0], [0], [1], [0, 0, 1, 1], [], []>, precision = #tpu.contract_precision<fp32>, transpose_lhs_hint = false} : vector<64x128xf32>, vector<128x512xf32>, vector<64x512xf32> -> vector<64x512xf32>
    %add3A_246 = arith.addf %add3A_227, %dot_general3A_245 : vector<64x512xf32>
    %get3A_247 = arith.constant 768 : index
    %get3A_248 = arith.constant 0 : index
    %get3A_249 = vector.load %arg1[%get3A_247, %get3A_248] : memref<1000x512xf32, #tpu.memory_space<vmem>>, vector<128x512xf32>
    %slice3A_250 = vector.extract_strided_slice %add3A_131 {offsets = [0, 6, 0], sizes = [48, 1, 128], strides = [1, 1, 1]} : vector<48x8x128xf32> to vector<48x1x128xf32>
    %squeeze3A_251 = vector.shape_cast %slice3A_250 : vector<48x1x128xf32> to vector<48x128xf32>
    %dot_general3A_252 = arith.constant dense<0.000000e+00> : vector<48x512xf32>
    %dot_general3A_253 = tpu.matmul %squeeze3A_251, %get3A_249, %dot_general3A_252 {dimension_numbers = #tpu.dot_dimension_numbers<[1], [0], [0], [1], [0, 0, 1, 1], [], []>, precision = #tpu.contract_precision<fp32>, transpose_lhs_hint = false} : vector<48x128xf32>, vector<128x512xf32>, vector<48x512xf32> -> vector<48x512xf32>
    %add3A_254 = arith.addf %add3A_235, %dot_general3A_253 : vector<48x512xf32>
    %iota3A_255 = tpu.iota {dimensions = array<i32: 1>} : vector<64x128xi32>
    %add3A_256 = arith.constant 768 : i32
    %add3A_257 = vector.broadcast %add3A_256 : i32 to vector<64x128xi32>
    %add3A_258 = arith.addi %iota3A_255, %add3A_257 : vector<64x128xi32>
    %eq3A_259 = vector.broadcast %get3A_134 : vector<64x1xi32> to vector<64x128xi32>
    %eq3A_260 = arith.cmpi eq, %add3A_258, %eq3A_259 : vector<64x128xi32>
    %convert_element_type3A_261 = arith.extui %eq3A_260 : vector<64x128xi1> to vector<64x128xi32>
    %convert_element_type3A_262 = arith.sitofp %convert_element_type3A_261 : vector<64x128xi32> to vector<64x128xf32>
    %dot_general3A_263 = arith.constant dense<0.000000e+00> : vector<64x512xf32>
    %dot_general3A_264 = tpu.matmul %convert_element_type3A_262, %get3A_249, %dot_general3A_263 {dimension_numbers = #tpu.dot_dimension_numbers<[1], [0], [0], [1], [0, 0, 1, 1], [], []>, precision = #tpu.contract_precision<fp32>, transpose_lhs_hint = false} : vector<64x128xf32>, vector<128x512xf32>, vector<64x512xf32> -> vector<64x512xf32>
    %add3A_265 = arith.addf %add3A_246, %dot_general3A_264 : vector<64x512xf32>
    %get3A_266 = arith.constant 896 : index
    %get3A_267 = arith.constant 0 : index
    %get3A_268 = vector.load %arg1[%get3A_266, %get3A_267] : memref<1000x512xf32, #tpu.memory_space<vmem>>, vector<104x512xf32>
    %slice3A_269 = vector.extract_strided_slice %add3A_131 {offsets = [0, 7, 0], sizes = [48, 1, 104], strides = [1, 1, 1]} : vector<48x8x128xf32> to vector<48x1x104xf32>
    %squeeze3A_270 = vector.shape_cast %slice3A_269 : vector<48x1x104xf32> to vector<48x104xf32>
    %dot_general3A_271 = arith.constant dense<0.000000e+00> : vector<48x512xf32>
    %dot_general3A_272 = tpu.matmul %squeeze3A_270, %get3A_268, %dot_general3A_271 {dimension_numbers = #tpu.dot_dimension_numbers<[1], [0], [0], [1], [0, 0, 1, 1], [], []>, precision = #tpu.contract_precision<fp32>, transpose_lhs_hint = false} : vector<48x104xf32>, vector<104x512xf32>, vector<48x512xf32> -> vector<48x512xf32>
    %add3A_273 = arith.addf %add3A_254, %dot_general3A_272 : vector<48x512xf32>
    %iota3A_274 = tpu.iota {dimensions = array<i32: 1>} : vector<64x104xi32>
    %add3A_275 = arith.constant 896 : i32
    %add3A_276 = vector.broadcast %add3A_275 : i32 to vector<64x104xi32>
    %add3A_277 = arith.addi %iota3A_274, %add3A_276 : vector<64x104xi32>
    %eq3A_278 = vector.broadcast %get3A_134 : vector<64x1xi32> to vector<64x104xi32>
    %eq3A_279 = arith.cmpi eq, %add3A_277, %eq3A_278 : vector<64x104xi32>
    %convert_element_type3A_280 = arith.extui %eq3A_279 : vector<64x104xi1> to vector<64x104xi32>
    %convert_element_type3A_281 = arith.sitofp %convert_element_type3A_280 : vector<64x104xi32> to vector<64x104xf32>
    %dot_general3A_282 = arith.constant dense<0.000000e+00> : vector<64x512xf32>
    %dot_general3A_283 = tpu.matmul %convert_element_type3A_281, %get3A_268, %dot_general3A_282 {dimension_numbers = #tpu.dot_dimension_numbers<[1], [0], [0], [1], [0, 0, 1, 1], [], []>, precision = #tpu.contract_precision<fp32>, transpose_lhs_hint = false} : vector<64x104xf32>, vector<104x512xf32>, vector<64x512xf32> -> vector<64x512xf32>
    %add3A_284 = arith.addf %add3A_265, %dot_general3A_283 : vector<64x512xf32>
    %slice3A_285 = vector.extract_strided_slice %add3A_273 {offsets = [0, 0], sizes = [16, 512], strides = [1, 1]} : vector<48x512xf32> to vector<16x512xf32>
    %slice3A_286 = vector.extract_strided_slice %add3A_273 {offsets = [16, 0], sizes = [16, 512], strides = [1, 1]} : vector<48x512xf32> to vector<16x512xf32>
    %slice3A_287 = vector.extract_strided_slice %add3A_273 {offsets = [32, 0], sizes = [16, 512], strides = [1, 1]} : vector<48x512xf32> to vector<16x512xf32>
    %add3A_288 = arith.addf %slice3A_286, %slice3A_287 : vector<16x512xf32>
    %get3A_289 = arith.constant 0 : index
    %get3A_290 = arith.constant 0 : index
    %get3A_291 = vector.load %arg2[%get3A_289, %get3A_290] : memref<512x512xf32, #tpu.memory_space<vmem>>, vector<512x512xf32>
    %dot_general3A_292 = arith.constant dense<0.000000e+00> : vector<16x512xf32>
    %dot_general3A_293 = tpu.matmul %slice3A_285, %get3A_291, %dot_general3A_292 {dimension_numbers = #tpu.dot_dimension_numbers<[1], [1], [0], [0], [0, 0, 1, 0], [], []>, precision = #tpu.contract_precision<fp32>, transpose_lhs_hint = false} : vector<16x512xf32>, vector<512x512xf32>, vector<16x512xf32> -> vector<16x512xf32>
    %get3A_294 = arith.constant 0 : index
    %get3A_295 = arith.constant 0 : index
    %get3A_296 = vector.load %arg3[%get3A_294, %get3A_295] : memref<512x512xf32, #tpu.memory_space<vmem>>, vector<512x512xf32>
    %dot_general3A_297 = arith.constant dense<0.000000e+00> : vector<16x512xf32>
    %dot_general3A_298 = tpu.matmul %add3A_288, %get3A_296, %dot_general3A_297 {dimension_numbers = #tpu.dot_dimension_numbers<[1], [1], [0], [0], [0, 0, 1, 0], [], []>, precision = #tpu.contract_precision<fp32>, transpose_lhs_hint = false} : vector<16x512xf32>, vector<512x512xf32>, vector<16x512xf32> -> vector<16x512xf32>
    %iota3A_299 = tpu.iota {dimensions = array<i32: 0>} : vector<64x16xi32>
    %jit3A = arith.constant 4 : i32
    %div3A = vector.broadcast %jit3A : i32 to vector<64x16xi32>
    %div3A_300 = arith.divsi %iota3A_299, %div3A : vector<64x16xi32>
    %sign3A = arith.constant 0 : i32
    %sign3A_301 = vector.broadcast %sign3A : i32 to vector<64x16xi32>
    %sign3A_302 = arith.cmpi sgt, %iota3A_299, %sign3A_301 : vector<64x16xi32>
    %sign3A_303 = arith.extui %sign3A_302 : vector<64x16xi1> to vector<64x16xi32>
    %sign3A_304 = arith.constant 0 : i32
    %sign3A_305 = vector.broadcast %sign3A_304 : i32 to vector<64x16xi32>
    %sign3A_306 = arith.cmpi slt, %iota3A_299, %sign3A_305 : vector<64x16xi32>
    %sign3A_307 = arith.extui %sign3A_306 : vector<64x16xi1> to vector<64x16xi32>
    %sign3A_308 = arith.subi %sign3A_303, %sign3A_307 : vector<64x16xi32>
    %sign3A_309 = arith.constant 0 : i32
    %sign3A_310 = arith.cmpi sgt, %jit3A, %sign3A_309 : i32
    %sign3A_311 = arith.extui %sign3A_310 : i1 to i32
    %sign3A_312 = arith.constant 0 : i32
    %sign3A_313 = arith.cmpi slt, %jit3A, %sign3A_312 : i32
    %sign3A_314 = arith.extui %sign3A_313 : i1 to i32
    %sign3A_315 = arith.subi %sign3A_311, %sign3A_314 : i32
    %ne3A = vector.broadcast %sign3A_315 : i32 to vector<64x16xi32>
    %ne3A_316 = arith.cmpi ne, %sign3A_308, %ne3A : vector<64x16xi32>
    %rem3A = vector.broadcast %jit3A : i32 to vector<64x16xi32>
    %rem3A_317 = arith.remsi %iota3A_299, %rem3A : vector<64x16xi32>
    %ne3A_318 = arith.constant 0 : i32
    %ne3A_319 = vector.broadcast %ne3A_318 : i32 to vector<64x16xi32>
    %ne3A_320 = arith.cmpi ne, %rem3A_317, %ne3A_319 : vector<64x16xi32>
    %and3A = arith.andi %ne3A_316, %ne3A_320 : vector<64x16xi1>
    %sub3A = arith.constant 1 : i32
    %sub3A_321 = vector.broadcast %sub3A : i32 to vector<64x16xi32>
    %sub3A_322 = arith.subi %div3A_300, %sub3A_321 : vector<64x16xi32>
    %select_n3A = arith.select %and3A, %sub3A_322, %div3A_300 : vector<64x16xi1>, vector<64x16xi32>
    %iota3A_323 = tpu.iota {dimensions = array<i32: 1>} : vector<64x16xi32>
    %eq3A_324 = arith.cmpi eq, %select_n3A, %iota3A_323 : vector<64x16xi32>
    %convert_element_type3A_325 = arith.extui %eq3A_324 : vector<64x16xi1> to vector<64x16xi32>
    %convert_element_type3A_326 = arith.sitofp %convert_element_type3A_325 : vector<64x16xi32> to vector<64x16xf32>
    %dot_general3A_327 = arith.constant dense<0.000000e+00> : vector<64x512xf32>
    %dot_general3A_328 = tpu.matmul %convert_element_type3A_326, %dot_general3A_293, %dot_general3A_327 {dimension_numbers = #tpu.dot_dimension_numbers<[1], [0], [0], [1], [0, 0, 1, 1], [], []>, precision = #tpu.contract_precision<fp32>, transpose_lhs_hint = false} : vector<64x16xf32>, vector<16x512xf32>, vector<64x512xf32> -> vector<64x512xf32>
    %dot_general3A_329 = arith.constant dense<0.000000e+00> : vector<64x512xf32>
    %dot_general3A_330 = tpu.matmul %convert_element_type3A_326, %dot_general3A_298, %dot_general3A_329 {dimension_numbers = #tpu.dot_dimension_numbers<[1], [0], [0], [1], [0, 0, 1, 1], [], []>, precision = #tpu.contract_precision<fp32>, transpose_lhs_hint = false} : vector<64x16xf32>, vector<16x512xf32>, vector<64x512xf32> -> vector<64x512xf32>
    %mul3A = arith.mulf %add3A_284, %dot_general3A_328 : vector<64x512xf32>
    %neg3A = arith.constant 0.000000e+00 : f32
    %neg3A_331 = vector.broadcast %neg3A : f32 to vector<64x512xf32>
    %neg3A_332 = arith.subf %neg3A_331, %mul3A : vector<64x512xf32>
    %exp3A = math.exp %neg3A_332 : vector<64x512xf32>
    %add3A_333 = arith.constant 1.000000e+00 : f32
    %add3A_334 = vector.broadcast %add3A_333 : f32 to vector<64x512xf32>
    %add3A_335 = arith.addf %add3A_334, %exp3A : vector<64x512xf32>
    %div3A_336 = arith.constant 1.000000e+00 : f32
    %div3A_337 = vector.broadcast %div3A_336 : f32 to vector<64x512xf32>
    %div3A_338 = arith.divf %div3A_337, %add3A_335 : vector<64x512xf32>
    %add3A_339 = arith.addf %add3A_284, %div3A_338 : vector<64x512xf32>
    %mul3A_340 = arith.mulf %add3A_284, %dot_general3A_330 : vector<64x512xf32>
    %neg3A_341 = arith.constant 0.000000e+00 : f32
    %neg3A_342 = vector.broadcast %neg3A_341 : f32 to vector<64x512xf32>
    %neg3A_343 = arith.subf %neg3A_342, %mul3A_340 : vector<64x512xf32>
    %exp3A_344 = math.exp %neg3A_343 : vector<64x512xf32>
    %add3A_345 = arith.constant 1.000000e+00 : f32
    %add3A_346 = vector.broadcast %add3A_345 : f32 to vector<64x512xf32>
    %add3A_347 = arith.addf %add3A_346, %exp3A_344 : vector<64x512xf32>
    %div3A_348 = arith.constant 1.000000e+00 : f32
    %div3A_349 = vector.broadcast %div3A_348 : f32 to vector<64x512xf32>
    %div3A_350 = arith.divf %div3A_349, %add3A_347 : vector<64x512xf32>
    %add3A_351 = arith.addf %add3A_339, %div3A_350 : vector<64x512xf32>
    %reshape3A = vector.shape_cast %add3A_351 : vector<64x512xf32> to vector<16x4x512xf32>
    %swap3A = arith.constant 0 : index
    %swap3A_352 = arith.constant 0 : index
    %swap3A_353 = arith.constant 0 : index
    %swap3A_354 = vector.load %arg5[%swap3A, %swap3A_352, %swap3A_353] : memref<16x4x512xf32, #tpu.memory_space<vmem>>, vector<16x4x512xf32>
    tpu.vector_store %arg5[%swap3A, %swap3A_352, %swap3A_353], %reshape3A {strides = array<i32>} : memref<16x4x512xf32, #tpu.memory_space<vmem>>, vector<16x4x512xf32>,
    return
  }
}

</mosaic_0001>

<sc_bundles>
// kernel: kernel.4.cloned.1.call-start
scs
__scs_entry_jumppad:
0x0: {  	(pc) =	sbr.rel $0x88, $3  }
0x1: {  	(tag) =	ssettag $0x0;
	lr =	simm.s32 $0x1  }
0x2: {  	[smem:$0x3F97] =	sst lr;
	_ =	strace $0xD0000000  }
0x3: {  	_ = 	snop  }
0x4: {  	_ = 	snop  }
0x5: {  	_ = 	snop  }
0x6: {  	_ = 	snop  }
0x7: {  	_ = 	snop  }
__scs_overlays_trampoline_lowered:
0x8: {  	[smem:$0x3FA6] =	sst s0  }
0x9: {  	[smem:$0x3FA7] =	sst s1  }
0xa: {  	[smem:$0x3FA8] =	sst s2  }
0xb: {  	[smem:$0x3FA9] =	sst s3  }
0xc: {  	[smem:$0x3FAA] =	sst s4  }
0xd: {  	[smem:$0x3FAB] =	sst s5  }
0xe: {  	[smem:$0x3FAC] =	sst s6  }
0xf: {  	[smem:$0x3FAD] =	sst s7  }
0x10: {  	[smem:$0x3FAE] =	sst s8  }
0x11: {  	[smem:$0x3FAF] =	sst s9;
	s0 =	simm.s32 @!p0 $0x0  }
0x12: {  	s1 =	sld [smem:$0x3F95];
	s0 =	simm.s32 @p0 $0x1  }
0x13: {  	[smem:$0x3FB0] =	sst s0;
	s0 =	simm.s32 @!p1 $0x0  }
0x14: {  	s2 =	sld [smem:$0x3F94];
	s0 =	simm.s32 @p1 $0x1  }
0x15: {  	[smem:$0x3FB1] =	sst s0;
	s0 =	simm.s32 @!p2 $0x0  }
0x16: {  	s3 =	sld [smem:$0x3FDB];
	s0 =	simm.s32 @p2 $0x1  }
0x17: {  	s4 =	simm.s32 $0x1BF5;
	[smem:$0x3FB3] =	sst s0  }
0x18: {  	s0 =	sld [smem:$0x3F96];
	_ =	swait.ge [sflag:s4], $0x0  }
0x19: {  	s7 =	sld [smem:$0x3F97]  }
0x1a: {  	s8 =	sadd.s32 $0xFFFFE003, lr  }
0x1b: {  	s9 =	sadd.s32 $0xFFFFFEF7, lr;
	s5 =	simm.s32 $0xFFFFFFFF;
	p2 =	slt.u32 s8, $0xFFFFF086  }
0x1c: {  	p1 =	slt.u32 s9, $0xF7A;
	s5 =	simm.s32 @!p2 $0x0  }
0x1d: {  	s5 =	simm.s32 @p1 $0x1;
	p0 =	seq.s32 s7, s2  }
0x1e: {  	s7 =	smul.u32 @!p0 $0xF7A, s2;
	p2 =	seq.s32 @!p0 s5, $0x0  }
0x1f: {  	s9 =	smul.u32 $0xF7A, s1;
	s8 =	simm.s32 @!p0 $0x1BF5;
	p2 =	por !p2, p0  }
0x20: {  	[sflag:s8] =	ssyncset.s32 @!p0 $0xFFFFF086;
	s6 =	sadd.s32 @!p0 s3, s7;
	s7 =	simm.s32 @!p0 $0x108  }
0x21: {  	s3 =	sadd.s32 s3, s9;
	s6 =	sadd.s32 @!p0 $0x88, s6;
	s7 =	simm.s32 @p2 $0x1082  }
0x22: {  	[simem:s7], [sflag:s8] =	dma.local @!p0 [hbm:s6], $0xF7A  }
0x23: {  	s9 =	sor.u32 $0xD0000000, s2;
	s6 =	simm.s32 $0x108;
	_ =	swait.ge @!p0 [sflag:s8], $0x0  }
0x24: {  	s3 =	sadd.s32 $0x88, s3;
	s6 =	simm.s32 @!p1 $0x1082;
	[sflag:s4] =	ssyncset.s32 $0xFFFFF086  }
0x25: {  	[simem:s6], [sflag:s4] =	dma.local [hbm:s3], $0xF7A  }
0x26: {  	[smem:$0x3F97] =	sst s1;
	(tag) =	ssettag s2;
	_ =	strace s9  }
0x27: {  	s1 =	sld [smem:$0x3FA7]  }
0x28: {  	s2 =	sld [smem:$0x3FA8]  }
0x29: {  	s4 =	sld [smem:$0x3FAA]  }
0x2a: {  	p0 =	seq.s32 s5, $0x0;
	s5 =	sld [smem:$0x3FAB]  }
0x2b: {  	s6 =	sld [smem:$0x3FAC]  }
0x2c: {  	s7 =	sld [smem:$0x3FAD]  }
0x2d: {  	s3 =	simm.s32 $0x108;
	s8 =	sld [smem:$0x3FAE]  }
0x2e: {  	s3 =	simm.s32 @!p0 $0x1082;
	s9 =	sld [smem:$0x3FAF]  }
0x2f: {  	lr =	sadd.s32 s0, s3;
	s0 =	sld [smem:$0x3FA6]  }
0x30: {  	s3 =	sld [smem:$0x3FA9]  }
0x31: {  	[smem:$0x3FB2] =	sst s10  }
0x32: {  	s10 =	sld [smem:$0x3FB0];
	_ =	sdelay $0x3  }
0x33: {  	p0 =	seq.s32 s10, $0x1;
	s10 =	sld [smem:$0x3FB2];
	_ =	sdelay $0x3  }
0x34: {  	[smem:$0x3FB2] =	sst s10  }
0x35: {  	s10 =	sld [smem:$0x3FB1];
	_ =	sdelay $0x3  }
0x36: {  	p1 =	seq.s32 s10, $0x1;
	s10 =	sld [smem:$0x3FB2];
	_ =	sdelay $0x3  }
0x37: {  	[smem:$0x3FB2] =	sst s10  }
0x38: {  	s10 =	sld [smem:$0x3FB3]  }
0x39: {  	_ = 	snop;
	(pc) =	sbr.ind lr, $3  }
0x3a: {  	_ = 	snop  }
0x3b: {  	_ = 	snop  }
0x3c: {  	p2 =	seq.s32 s10, $0x1;
	s10 =	sld [smem:$0x3FB2]  }
0x3d: {  	_ =	shalt  }
0x3e: {  	_ =	shalt  }
0x3f: {  	_ =	shalt  }
0x40: {  	_ =	shalt  }
0x41: {  	_ =	shalt  }
0x42: {  	_ =	shalt  }
0x43: {  	_ =	shalt  }
0x44: {  	_ =	shalt  }
0x45: {  	_ =	shalt  }
0x46: {  	_ =	shalt  }
0x47: {  	_ =	shalt  }
0x48: {  	_ =	shalt  }
0x49: {  	_ =	shalt  }
0x4a: {  	_ =	shalt  }
0x4b: {  	_ =	shalt  }
0x4c: {  	_ =	shalt  }
0x4d: {  	_ =	shalt  }
0x4e: {  	_ =	shalt  }
0x4f: {  	_ =	shalt  }
0x50: {  	_ =	shalt  }
0x51: {  	_ =	shalt  }
0x52: {  	_ =	shalt  }
0x53: {  	_ =	shalt  }
0x54: {  	_ =	shalt  }
0x55: {  	_ =	shalt  }
0x56: {  	_ =	shalt  }
0x57: {  	_ =	shalt  }
0x58: {  	_ =	shalt  }
0x59: {  	_ =	shalt  }
0x5a: {  	_ =	shalt  }
0x5b: {  	_ =	shalt  }
0x5c: {  	_ =	shalt  }
0x5d: {  	_ =	shalt  }
0x5e: {  	_ =	shalt  }
0x5f: {  	_ =	shalt  }
0x60: {  	_ =	shalt  }
0x61: {  	_ =	shalt  }
0x62: {  	_ =	shalt  }
0x63: {  	_ =	shalt  }
0x64: {  	_ =	shalt  }
0x65: {  	_ =	shalt  }
0x66: {  	_ =	shalt  }
0x67: {  	_ =	shalt  }
0x68: {  	_ =	shalt  }
0x69: {  	_ =	shalt  }
0x6a: {  	_ =	shalt  }
0x6b: {  	_ =	shalt  }
0x6c: {  	_ =	shalt  }
0x6d: {  	_ =	shalt  }
0x6e: {  	_ =	shalt  }
0x6f: {  	_ =	shalt  }
0x70: {  	_ =	shalt  }
0x71: {  	_ =	shalt  }
0x72: {  	_ =	shalt  }
0x73: {  	_ =	shalt  }
0x74: {  	_ =	shalt  }
0x75: {  	_ =	shalt  }
0x76: {  	_ =	shalt  }
0x77: {  	_ =	shalt  }
0x78: {  	_ =	shalt  }
0x79: {  	_ =	shalt  }
0x7a: {  	_ =	shalt  }
0x7b: {  	_ =	shalt  }
0x7c: {  	_ =	shalt  }
0x7d: {  	_ =	shalt  }
0x7e: {  	_ =	shalt  }
0x7f: {  	_ =	shalt  }
0x80: {  	_ =	shalt  }
0x81: {  	_ =	shalt  }
0x82: {  	_ =	shalt  }
0x83: {  	_ =	shalt  }
0x84: {  	_ =	shalt  }
0x85: {  	_ =	shalt  }
0x86: {  	_ =	shalt  }
0x87: {  	_ =	shalt  }
.Lfunc_end0:
.L_simem_size_0:
called_computation_lowered:
.L_overlay_start_0:
0x88: {  	s2 =	sld [smem:$0x3FD9]  }
0x89: {  	s3 =	sld [smem:$0x3FFE];
	_ =	sdelay $0x1  }
0x8a: {  	s1 =	srdreg.scid  }
0x8b: {  	s0 =	sand.u32 $0x1, s1  }
0x8c: {  	s17 =	sshll.u32 s0, $0xA;
	s2 =	sadd.s32 s3, s2  }
0x8d: {  	s2 =	sadd.s32 s2, s17  }
0x8e: {  	[smem:$0x3FBE] =	sst s2  }
0x8f: {  	_ = 	snop  }
0x90: {  	s2 =	sld [smem:$0x3FC6]  }
0x91: {  	s18 =	sld [smem:$0x3FC5]  }
0x92: {  	s4 =	sld [smem:$0x3FC4]  }
0x93: {  	s5 =	sld [smem:$0x3FC3]  }
0x94: {  	s6 =	sld [smem:$0x3FC2]  }
0x95: {  	s7 =	sld [smem:$0x3FC1];
	(tm) =	ssettm $0x1  }
0x96: {  	s8 =	sld [smem:$0x3FFB];
	_ =	sdelay $0x3  }
0x97: {  	_ =	strace s8  }
0x98: {  	s8 =	sld [smem:$0x3FFC];
	_ =	sdelay $0x3  }
0x99: {  	_ =	strace s8  }
0x9a: {  	s8 =	sld [smem:$0x3FFD];
	_ =	sdelay $0x3  }
0x9b: {  	_ =	strace s8  }
0x9c: {  	_ =	strace $0x8FFFFFFF  }
0x9d: {  	s19 =	sld [smem:$0x3FDB];
	_ =	sdelay $0x1  }
0x9e: {  	s9 =	simm.s32 $_scs_section_size  }
0x9f: {  	s10 =	simm.s32 $_size__tile_overlayer_lowered;
	s11 =	simm.s32 $_tile_overlayer_lowered  }
0xa0: {  	s22 =	simm.s32 $0x1BFF;
	s21 =	sshll.u32 s11, $0x1;
	s8 =	sadd.s32 s9, s19  }
0xa1: {  	s12 =	simm.s32 $0x0;
	s20 =	sshll.u32 s10, $0x1;
	s10 =	sadd.s32 s21, s8  }
0xa2: {  	[timem:s12], [sflag:s22] =	dma.local [hbm:s10], s20  }
0xa3: {  	_ =	swait.ge [sflag:s22], s20  }
0xa4: {  	s9 =	ssub.s32 $0x0, s20;
	[sflag:s22] =	ssyncset.done $0x0  }
0xa5: {  	[sflag:s22] =	ssyncadd.s32 s9;
	_ =	sdelay $0x1  }
0xa6: {  	s23 =	simm.s32 $0x1B8B  }
0xa7: {  	_ =	swait.ge [sflag:s23], $0x1  }
0xa8: {  	[sflag:s23] =	ssyncset.done $0x0  }
0xa9: {  	s25 =	simm.s32 $0x1B8E;
	s24 =	sld [smem:$0x3FFE];
	[sflag:s23] =	ssyncadd.s32 $0xFFFFFFFF  }
0xaa: {  	s26 =	simm.s32 $execute0_lowered;
	[smem:$0x3FD2] =	sst s25  }
0xab: {  	s10 =	sshll.u32 s26, $0x1;
	_ =	strace $0x80000046;
	[dreg:$0x1] =	wrdreg $0xFFFFFFFF  }
0xac: {  	s28 =	simm.s32 $_size_execute0_lowered;
	s8 =	sadd.s32 s8, s10;
	[dreg:$0x0] =	wrdreg $0x0  }
0xad: {  	s10 =	sshll.u32 s28, $0x1;
	[dreg:$0x2] =	wrdreg s8  }
0xae: {  	[dreg:$0x3] =	wrdreg s10  }
0xaf: {  	[dreg:$0x4] =	wrdreg $0xC0  }
0xb0: {  	_ =	task [dreg:s12], $0x5FFFF  }
0xb1: {  	[dreg:$0x1] =	wrdreg $0xFFFFFFFF  }
0xb2: {  	[dreg:$0x0] =	wrdreg $0x60  }
0xb3: {  	[dreg:$0x2] =	wrdreg s2  }
0xb4: {  	[dreg:$0x3] =	wrdreg s18  }
0xb5: {  	[dreg:$0x4] =	wrdreg s4  }
0xb6: {  	[dreg:$0x5] =	wrdreg s5  }
0xb7: {  	[dreg:$0x6] =	wrdreg s6  }
0xb8: {  	[dreg:$0x7] =	wrdreg s7  }
0xb9: {  	[dreg:$0x8] =	wrdreg s24  }
0xba: {  	[dreg:$0x9] =	wrdreg $0x9  }
0xbb: {  	_ =	task.clear_ibuf [dreg:s12], $0xAFFFF;
	_ =	strace $0x90000046  }
0xbc: {  	s29 =	simm.s32 $0x9;
	_ =	strace $0x80000048  }
0xbd: {  	_ =	swait.ge [sflag:s29], $0x1  }
0xbe: {  	[sflag:s29] =	ssyncadd.s32 $0xFFFFFFFF  }
0xbf: {  	_ =	strace $0x90000048  }
0xc0: {  	_ =	sfence  }
0xc1: {  	s30 =	sld [smem:$0x0];
	_ =	sdelay $0x2  }
0xc2: {  	s31 =	sshll.u32 s1, $0xD;
	s1 =	sshrl.u32 s1, $0x2  }
0xc3: {  	s3 =	sand.u32 $0x4000, s31;
	s1 =	sadd.s32 s1, s30  }
0xc4: {  	s0 =	sor.u32 s3, s0;
	s1 =	sshll.u32 s1, $0x11  }
0xc5: {  	s0 =	sor.u32 s1, s0  }
0xc6: {  	s0 =	sadd.s32 $0x8F2B, s0  }
0xc7: {  	[sflag:s0] =	ssyncadd.remote.s32 $0x1  }
0xc8: {  	_ =	sfence.sel $0xFFFF  }
0xc9: {  	[dreg:$0x0] =	wrdreg $0xFFFFFFFF;
	(pc) =	sbr.abs _section_cstart, $3  }
0xca: {  	[dreg:$0x1] =	wrdreg $0xFFFFFFFF  }
0xcb: {  	_ =	task.clear_ibuf [dreg:s12], $0x2FFFF;
	_ =	strace $0x9FFFFFFF  }
0xcc: {  	(tm) =	ssettm $0x7FFFFFFF  }
0xcd: {  	_ =	shalt  }
tec
execute0_lowered:
.L_overlay_start_1:
0x0: {  	(tag) =	ssettag $0x1  }
0x1: {  	s3 =	rddreg [dreg:$0x0]  }
0x2: {  	s4 =	rddreg [dreg:$0x1]  }
0x3: {  	s5 =	rddreg [dreg:$0x2]  }
0x4: {  	s6 =	rddreg [dreg:$0x3]  }
0x5: {  	s7 =	rddreg [dreg:$0x4]  }
0x6: {  	s1 =	srdreg.scid;
	s8 =	rddreg [dreg:$0x5]  }
0x7: {  	s0 =	stileid.u32;
	s10 =	rddreg [dreg:$0x6];
	s2 =	simm.s32 $0x0  }
0x8: {  	s14 =	simm.s32 $0x400;
	s15 =	simm.s32 $0x600;
	s16 =	simm.s32 $0x800  }
0x9: {  	s17 =	simm.s32 $0xA00;
	s18 =	simm.s32 $0x1;
	s19 =	simm.s32 $0xC00  }
0xa: {  	s20 =	simm.s32 $0x4C00;
	s21 =	simm.s32 $0x8C00;
	s22 =	simm.s32 $0x0  }
0xb: {  	s9 =	sand.u32 $0x1, s1;
	s30 =	sshll.u32 s0, $0x1;
	s1 =	rddreg [dreg:$0x7]  }
0xc: {  	[smem:$0x7FF] =	sst s2;
	s11 =	sor.u32 s9, s30;
	s9 =	ssub.s32 $0x2, s9  }
0xd: {  	s12 =	smul.u32 $0xC000, s11;
	s31 =	sshrl.u32 s9, $0x1;
	s11 =	sshll.u32 s11, $0x6  }
0xe: {  	_ =	strace $0x80000047;
	s13 =	ssub.s32 s9, s31;
	s3 =	sadd.s32 s3, s11  }
0xf: {  	s4 =	sadd.s32 s4, s11;
	s5 =	sadd.s32 s5, s11;
	s12 =	sshrl.u32 s12, $0x3  }
0x10: {  	s6 =	sadd.s32 s6, s11;
	s7 =	sadd.s32 s7, s11;
	s12 =	sadd.s32 s12, s10  }
0x11: {  	s8 =	sadd.s32 s8, s11;
	s9 =	sadd.s32 $0xE00, s12;
	s10 =	sadd.s32 $0x1600, s12  }
0x12: {  	v0 =	vimm.f32 $0.0e+00;
	v1 =	vimm.f32 $1.000000000e+00;
	s11 =	sadd.s32 $0x1E00, s12;
	s12 =	smax.u32 s13, $0x1;
	s13 =	simm.s32 $0x200  }
.LBB2_1:
0x13: {  	[tilespmem:s2], [sflag:$0x1] =	stream.linear.gather [hbm4b:s3+s2], $0x200, $0x38;
	[tilespmem:$0xCC00] =	vst v63  }
0x14: {  	_ = 	snop  }
0x15: {  	[tilespmem:s13], [sflag:$0x1] =	stream.linear.gather [hbm4b:s4+s2], $0x200, $0x38;
	[tilespmem:$0xCC00] =	vst v63  }
0x16: {  	_ = 	snop  }
0x17: {  	[tilespmem:s14], [sflag:$0x1] =	stream.linear.gather [hbm4b:s5+s2], $0x200, $0x38;
	[tilespmem:$0xCC00] =	vst v63  }
0x18: {  	_ = 	snop  }
0x19: {  	[tilespmem:s15], [sflag:$0x1] =	stream.linear.gather [hbm4b:s6+s2], $0x200, $0x38;
	[tilespmem:$0xCC00] =	vst v63  }
0x1a: {  	_ = 	snop  }
0x1b: {  	[tilespmem:s16], [sflag:$0x1] =	stream.linear.gather [hbm4b:s7+s2], $0x200, $0x38;
	[tilespmem:$0xCC00] =	vst v63  }
0x1c: {  	s23 =	simm.s32 $0x0;
	s24 =	simm.s32 $0x1000  }
0x1d: {  	[tilespmem:s17], [sflag:$0x1] =	stream.linear.gather [hbm4b:s8+s2], $0x200, $0x38;
	[tilespmem:$0xCC00] =	vst v63  }
.LBB2_2:
0x1e: {  	p0 =	sne.s32 s24, $0x2F000;
	[tilespmem:s23+$0xFF0] =	vst v0  }
0x1f: {  	[tilespmem:s23+$0xC00] =	vst v0  }
0x20: {  	[tilespmem:s23+$0xC10] =	vst v0  }
0x21: {  	[tilespmem:s23+$0xC20] =	vst v0  }
0x22: {  	[tilespmem:s23+$0xC30] =	vst v0  }
0x23: {  	[tilespmem:s23+$0xC40] =	vst v0  }
0x24: {  	[tilespmem:s23+$0xC50] =	vst v0  }
0x25: {  	[tilespmem:s23+$0xC60] =	vst v0  }
0x26: {  	[tilespmem:s23+$0xC70] =	vst v0  }
0x27: {  	[tilespmem:s23+$0xC80] =	vst v0  }
0x28: {  	[tilespmem:s23+$0xC90] =	vst v0  }
0x29: {  	[tilespmem:s23+$0xCA0] =	vst v0  }
0x2a: {  	[tilespmem:s23+$0xCB0] =	vst v0  }
0x2b: {  	[tilespmem:s23+$0xCC0] =	vst v0  }
0x2c: {  	[tilespmem:s23+$0xCD0] =	vst v0  }
0x2d: {  	[tilespmem:s23+$0xCE0] =	vst v0  }
0x2e: {  	[tilespmem:s23+$0xCF0] =	vst v0  }
0x2f: {  	[tilespmem:s23+$0xD00] =	vst v0  }
0x30: {  	[tilespmem:s23+$0xD10] =	vst v0  }
0x31: {  	[tilespmem:s23+$0xD20] =	vst v0  }
0x32: {  	[tilespmem:s23+$0xD30] =	vst v0  }
0x33: {  	[tilespmem:s23+$0xD40] =	vst v0  }
0x34: {  	[tilespmem:s23+$0xD50] =	vst v0  }
0x35: {  	[tilespmem:s23+$0xD60] =	vst v0  }
0x36: {  	[tilespmem:s23+$0xD70] =	vst v0  }
0x37: {  	[tilespmem:s23+$0xD80] =	vst v0  }
0x38: {  	[tilespmem:s23+$0xD90] =	vst v0  }
0x39: {  	[tilespmem:s23+$0xDA0] =	vst v0  }
0x3a: {  	[tilespmem:s23+$0xDB0] =	vst v0  }
0x3b: {  	[tilespmem:s23+$0xDC0] =	vst v0  }
0x3c: {  	[tilespmem:s23+$0xDD0] =	vst v0  }
0x3d: {  	[tilespmem:s23+$0xDE0] =	vst v0  }
0x3e: {  	[tilespmem:s23+$0xDF0] =	vst v0  }
0x3f: {  	[tilespmem:s23+$0xE00] =	vst v0  }
0x40: {  	[tilespmem:s23+$0xE10] =	vst v0  }
0x41: {  	[tilespmem:s23+$0xE20] =	vst v0  }
0x42: {  	[tilespmem:s23+$0xE30] =	vst v0  }
0x43: {  	[tilespmem:s23+$0xE40] =	vst v0  }
0x44: {  	[tilespmem:s23+$0xE50] =	vst v0  }
0x45: {  	[tilespmem:s23+$0xE60] =	vst v0  }
0x46: {  	[tilespmem:s23+$0xE70] =	vst v0  }
0x47: {  	[tilespmem:s23+$0xE80] =	vst v0  }
0x48: {  	[tilespmem:s23+$0xE90] =	vst v0  }
0x49: {  	[tilespmem:s23+$0xEA0] =	vst v0  }
0x4a: {  	[tilespmem:s23+$0xEB0] =	vst v0  }
0x4b: {  	[tilespmem:s23+$0xEC0] =	vst v0  }
0x4c: {  	[tilespmem:s23+$0xED0] =	vst v0  }
0x4d: {  	[tilespmem:s23+$0xEE0] =	vst v0  }
0x4e: {  	[tilespmem:s23+$0xEF0] =	vst v0  }
0x4f: {  	[tilespmem:s23+$0xF00] =	vst v0  }
0x50: {  	[tilespmem:s23+$0xF10] =	vst v0  }
0x51: {  	[tilespmem:s23+$0xF20] =	vst v0  }
0x52: {  	[tilespmem:s23+$0xF30] =	vst v0  }
0x53: {  	[tilespmem:s23+$0xF40] =	vst v0  }
0x54: {  	[tilespmem:s23+$0xF50] =	vst v0  }
0x55: {  	[tilespmem:s23+$0xF60] =	vst v0  }
0x56: {  	[tilespmem:s23+$0xF70] =	vst v0  }
0x57: {  	[tilespmem:s23+$0xF80] =	vst v0  }
0x58: {  	[tilespmem:s23+$0xF90] =	vst v0  }
.Ltmp0:
0x59: {  	[tilespmem:s23+$0xFA0] =	vst v0;
	(pc) =	sbr.rel @p0 .LBB2_2-.Ltmp0, $4  }
0x5a: {  	[tilespmem:s23+$0xFB0] =	vst v0  }
0x5b: {  	[tilespmem:s23+$0xFC0] =	vst v0  }
0x5c: {  	[tilespmem:s23+$0xFD0] =	vst v0  }
0x5d: {  	[tilespmem:s23+$0xFE0] =	vst v0;
	s23 =	sshra.s32 s24, $0x2;
	s24 =	sadd.s32 $0x1000, s24  }
0x5e: {  	[tilespmem:s23+$0xFF0] =	vst v0  }
0x5f: {  	[tilespmem:s23+$0xC00] =	vst v0  }
0x60: {  	[tilespmem:s23+$0xC10] =	vst v0  }
0x61: {  	[tilespmem:s23+$0xC20] =	vst v0  }
0x62: {  	[tilespmem:s23+$0xC30] =	vst v0  }
0x63: {  	[tilespmem:s23+$0xC40] =	vst v0  }
0x64: {  	[tilespmem:s23+$0xC50] =	vst v0  }
0x65: {  	[tilespmem:s23+$0xC60] =	vst v0  }
0x66: {  	[tilespmem:s23+$0xC70] =	vst v0  }
0x67: {  	[tilespmem:s23+$0xC80] =	vst v0  }
0x68: {  	[tilespmem:s23+$0xC90] =	vst v0  }
0x69: {  	[tilespmem:s23+$0xCA0] =	vst v0  }
0x6a: {  	[tilespmem:s23+$0xCB0] =	vst v0  }
0x6b: {  	[tilespmem:s23+$0xCC0] =	vst v0  }
0x6c: {  	[tilespmem:s23+$0xCD0] =	vst v0  }
0x6d: {  	[tilespmem:s23+$0xCE0] =	vst v0  }
0x6e: {  	[tilespmem:s23+$0xCF0] =	vst v0  }
0x6f: {  	[tilespmem:s23+$0xD00] =	vst v0  }
0x70: {  	[tilespmem:s23+$0xD10] =	vst v0  }
0x71: {  	[tilespmem:s23+$0xD20] =	vst v0  }
0x72: {  	[tilespmem:s23+$0xD30] =	vst v0  }
0x73: {  	[tilespmem:s23+$0xD40] =	vst v0  }
0x74: {  	[tilespmem:s23+$0xD50] =	vst v0  }
0x75: {  	[tilespmem:s23+$0xD60] =	vst v0  }
0x76: {  	[tilespmem:s23+$0xD70] =	vst v0  }
0x77: {  	[tilespmem:s23+$0xD80] =	vst v0  }
0x78: {  	[tilespmem:s23+$0xD90] =	vst v0  }
0x79: {  	[tilespmem:s23+$0xDA0] =	vst v0  }
0x7a: {  	[tilespmem:s23+$0xDB0] =	vst v0  }
0x7b: {  	[tilespmem:s23+$0xDC0] =	vst v0  }
0x7c: {  	[tilespmem:s23+$0xDD0] =	vst v0  }
0x7d: {  	[tilespmem:s23+$0xDE0] =	vst v0  }
0x7e: {  	[tilespmem:s23+$0xDF0] =	vst v0  }
0x7f: {  	[tilespmem:s23+$0xE00] =	vst v0  }
0x80: {  	[tilespmem:s23+$0xE10] =	vst v0  }
0x81: {  	[tilespmem:s23+$0xE20] =	vst v0  }
0x82: {  	[tilespmem:s23+$0xE30] =	vst v0  }
0x83: {  	[tilespmem:s23+$0xE40] =	vst v0  }
0x84: {  	[tilespmem:s23+$0xE50] =	vst v0  }
0x85: {  	[tilespmem:s23+$0xE60] =	vst v0  }
0x86: {  	[tilespmem:s23+$0xE70] =	vst v0  }
0x87: {  	[tilespmem:s23+$0xE80] =	vst v0  }
0x88: {  	[tilespmem:s23+$0xE90] =	vst v0  }
0x89: {  	[tilespmem:s23+$0xEA0] =	vst v0  }
0x8a: {  	[tilespmem:s23+$0xEB0] =	vst v0  }
0x8b: {  	[tilespmem:s23+$0xEC0] =	vst v0  }
0x8c: {  	[tilespmem:s23+$0xED0] =	vst v0  }
0x8d: {  	[tilespmem:s23+$0xEE0] =	vst v0  }
0x8e: {  	[tilespmem:s23+$0xEF0] =	vst v0  }
0x8f: {  	[tilespmem:s23+$0xF00] =	vst v0  }
0x90: {  	[tilespmem:s23+$0xF10] =	vst v0  }
0x91: {  	[tilespmem:s23+$0xF20] =	vst v0  }
0x92: {  	[tilespmem:s23+$0xF30] =	vst v0  }
0x93: {  	[tilespmem:s23+$0xF40] =	vst v0  }
0x94: {  	[tilespmem:s23+$0xF50] =	vst v0  }
0x95: {  	[tilespmem:s23+$0xF60] =	vst v0  }
0x96: {  	[tilespmem:s23+$0xF70] =	vst v0  }
0x97: {  	[tilespmem:s23+$0xF80] =	vst v0  }
0x98: {  	[tilespmem:s23+$0xF90] =	vst v0  }
0x99: {  	[tilespmem:s23+$0xFA0] =	vst v0  }
0x9a: {  	[tilespmem:s23+$0xFB0] =	vst v0  }
0x9b: {  	[tilespmem:s23+$0xFC0] =	vst v0  }
0x9c: {  	[tilespmem:s23+$0xFD0] =	vst v0  }
0x9d: {  	[tilespmem:s23+$0xFE0] =	vst v0  }
0x9e: {  	_ =	swait.ge [sflag:s18], $0x200  }
0x9f: {  	[sflag:s18] =	ssyncset.done $0x0  }
0xa0: {  	[sflag:s18] =	ssyncadd.s32 $0xFFFFFE00  }
0xa1: {  	_ =	swait.ge [sflag:s18], $0x200  }
0xa2: {  	[sflag:s18] =	ssyncset.done $0x0  }
0xa3: {  	[sflag:s18] =	ssyncadd.s32 $0xFFFFFE00  }
0xa4: {  	_ =	swait.ge [sflag:s18], $0x200  }
0xa5: {  	[sflag:s18] =	ssyncset.done $0x0  }
0xa6: {  	[sflag:s18] =	ssyncadd.s32 $0xFFFFFE00  }
0xa7: {  	_ =	swait.ge [sflag:s18], $0x200  }
0xa8: {  	[sflag:s18] =	ssyncset.done $0x0  }
0xa9: {  	[sflag:s18] =	ssyncadd.s32 $0xFFFFFE00  }
0xaa: {  	_ =	swait.ge [sflag:s18], $0x200  }
0xab: {  	[sflag:s18] =	ssyncset.done $0x0  }
0xac: {  	[sflag:s18] =	ssyncadd.s32 $0xFFFFFE00  }
0xad: {  	_ =	swait.ge [sflag:s18], $0x200  }
0xae: {  	[sflag:s18] =	ssyncset.done $0x0  }
0xaf: {  	[sflag:s18] =	ssyncadd.s32 $0xFFFFFE00  }
0xb0: {  	v2 =	vld [tilespmem:$0x0]  }
0xb1: {  	v3 =	vld [tilespmem:$0x200];
	_ =	sdelay $0x4  }
0xb2: {  	v4 =	vand.u32 $0xFFFFFF80, v2;
	v3 =	vshll.u32 v3, $0xA  }
0xb3: {  	v2 =	vand.u32 $0x7F, v2;
	v3 =	vadd.s32 v4, v3  }
0xb4: {  	v2 =	vor.u32 v2, v3;
	_ =	sdelay $0x4  }
0xb5: {  	[tilespmem:v2+s19+$0x0] =	vst.idx.add.f32.msk $0xffff, v1  }
0xb6: {  	v2 =	vld [tilespmem:$0x10]  }
0xb7: {  	v3 =	vld [tilespmem:$0x210];
	_ =	sdelay $0x4  }
0xb8: {  	v33 =	vand.u32 $0xFFFFFF80, v2;
	v3 =	vshll.u32 v3, $0xA  }
0xb9: {  	v2 =	vand.u32 $0x7F, v2;
	v3 =	vadd.s32 v33, v3  }
0xba: {  	v2 =	vor.u32 v2, v3;
	_ =	sdelay $0x4  }
0xbb: {  	[tilespmem:v2+s19+$0x0] =	vst.idx.add.f32.msk $0xffff, v1  }
0xbc: {  	v2 =	vld [tilespmem:$0x20]  }
0xbd: {  	v3 =	vld [tilespmem:$0x220];
	_ =	sdelay $0x4  }
0xbe: {  	v34 =	vand.u32 $0xFFFFFF80, v2;
	v3 =	vshll.u32 v3, $0xA  }
0xbf: {  	v2 =	vand.u32 $0x7F, v2;
	v3 =	vadd.s32 v34, v3  }
0xc0: {  	v2 =	vor.u32 v2, v3;
	_ =	sdelay $0x4  }
0xc1: {  	[tilespmem:v2+s19+$0x0] =	vst.idx.add.f32.msk $0xffff, v1  }
0xc2: {  	v2 =	vld [tilespmem:$0x30]  }
0xc3: {  	v3 =	vld [tilespmem:$0x230];
	_ =	sdelay $0x4  }
0xc4: {  	v35 =	vand.u32 $0xFFFFFF80, v2;
	v3 =	vshll.u32 v3, $0xA  }
0xc5: {  	v2 =	vand.u32 $0x7F, v2;
	v3 =	vadd.s32 v35, v3  }
0xc6: {  	v2 =	vor.u32 v2, v3;
	_ =	sdelay $0x4  }
0xc7: {  	[tilespmem:v2+s19+$0x0] =	vst.idx.add.f32.msk $0xffff, v1  }
0xc8: {  	v2 =	vld [tilespmem:$0x40]  }
0xc9: {  	v3 =	vld [tilespmem:$0x240];
	_ =	sdelay $0x4  }
0xca: {  	v36 =	vand.u32 $0xFFFFFF80, v2;
	v3 =	vshll.u32 v3, $0xA  }
0xcb: {  	v2 =	vand.u32 $0x7F, v2;
	v3 =	vadd.s32 v36, v3  }
0xcc: {  	v2 =	vor.u32 v2, v3;
	_ =	sdelay $0x4  }
0xcd: {  	[tilespmem:v2+s19+$0x0] =	vst.idx.add.f32.msk $0xffff, v1  }
0xce: {  	v2 =	vld [tilespmem:$0x50]  }
0xcf: {  	v3 =	vld [tilespmem:$0x250];
	_ =	sdelay $0x4  }
0xd0: {  	v37 =	vand.u32 $0xFFFFFF80, v2;
	v3 =	vshll.u32 v3, $0xA  }
0xd1: {  	v2 =	vand.u32 $0x7F, v2;
	v3 =	vadd.s32 v37, v3  }
0xd2: {  	v2 =	vor.u32 v2, v3;
	_ =	sdelay $0x4  }
0xd3: {  	[tilespmem:v2+s19+$0x0] =	vst.idx.add.f32.msk $0xffff, v1  }
0xd4: {  	v2 =	vld [tilespmem:$0x60]  }
0xd5: {  	v3 =	vld [tilespmem:$0x260];
	_ =	sdelay $0x4  }
0xd6: {  	v38 =	vand.u32 $0xFFFFFF80, v2;
	v3 =	vshll.u32 v3, $0xA  }
0xd7: {  	v2 =	vand.u32 $0x7F, v2;
	v3 =	vadd.s32 v38, v3  }
0xd8: {  	v2 =	vor.u32 v2, v3;
	_ =	sdelay $0x4  }
0xd9: {  	[tilespmem:v2+s19+$0x0] =	vst.idx.add.f32.msk $0xffff, v1  }
0xda: {  	v2 =	vld [tilespmem:$0x70]  }
0xdb: {  	v3 =	vld [tilespmem:$0x270];
	_ =	sdelay $0x4  }
0xdc: {  	v39 =	vand.u32 $0xFFFFFF80, v2;
	v3 =	vshll.u32 v3, $0xA  }
0xdd: {  	v2 =	vand.u32 $0x7F, v2;
	v3 =	vadd.s32 v39, v3  }
0xde: {  	v2 =	vor.u32 v2, v3;
	_ =	sdelay $0x4  }
0xdf: {  	[tilespmem:v2+s19+$0x0] =	vst.idx.add.f32.msk $0xffff, v1  }
0xe0: {  	v2 =	vld [tilespmem:$0x80]  }
0xe1: {  	v3 =	vld [tilespmem:$0x280];
	_ =	sdelay $0x4  }
0xe2: {  	v40 =	vand.u32 $0xFFFFFF80, v2;
	v3 =	vshll.u32 v3, $0xA  }
0xe3: {  	v2 =	vand.u32 $0x7F, v2;
	v3 =	vadd.s32 v40, v3  }
0xe4: {  	v2 =	vor.u32 v2, v3;
	_ =	sdelay $0x4  }
0xe5: {  	[tilespmem:v2+s19+$0x0] =	vst.idx.add.f32.msk $0xffff, v1  }
0xe6: {  	v2 =	vld [tilespmem:$0x90]  }
0xe7: {  	v3 =	vld [tilespmem:$0x290];
	_ =	sdelay $0x4  }
0xe8: {  	v41 =	vand.u32 $0xFFFFFF80, v2;
	v3 =	vshll.u32 v3, $0xA  }
0xe9: {  	v2 =	vand.u32 $0x7F, v2;
	v3 =	vadd.s32 v41, v3  }
0xea: {  	v2 =	vor.u32 v2, v3;
	_ =	sdelay $0x4  }
0xeb: {  	[tilespmem:v2+s19+$0x0] =	vst.idx.add.f32.msk $0xffff, v1  }
0xec: {  	v2 =	vld [tilespmem:$0xA0]  }
0xed: {  	v3 =	vld [tilespmem:$0x2A0];
	_ =	sdelay $0x4  }
0xee: {  	v42 =	vand.u32 $0xFFFFFF80, v2;
	v3 =	vshll.u32 v3, $0xA  }
0xef: {  	v2 =	vand.u32 $0x7F, v2;
	v3 =	vadd.s32 v42, v3  }
0xf0: {  	v2 =	vor.u32 v2, v3;
	_ =	sdelay $0x4  }
0xf1: {  	[tilespmem:v2+s19+$0x0] =	vst.idx.add.f32.msk $0xffff, v1  }
0xf2: {  	v2 =	vld [tilespmem:$0xB0]  }
0xf3: {  	v3 =	vld [tilespmem:$0x2B0];
	_ =	sdelay $0x4  }
0xf4: {  	v43 =	vand.u32 $0xFFFFFF80, v2;
	v3 =	vshll.u32 v3, $0xA  }
0xf5: {  	v2 =	vand.u32 $0x7F, v2;
	v3 =	vadd.s32 v43, v3  }
0xf6: {  	v2 =	vor.u32 v2, v3;
	_ =	sdelay $0x4  }
0xf7: {  	[tilespmem:v2+s19+$0x0] =	vst.idx.add.f32.msk $0xffff, v1  }
0xf8: {  	v2 =	vld [tilespmem:$0xC0]  }
0xf9: {  	v3 =	vld [tilespmem:$0x2C0];
	_ =	sdelay $0x4  }
0xfa: {  	v44 =	vand.u32 $0xFFFFFF80, v2;
	v3 =	vshll.u32 v3, $0xA  }
0xfb: {  	v2 =	vand.u32 $0x7F, v2;
	v3 =	vadd.s32 v44, v3  }
0xfc: {  	v2 =	vor.u32 v2, v3;
	_ =	sdelay $0x4  }
0xfd: {  	[tilespmem:v2+s19+$0x0] =	vst.idx.add.f32.msk $0xffff, v1  }
0xfe: {  	v2 =	vld [tilespmem:$0xD0]  }
0xff: {  	v3 =	vld [tilespmem:$0x2D0];
	_ =	sdelay $0x4  }
0x100: {  	v45 =	vand.u32 $0xFFFFFF80, v2;
	v3 =	vshll.u32 v3, $0xA  }
0x101: {  	v2 =	vand.u32 $0x7F, v2;
	v3 =	vadd.s32 v45, v3  }
0x102: {  	v2 =	vor.u32 v2, v3;
	_ =	sdelay $0x4  }
0x103: {  	[tilespmem:v2+s19+$0x0] =	vst.idx.add.f32.msk $0xffff, v1  }
0x104: {  	v2 =	vld [tilespmem:$0xE0]  }
0x105: {  	v3 =	vld [tilespmem:$0x2E0];
	_ =	sdelay $0x4  }
0x106: {  	v46 =	vand.u32 $0xFFFFFF80, v2;
	v3 =	vshll.u32 v3, $0xA  }
0x107: {  	v2 =	vand.u32 $0x7F, v2;
	v3 =	vadd.s32 v46, v3  }
0x108: {  	v2 =	vor.u32 v2, v3;
	_ =	sdelay $0x4  }
0x109: {  	[tilespmem:v2+s19+$0x0] =	vst.idx.add.f32.msk $0xffff, v1  }
0x10a: {  	v2 =	vld [tilespmem:$0xF0]  }
0x10b: {  	v3 =	vld [tilespmem:$0x2F0];
	_ =	sdelay $0x4  }
0x10c: {  	v47 =	vand.u32 $0xFFFFFF80, v2;
	v3 =	vshll.u32 v3, $0xA  }
0x10d: {  	v2 =	vand.u32 $0x7F, v2;
	v3 =	vadd.s32 v47, v3  }
0x10e: {  	v2 =	vor.u32 v2, v3;
	_ =	sdelay $0x4  }
0x10f: {  	[tilespmem:v2+s19+$0x0] =	vst.idx.add.f32.msk $0xffff, v1  }
0x110: {  	v2 =	vld [tilespmem:$0x100]  }
0x111: {  	v3 =	vld [tilespmem:$0x300];
	_ =	sdelay $0x4  }
0x112: {  	v48 =	vand.u32 $0xFFFFFF80, v2;
	v3 =	vshll.u32 v3, $0xA  }
0x113: {  	v2 =	vand.u32 $0x7F, v2;
	v3 =	vadd.s32 v48, v3  }
0x114: {  	v2 =	vor.u32 v2, v3;
	_ =	sdelay $0x4  }
0x115: {  	[tilespmem:v2+s19+$0x0] =	vst.idx.add.f32.msk $0xffff, v1  }
0x116: {  	v2 =	vld [tilespmem:$0x110]  }
0x117: {  	v3 =	vld [tilespmem:$0x310];
	_ =	sdelay $0x4  }
0x118: {  	v49 =	vand.u32 $0xFFFFFF80, v2;
	v3 =	vshll.u32 v3, $0xA  }
0x119: {  	v2 =	vand.u32 $0x7F, v2;
	v3 =	vadd.s32 v49, v3  }
0x11a: {  	v2 =	vor.u32 v2, v3;
	_ =	sdelay $0x4  }
0x11b: {  	[tilespmem:v2+s19+$0x0] =	vst.idx.add.f32.msk $0xffff, v1  }
0x11c: {  	v2 =	vld [tilespmem:$0x120]  }
0x11d: {  	v3 =	vld [tilespmem:$0x320];
	_ =	sdelay $0x4  }
0x11e: {  	v50 =	vand.u32 $0xFFFFFF80, v2;
	v3 =	vshll.u32 v3, $0xA  }
0x11f: {  	v2 =	vand.u32 $0x7F, v2;
	v3 =	vadd.s32 v50, v3  }
0x120: {  	v2 =	vor.u32 v2, v3;
	_ =	sdelay $0x4  }
0x121: {  	[tilespmem:v2+s19+$0x0] =	vst.idx.add.f32.msk $0xffff, v1  }
0x122: {  	v2 =	vld [tilespmem:$0x130]  }
0x123: {  	v3 =	vld [tilespmem:$0x330];
	_ =	sdelay $0x4  }
0x124: {  	v51 =	vand.u32 $0xFFFFFF80, v2;
	v3 =	vshll.u32 v3, $0xA  }
0x125: {  	v2 =	vand.u32 $0x7F, v2;
	v3 =	vadd.s32 v51, v3  }
0x126: {  	v2 =	vor.u32 v2, v3;
	_ =	sdelay $0x4  }
0x127: {  	[tilespmem:v2+s19+$0x0] =	vst.idx.add.f32.msk $0xffff, v1  }
0x128: {  	v2 =	vld [tilespmem:$0x140]  }
0x129: {  	v3 =	vld [tilespmem:$0x340];
	_ =	sdelay $0x4  }
0x12a: {  	v52 =	vand.u32 $0xFFFFFF80, v2;
	v3 =	vshll.u32 v3, $0xA  }
0x12b: {  	v2 =	vand.u32 $0x7F, v2;
	v3 =	vadd.s32 v52, v3  }
0x12c: {  	v2 =	vor.u32 v2, v3;
	_ =	sdelay $0x4  }
0x12d: {  	[tilespmem:v2+s19+$0x0] =	vst.idx.add.f32.msk $0xffff, v1  }
0x12e: {  	v2 =	vld [tilespmem:$0x150]  }
0x12f: {  	v3 =	vld [tilespmem:$0x350];
	_ =	sdelay $0x4  }
0x130: {  	v53 =	vand.u32 $0xFFFFFF80, v2;
	v3 =	vshll.u32 v3, $0xA  }
0x131: {  	v2 =	vand.u32 $0x7F, v2;
	v3 =	vadd.s32 v53, v3  }
0x132: {  	v2 =	vor.u32 v2, v3;
	_ =	sdelay $0x4  }
0x133: {  	[tilespmem:v2+s19+$0x0] =	vst.idx.add.f32.msk $0xffff, v1  }
0x134: {  	v2 =	vld [tilespmem:$0x160]  }
0x135: {  	v3 =	vld [tilespmem:$0x360];
	_ =	sdelay $0x4  }
0x136: {  	v54 =	vand.u32 $0xFFFFFF80, v2;
	v3 =	vshll.u32 v3, $0xA  }
0x137: {  	v2 =	vand.u32 $0x7F, v2;
	v3 =	vadd.s32 v54, v3  }
0x138: {  	v2 =	vor.u32 v2, v3;
	_ =	sdelay $0x4  }
0x139: {  	[tilespmem:v2+s19+$0x0] =	vst.idx.add.f32.msk $0xffff, v1  }
0x13a: {  	v2 =	vld [tilespmem:$0x170]  }
0x13b: {  	v3 =	vld [tilespmem:$0x370];
	_ =	sdelay $0x4  }
0x13c: {  	v55 =	vand.u32 $0xFFFFFF80, v2;
	v3 =	vshll.u32 v3, $0xA  }
0x13d: {  	v2 =	vand.u32 $0x7F, v2;
	v3 =	vadd.s32 v55, v3  }
0x13e: {  	v2 =	vor.u32 v2, v3;
	_ =	sdelay $0x4  }
0x13f: {  	[tilespmem:v2+s19+$0x0] =	vst.idx.add.f32.msk $0xffff, v1  }
0x140: {  	v2 =	vld [tilespmem:$0x180]  }
0x141: {  	v3 =	vld [tilespmem:$0x380];
	_ =	sdelay $0x4  }
0x142: {  	v56 =	vand.u32 $0xFFFFFF80, v2;
	v3 =	vshll.u32 v3, $0xA  }
0x143: {  	v2 =	vand.u32 $0x7F, v2;
	v3 =	vadd.s32 v56, v3  }
0x144: {  	v2 =	vor.u32 v2, v3;
	_ =	sdelay $0x4  }
0x145: {  	[tilespmem:v2+s19+$0x0] =	vst.idx.add.f32.msk $0xffff, v1  }
0x146: {  	v2 =	vld [tilespmem:$0x190]  }
0x147: {  	v3 =	vld [tilespmem:$0x390];
	_ =	sdelay $0x4  }
0x148: {  	v57 =	vand.u32 $0xFFFFFF80, v2;
	v3 =	vshll.u32 v3, $0xA  }
0x149: {  	v2 =	vand.u32 $0x7F, v2;
	v3 =	vadd.s32 v57, v3  }
0x14a: {  	v2 =	vor.u32 v2, v3;
	_ =	sdelay $0x4  }
0x14b: {  	[tilespmem:v2+s19+$0x0] =	vst.idx.add.f32.msk $0xffff, v1  }
0x14c: {  	v2 =	vld [tilespmem:$0x1A0]  }
0x14d: {  	v3 =	vld [tilespmem:$0x3A0];
	_ =	sdelay $0x4  }
0x14e: {  	v58 =	vand.u32 $0xFFFFFF80, v2;
	v3 =	vshll.u32 v3, $0xA  }
0x14f: {  	v2 =	vand.u32 $0x7F, v2;
	v3 =	vadd.s32 v58, v3  }
0x150: {  	v2 =	vor.u32 v2, v3;
	_ =	sdelay $0x4  }
0x151: {  	[tilespmem:v2+s19+$0x0] =	vst.idx.add.f32.msk $0xffff, v1  }
0x152: {  	v2 =	vld [tilespmem:$0x1B0]  }
0x153: {  	v3 =	vld [tilespmem:$0x3B0];
	_ =	sdelay $0x4  }
0x154: {  	v59 =	vand.u32 $0xFFFFFF80, v2;
	v3 =	vshll.u32 v3, $0xA  }
0x155: {  	v2 =	vand.u32 $0x7F, v2;
	v3 =	vadd.s32 v59, v3  }
0x156: {  	v2 =	vor.u32 v2, v3;
	_ =	sdelay $0x4  }
0x157: {  	[tilespmem:v2+s19+$0x0] =	vst.idx.add.f32.msk $0xffff, v1  }
0x158: {  	v2 =	vld [tilespmem:$0x1C0]  }
0x159: {  	v3 =	vld [tilespmem:$0x3C0];
	_ =	sdelay $0x4  }
0x15a: {  	v60 =	vand.u32 $0xFFFFFF80, v2;
	v3 =	vshll.u32 v3, $0xA  }
0x15b: {  	v2 =	vand.u32 $0x7F, v2;
	v3 =	vadd.s32 v60, v3  }
0x15c: {  	v2 =	vor.u32 v2, v3;
	_ =	sdelay $0x4  }
0x15d: {  	[tilespmem:v2+s19+$0x0] =	vst.idx.add.f32.msk $0xffff, v1  }
0x15e: {  	v2 =	vld [tilespmem:$0x1D0]  }
0x15f: {  	v3 =	vld [tilespmem:$0x3D0];
	_ =	sdelay $0x4  }
0x160: {  	v61 =	vand.u32 $0xFFFFFF80, v2;
	v3 =	vshll.u32 v3, $0xA  }
0x161: {  	v2 =	vand.u32 $0x7F, v2;
	v3 =	vadd.s32 v61, v3  }
0x162: {  	v2 =	vor.u32 v2, v3;
	_ =	sdelay $0x4  }
0x163: {  	[tilespmem:v2+s19+$0x0] =	vst.idx.add.f32.msk $0xffff, v1  }
0x164: {  	v2 =	vld [tilespmem:$0x1E0]  }
0x165: {  	v3 =	vld [tilespmem:$0x3E0];
	_ =	sdelay $0x4  }
0x166: {  	v62 =	vand.u32 $0xFFFFFF80, v2;
	v3 =	vshll.u32 v3, $0xA  }
0x167: {  	v2 =	vand.u32 $0x7F, v2;
	v3 =	vadd.s32 v62, v3  }
0x168: {  	v2 =	vor.u32 v2, v3;
	_ =	sdelay $0x4  }
0x169: {  	[tilespmem:v2+s19+$0x0] =	vst.idx.add.f32.msk $0xffff, v1  }
0x16a: {  	v2 =	vld [tilespmem:$0x1F0]  }
0x16b: {  	v3 =	vld [tilespmem:$0x3F0];
	_ =	sdelay $0x4  }
0x16c: {  	v63 =	vand.u32 $0xFFFFFF80, v2;
	v3 =	vshll.u32 v3, $0xA  }
0x16d: {  	v2 =	vand.u32 $0x7F, v2;
	v3 =	vadd.s32 v63, v3  }
0x16e: {  	v2 =	vor.u32 v2, v3;
	_ =	sdelay $0x4  }
0x16f: {  	[tilespmem:v2+s19+$0x0] =	vst.idx.add.f32.msk $0xffff, v1  }
0x170: {  	[hbm4b:s9+s2] =	stream.linear.scatter [tilespmem:s19], [sflag:$0x1], $0x4000, $0x38;
	[tilespmem:$0xCC00] =	vst v63  }
0x171: {  	v2 =	vld [tilespmem:$0x600]  }
0x172: {  	v3 =	vld [tilespmem:$0x400];
	_ =	sdelay $0x3  }
0x173: {  	v2 =	vshll.u32 v2, $0xA  }
0x174: {  	v2 =	vadd.s32 v2, v3  }
0x175: {  	v2 =	vadd.s32 $0x4000, v2;
	_ =	sdelay $0x4  }
0x176: {  	[tilespmem:v2+s19+$0x0] =	vst.idx.add.f32.msk $0xffff, v1  }
0x177: {  	v2 =	vld [tilespmem:$0x610]  }
0x178: {  	v3 =	vld [tilespmem:$0x410];
	_ =	sdelay $0x3  }
0x179: {  	v2 =	vshll.u32 v2, $0xA  }
0x17a: {  	v2 =	vadd.s32 v2, v3  }
0x17b: {  	v2 =	vadd.s32 $0x4000, v2;
	_ =	sdelay $0x4  }
0x17c: {  	[tilespmem:v2+s19+$0x0] =	vst.idx.add.f32.msk $0xffff, v1  }
0x17d: {  	v2 =	vld [tilespmem:$0x620]  }
0x17e: {  	v3 =	vld [tilespmem:$0x420];
	_ =	sdelay $0x3  }
0x17f: {  	v2 =	vshll.u32 v2, $0xA  }
0x180: {  	v2 =	vadd.s32 v2, v3  }
0x181: {  	v2 =	vadd.s32 $0x4000, v2;
	_ =	sdelay $0x4  }
0x182: {  	[tilespmem:v2+s19+$0x0] =	vst.idx.add.f32.msk $0xffff, v1  }
0x183: {  	v2 =	vld [tilespmem:$0x630]  }
0x184: {  	v3 =	vld [tilespmem:$0x430];
	_ =	sdelay $0x3  }
0x185: {  	v2 =	vshll.u32 v2, $0xA  }
0x186: {  	v2 =	vadd.s32 v2, v3  }
0x187: {  	v2 =	vadd.s32 $0x4000, v2;
	_ =	sdelay $0x4  }
0x188: {  	[tilespmem:v2+s19+$0x0] =	vst.idx.add.f32.msk $0xffff, v1  }
0x189: {  	v2 =	vld [tilespmem:$0x640]  }
0x18a: {  	v3 =	vld [tilespmem:$0x440];
	_ =	sdelay $0x3  }
0x18b: {  	v2 =	vshll.u32 v2, $0xA  }
0x18c: {  	v2 =	vadd.s32 v2, v3  }
0x18d: {  	v2 =	vadd.s32 $0x4000, v2;
	_ =	sdelay $0x4  }
0x18e: {  	[tilespmem:v2+s19+$0x0] =	vst.idx.add.f32.msk $0xffff, v1  }
0x18f: {  	v2 =	vld [tilespmem:$0x650]  }
0x190: {  	v3 =	vld [tilespmem:$0x450];
	_ =	sdelay $0x3  }
0x191: {  	v2 =	vshll.u32 v2, $0xA  }
0x192: {  	v2 =	vadd.s32 v2, v3  }
0x193: {  	v2 =	vadd.s32 $0x4000, v2;
	_ =	sdelay $0x4  }
0x194: {  	[tilespmem:v2+s19+$0x0] =	vst.idx.add.f32.msk $0xffff, v1  }
0x195: {  	v2 =	vld [tilespmem:$0x660]  }
0x196: {  	v3 =	vld [tilespmem:$0x460];
	_ =	sdelay $0x3  }
0x197: {  	v2 =	vshll.u32 v2, $0xA  }
0x198: {  	v2 =	vadd.s32 v2, v3  }
0x199: {  	v2 =	vadd.s32 $0x4000, v2;
	_ =	sdelay $0x4  }
0x19a: {  	[tilespmem:v2+s19+$0x0] =	vst.idx.add.f32.msk $0xffff, v1  }
0x19b: {  	v2 =	vld [tilespmem:$0x670]  }
0x19c: {  	v3 =	vld [tilespmem:$0x470];
	_ =	sdelay $0x3  }
0x19d: {  	v2 =	vshll.u32 v2, $0xA  }
0x19e: {  	v2 =	vadd.s32 v2, v3  }
0x19f: {  	v2 =	vadd.s32 $0x4000, v2;
	_ =	sdelay $0x4  }
0x1a0: {  	[tilespmem:v2+s19+$0x0] =	vst.idx.add.f32.msk $0xffff, v1  }
0x1a1: {  	v2 =	vld [tilespmem:$0x680]  }
0x1a2: {  	v3 =	vld [tilespmem:$0x480];
	_ =	sdelay $0x3  }
0x1a3: {  	v2 =	vshll.u32 v2, $0xA  }
0x1a4: {  	v2 =	vadd.s32 v2, v3  }
0x1a5: {  	v2 =	vadd.s32 $0x4000, v2;
	_ =	sdelay $0x4  }
0x1a6: {  	[tilespmem:v2+s19+$0x0] =	vst.idx.add.f32.msk $0xffff, v1  }
0x1a7: {  	v2 =	vld [tilespmem:$0x690]  }
0x1a8: {  	v3 =	vld [tilespmem:$0x490];
	_ =	sdelay $0x3  }
0x1a9: {  	v2 =	vshll.u32 v2, $0xA  }
0x1aa: {  	v2 =	vadd.s32 v2, v3  }
0x1ab: {  	v2 =	vadd.s32 $0x4000, v2;
	_ =	sdelay $0x4  }
0x1ac: {  	[tilespmem:v2+s19+$0x0] =	vst.idx.add.f32.msk $0xffff, v1  }
0x1ad: {  	v2 =	vld [tilespmem:$0x6A0]  }
0x1ae: {  	v3 =	vld [tilespmem:$0x4A0];
	_ =	sdelay $0x3  }
0x1af: {  	v2 =	vshll.u32 v2, $0xA  }
0x1b0: {  	v2 =	vadd.s32 v2, v3  }
0x1b1: {  	v2 =	vadd.s32 $0x4000, v2;
	_ =	sdelay $0x4  }
0x1b2: {  	[tilespmem:v2+s19+$0x0] =	vst.idx.add.f32.msk $0xffff, v1  }
0x1b3: {  	v2 =	vld [tilespmem:$0x6B0]  }
0x1b4: {  	v3 =	vld [tilespmem:$0x4B0];
	_ =	sdelay $0x3  }
0x1b5: {  	v2 =	vshll.u32 v2, $0xA  }
0x1b6: {  	v2 =	vadd.s32 v2, v3  }
0x1b7: {  	v2 =	vadd.s32 $0x4000, v2;
	_ =	sdelay $0x4  }
0x1b8: {  	[tilespmem:v2+s19+$0x0] =	vst.idx.add.f32.msk $0xffff, v1  }
0x1b9: {  	v2 =	vld [tilespmem:$0x6C0]  }
0x1ba: {  	v3 =	vld [tilespmem:$0x4C0];
	_ =	sdelay $0x3  }
0x1bb: {  	v2 =	vshll.u32 v2, $0xA  }
0x1bc: {  	v2 =	vadd.s32 v2, v3  }
0x1bd: {  	v2 =	vadd.s32 $0x4000, v2;
	_ =	sdelay $0x4  }
0x1be: {  	[tilespmem:v2+s19+$0x0] =	vst.idx.add.f32.msk $0xffff, v1  }
0x1bf: {  	v2 =	vld [tilespmem:$0x6D0]  }
0x1c0: {  	v3 =	vld [tilespmem:$0x4D0];
	_ =	sdelay $0x3  }
0x1c1: {  	v2 =	vshll.u32 v2, $0xA  }
0x1c2: {  	v2 =	vadd.s32 v2, v3  }
0x1c3: {  	v2 =	vadd.s32 $0x4000, v2;
	_ =	sdelay $0x4  }
0x1c4: {  	[tilespmem:v2+s19+$0x0] =	vst.idx.add.f32.msk $0xffff, v1  }
0x1c5: {  	v2 =	vld [tilespmem:$0x6E0]  }
0x1c6: {  	v3 =	vld [tilespmem:$0x4E0];
	_ =	sdelay $0x3  }
0x1c7: {  	v2 =	vshll.u32 v2, $0xA  }
0x1c8: {  	v2 =	vadd.s32 v2, v3  }
0x1c9: {  	v2 =	vadd.s32 $0x4000, v2;
	_ =	sdelay $0x4  }
0x1ca: {  	[tilespmem:v2+s19+$0x0] =	vst.idx.add.f32.msk $0xffff, v1  }
0x1cb: {  	v2 =	vld [tilespmem:$0x6F0]  }
0x1cc: {  	v3 =	vld [tilespmem:$0x4F0];
	_ =	sdelay $0x3  }
0x1cd: {  	v2 =	vshll.u32 v2, $0xA  }
0x1ce: {  	v2 =	vadd.s32 v2, v3  }
0x1cf: {  	v2 =	vadd.s32 $0x4000, v2;
	_ =	sdelay $0x4  }
0x1d0: {  	[tilespmem:v2+s19+$0x0] =	vst.idx.add.f32.msk $0xffff, v1  }
0x1d1: {  	v2 =	vld [tilespmem:$0x700]  }
0x1d2: {  	v3 =	vld [tilespmem:$0x500];
	_ =	sdelay $0x3  }
0x1d3: {  	v2 =	vshll.u32 v2, $0xA  }
0x1d4: {  	v2 =	vadd.s32 v2, v3  }
0x1d5: {  	v2 =	vadd.s32 $0x4000, v2;
	_ =	sdelay $0x4  }
0x1d6: {  	[tilespmem:v2+s19+$0x0] =	vst.idx.add.f32.msk $0xffff, v1  }
0x1d7: {  	v2 =	vld [tilespmem:$0x710]  }
0x1d8: {  	v3 =	vld [tilespmem:$0x510];
	_ =	sdelay $0x3  }
0x1d9: {  	v2 =	vshll.u32 v2, $0xA  }
0x1da: {  	v2 =	vadd.s32 v2, v3  }
0x1db: {  	v2 =	vadd.s32 $0x4000, v2;
	_ =	sdelay $0x4  }
0x1dc: {  	[tilespmem:v2+s19+$0x0] =	vst.idx.add.f32.msk $0xffff, v1  }
0x1dd: {  	v2 =	vld [tilespmem:$0x720]  }
0x1de: {  	v3 =	vld [tilespmem:$0x520];
	_ =	sdelay $0x3  }
0x1df: {  	v2 =	vshll.u32 v2, $0xA  }
0x1e0: {  	v2 =	vadd.s32 v2, v3  }
0x1e1: {  	v2 =	vadd.s32 $0x4000, v2;
	_ =	sdelay $0x4  }
0x1e2: {  	[tilespmem:v2+s19+$0x0] =	vst.idx.add.f32.msk $0xffff, v1  }
0x1e3: {  	v2 =	vld [tilespmem:$0x730]  }
0x1e4: {  	v3 =	vld [tilespmem:$0x530];
	_ =	sdelay $0x3  }
0x1e5: {  	v2 =	vshll.u32 v2, $0xA  }
0x1e6: {  	v2 =	vadd.s32 v2, v3  }
0x1e7: {  	v2 =	vadd.s32 $0x4000, v2;
	_ =	sdelay $0x4  }
0x1e8: {  	[tilespmem:v2+s19+$0x0] =	vst.idx.add.f32.msk $0xffff, v1  }
0x1e9: {  	v2 =	vld [tilespmem:$0x740]  }
0x1ea: {  	v3 =	vld [tilespmem:$0x540];
	_ =	sdelay $0x3  }
0x1eb: {  	v2 =	vshll.u32 v2, $0xA  }
0x1ec: {  	v2 =	vadd.s32 v2, v3  }
0x1ed: {  	v2 =	vadd.s32 $0x4000, v2;
	_ =	sdelay $0x4  }
0x1ee: {  	[tilespmem:v2+s19+$0x0] =	vst.idx.add.f32.msk $0xffff, v1  }
0x1ef: {  	v2 =	vld [tilespmem:$0x750]  }
0x1f0: {  	v3 =	vld [tilespmem:$0x550];
	_ =	sdelay $0x3  }
0x1f1: {  	v2 =	vshll.u32 v2, $0xA  }
0x1f2: {  	v2 =	vadd.s32 v2, v3  }
0x1f3: {  	v2 =	vadd.s32 $0x4000, v2;
	_ =	sdelay $0x4  }
0x1f4: {  	[tilespmem:v2+s19+$0x0] =	vst.idx.add.f32.msk $0xffff, v1  }
0x1f5: {  	v2 =	vld [tilespmem:$0x760]  }
0x1f6: {  	v3 =	vld [tilespmem:$0x560];
	_ =	sdelay $0x3  }
0x1f7: {  	v2 =	vshll.u32 v2, $0xA  }
0x1f8: {  	v2 =	vadd.s32 v2, v3  }
0x1f9: {  	v2 =	vadd.s32 $0x4000, v2;
	_ =	sdelay $0x4  }
0x1fa: {  	[tilespmem:v2+s19+$0x0] =	vst.idx.add.f32.msk $0xffff, v1  }
0x1fb: {  	v2 =	vld [tilespmem:$0x770]  }
0x1fc: {  	v3 =	vld [tilespmem:$0x570];
	_ =	sdelay $0x3  }
0x1fd: {  	v2 =	vshll.u32 v2, $0xA  }
0x1fe: {  	v2 =	vadd.s32 v2, v3  }
0x1ff: {  	v2 =	vadd.s32 $0x4000, v2;
	_ =	sdelay $0x4  }
0x200: {  	[tilespmem:v2+s19+$0x0] =	vst.idx.add.f32.msk $0xffff, v1  }
0x201: {  	v2 =	vld [tilespmem:$0x780]  }
0x202: {  	v3 =	vld [tilespmem:$0x580];
	_ =	sdelay $0x3  }
0x203: {  	v2 =	vshll.u32 v2, $0xA  }
0x204: {  	v2 =	vadd.s32 v2, v3  }
0x205: {  	v2 =	vadd.s32 $0x4000, v2;
	_ =	sdelay $0x4  }
0x206: {  	[tilespmem:v2+s19+$0x0] =	vst.idx.add.f32.msk $0xffff, v1  }
0x207: {  	v2 =	vld [tilespmem:$0x790]  }
0x208: {  	v3 =	vld [tilespmem:$0x590];
	_ =	sdelay $0x3  }
0x209: {  	v2 =	vshll.u32 v2, $0xA  }
0x20a: {  	v2 =	vadd.s32 v2, v3  }
0x20b: {  	v2 =	vadd.s32 $0x4000, v2;
	_ =	sdelay $0x4  }
0x20c: {  	[tilespmem:v2+s19+$0x0] =	vst.idx.add.f32.msk $0xffff, v1  }
0x20d: {  	v2 =	vld [tilespmem:$0x7A0]  }
0x20e: {  	v3 =	vld [tilespmem:$0x5A0];
	_ =	sdelay $0x3  }
0x20f: {  	v2 =	vshll.u32 v2, $0xA  }
0x210: {  	v2 =	vadd.s32 v2, v3  }
0x211: {  	v2 =	vadd.s32 $0x4000, v2;
	_ =	sdelay $0x4  }
0x212: {  	[tilespmem:v2+s19+$0x0] =	vst.idx.add.f32.msk $0xffff, v1  }
0x213: {  	v2 =	vld [tilespmem:$0x7B0]  }
0x214: {  	v3 =	vld [tilespmem:$0x5B0];
	_ =	sdelay $0x3  }
0x215: {  	v2 =	vshll.u32 v2, $0xA  }
0x216: {  	v2 =	vadd.s32 v2, v3  }
0x217: {  	v2 =	vadd.s32 $0x4000, v2;
	_ =	sdelay $0x4  }
0x218: {  	[tilespmem:v2+s19+$0x0] =	vst.idx.add.f32.msk $0xffff, v1  }
0x219: {  	v2 =	vld [tilespmem:$0x7C0]  }
0x21a: {  	v3 =	vld [tilespmem:$0x5C0];
	_ =	sdelay $0x3  }
0x21b: {  	v2 =	vshll.u32 v2, $0xA  }
0x21c: {  	v2 =	vadd.s32 v2, v3  }
0x21d: {  	v2 =	vadd.s32 $0x4000, v2;
	_ =	sdelay $0x4  }
0x21e: {  	[tilespmem:v2+s19+$0x0] =	vst.idx.add.f32.msk $0xffff, v1  }
0x21f: {  	v2 =	vld [tilespmem:$0x7D0]  }
0x220: {  	v3 =	vld [tilespmem:$0x5D0];
	_ =	sdelay $0x3  }
0x221: {  	v2 =	vshll.u32 v2, $0xA  }
0x222: {  	v2 =	vadd.s32 v2, v3  }
0x223: {  	v2 =	vadd.s32 $0x4000, v2;
	_ =	sdelay $0x4  }
0x224: {  	[tilespmem:v2+s19+$0x0] =	vst.idx.add.f32.msk $0xffff, v1  }
0x225: {  	v2 =	vld [tilespmem:$0x7E0]  }
0x226: {  	v3 =	vld [tilespmem:$0x5E0];
	_ =	sdelay $0x3  }
0x227: {  	v2 =	vshll.u32 v2, $0xA  }
0x228: {  	v2 =	vadd.s32 v2, v3  }
0x229: {  	v2 =	vadd.s32 $0x4000, v2;
	_ =	sdelay $0x4  }
0x22a: {  	[tilespmem:v2+s19+$0x0] =	vst.idx.add.f32.msk $0xffff, v1  }
0x22b: {  	v2 =	vld [tilespmem:$0x7F0]  }
0x22c: {  	v3 =	vld [tilespmem:$0x5F0];
	_ =	sdelay $0x3  }
0x22d: {  	v2 =	vshll.u32 v2, $0xA  }
0x22e: {  	v2 =	vadd.s32 v2, v3  }
0x22f: {  	v2 =	vadd.s32 $0x4000, v2;
	_ =	sdelay $0x4  }
0x230: {  	[tilespmem:v2+s19+$0x0] =	vst.idx.add.f32.msk $0xffff, v1  }
0x231: {  	[hbm4b:s10+s2] =	stream.linear.scatter [tilespmem:s20], [sflag:$0x1], $0x4000, $0x38;
	[tilespmem:$0xCC00] =	vst v63  }
0x232: {  	v2 =	vld [tilespmem:$0xA00]  }
0x233: {  	v3 =	vld [tilespmem:$0x800];
	_ =	sdelay $0x3  }
0x234: {  	v2 =	vshll.u32 v2, $0xA  }
0x235: {  	v2 =	vadd.s32 v2, v3  }
0x236: {  	v2 =	vadd.s32 $0x8000, v2;
	_ =	sdelay $0x4  }
0x237: {  	[tilespmem:v2+s19+$0x0] =	vst.idx.add.f32.msk $0xffff, v1  }
0x238: {  	v2 =	vld [tilespmem:$0xA10]  }
0x239: {  	v3 =	vld [tilespmem:$0x810];
	_ =	sdelay $0x3  }
0x23a: {  	v2 =	vshll.u32 v2, $0xA  }
0x23b: {  	v2 =	vadd.s32 v2, v3  }
0x23c: {  	v2 =	vadd.s32 $0x8000, v2;
	_ =	sdelay $0x4  }
0x23d: {  	[tilespmem:v2+s19+$0x0] =	vst.idx.add.f32.msk $0xffff, v1  }
0x23e: {  	v2 =	vld [tilespmem:$0xA20]  }
0x23f: {  	v3 =	vld [tilespmem:$0x820];
	_ =	sdelay $0x3  }
0x240: {  	v2 =	vshll.u32 v2, $0xA  }
0x241: {  	v2 =	vadd.s32 v2, v3  }
0x242: {  	v2 =	vadd.s32 $0x8000, v2;
	_ =	sdelay $0x4  }
0x243: {  	[tilespmem:v2+s19+$0x0] =	vst.idx.add.f32.msk $0xffff, v1  }
0x244: {  	v2 =	vld [tilespmem:$0xA30]  }
0x245: {  	v3 =	vld [tilespmem:$0x830];
	_ =	sdelay $0x3  }
0x246: {  	v2 =	vshll.u32 v2, $0xA  }
0x247: {  	v2 =	vadd.s32 v2, v3  }
0x248: {  	v2 =	vadd.s32 $0x8000, v2;
	_ =	sdelay $0x4  }
0x249: {  	[tilespmem:v2+s19+$0x0] =	vst.idx.add.f32.msk $0xffff, v1  }
0x24a: {  	v2 =	vld [tilespmem:$0xA40]  }
0x24b: {  	v3 =	vld [tilespmem:$0x840];
	_ =	sdelay $0x3  }
0x24c: {  	v2 =	vshll.u32 v2, $0xA  }
0x24d: {  	v2 =	vadd.s32 v2, v3  }
0x24e: {  	v2 =	vadd.s32 $0x8000, v2;
	_ =	sdelay $0x4  }
0x24f: {  	[tilespmem:v2+s19+$0x0] =	vst.idx.add.f32.msk $0xffff, v1  }
0x250: {  	v2 =	vld [tilespmem:$0xA50]  }
0x251: {  	v3 =	vld [tilespmem:$0x850];
	_ =	sdelay $0x3  }
0x252: {  	v2 =	vshll.u32 v2, $0xA  }
0x253: {  	v2 =	vadd.s32 v2, v3  }
0x254: {  	v2 =	vadd.s32 $0x8000, v2;
	_ =	sdelay $0x4  }
0x255: {  	[tilespmem:v2+s19+$0x0] =	vst.idx.add.f32.msk $0xffff, v1  }
0x256: {  	v2 =	vld [tilespmem:$0xA60]  }
0x257: {  	v3 =	vld [tilespmem:$0x860];
	_ =	sdelay $0x3  }
0x258: {  	v2 =	vshll.u32 v2, $0xA  }
0x259: {  	v2 =	vadd.s32 v2, v3  }
0x25a: {  	v2 =	vadd.s32 $0x8000, v2;
	_ =	sdelay $0x4  }
0x25b: {  	[tilespmem:v2+s19+$0x0] =	vst.idx.add.f32.msk $0xffff, v1  }
0x25c: {  	v2 =	vld [tilespmem:$0xA70]  }
0x25d: {  	v3 =	vld [tilespmem:$0x870];
	_ =	sdelay $0x3  }
0x25e: {  	v2 =	vshll.u32 v2, $0xA  }
0x25f: {  	v2 =	vadd.s32 v2, v3  }
0x260: {  	v2 =	vadd.s32 $0x8000, v2;
	_ =	sdelay $0x4  }
0x261: {  	[tilespmem:v2+s19+$0x0] =	vst.idx.add.f32.msk $0xffff, v1  }
0x262: {  	v2 =	vld [tilespmem:$0xA80]  }
0x263: {  	v3 =	vld [tilespmem:$0x880];
	_ =	sdelay $0x3  }
0x264: {  	v2 =	vshll.u32 v2, $0xA  }
0x265: {  	v2 =	vadd.s32 v2, v3  }
0x266: {  	v2 =	vadd.s32 $0x8000, v2;
	_ =	sdelay $0x4  }
0x267: {  	[tilespmem:v2+s19+$0x0] =	vst.idx.add.f32.msk $0xffff, v1  }
0x268: {  	v2 =	vld [tilespmem:$0xA90]  }
0x269: {  	v3 =	vld [tilespmem:$0x890];
	_ =	sdelay $0x3  }
0x26a: {  	v2 =	vshll.u32 v2, $0xA  }
0x26b: {  	v2 =	vadd.s32 v2, v3  }
0x26c: {  	v2 =	vadd.s32 $0x8000, v2;
	_ =	sdelay $0x4  }
0x26d: {  	[tilespmem:v2+s19+$0x0] =	vst.idx.add.f32.msk $0xffff, v1  }
0x26e: {  	v2 =	vld [tilespmem:$0xAA0]  }
0x26f: {  	v3 =	vld [tilespmem:$0x8A0];
	_ =	sdelay $0x3  }
0x270: {  	v2 =	vshll.u32 v2, $0xA  }
0x271: {  	v2 =	vadd.s32 v2, v3  }
0x272: {  	v2 =	vadd.s32 $0x8000, v2;
	_ =	sdelay $0x4  }
0x273: {  	[tilespmem:v2+s19+$0x0] =	vst.idx.add.f32.msk $0xffff, v1  }
0x274: {  	v2 =	vld [tilespmem:$0xAB0]  }
0x275: {  	v3 =	vld [tilespmem:$0x8B0];
	_ =	sdelay $0x3  }
0x276: {  	v2 =	vshll.u32 v2, $0xA  }
0x277: {  	v2 =	vadd.s32 v2, v3  }
0x278: {  	v2 =	vadd.s32 $0x8000, v2;
	_ =	sdelay $0x4  }
0x279: {  	[tilespmem:v2+s19+$0x0] =	vst.idx.add.f32.msk $0xffff, v1  }
0x27a: {  	v2 =	vld [tilespmem:$0xAC0]  }
0x27b: {  	v3 =	vld [tilespmem:$0x8C0];
	_ =	sdelay $0x3  }
0x27c: {  	v2 =	vshll.u32 v2, $0xA  }
0x27d: {  	v2 =	vadd.s32 v2, v3  }
0x27e: {  	v2 =	vadd.s32 $0x8000, v2;
	_ =	sdelay $0x4  }
0x27f: {  	[tilespmem:v2+s19+$0x0] =	vst.idx.add.f32.msk $0xffff, v1  }
0x280: {  	v2 =	vld [tilespmem:$0xAD0]  }
0x281: {  	v3 =	vld [tilespmem:$0x8D0];
	_ =	sdelay $0x3  }
0x282: {  	v2 =	vshll.u32 v2, $0xA  }
0x283: {  	v2 =	vadd.s32 v2, v3  }
0x284: {  	v2 =	vadd.s32 $0x8000, v2;
	_ =	sdelay $0x4  }
0x285: {  	[tilespmem:v2+s19+$0x0] =	vst.idx.add.f32.msk $0xffff, v1  }
0x286: {  	v2 =	vld [tilespmem:$0xAE0]  }
0x287: {  	v3 =	vld [tilespmem:$0x8E0];
	_ =	sdelay $0x3  }
0x288: {  	v2 =	vshll.u32 v2, $0xA  }
0x289: {  	v2 =	vadd.s32 v2, v3  }
0x28a: {  	v2 =	vadd.s32 $0x8000, v2;
	_ =	sdelay $0x4  }
0x28b: {  	[tilespmem:v2+s19+$0x0] =	vst.idx.add.f32.msk $0xffff, v1  }
0x28c: {  	v2 =	vld [tilespmem:$0xAF0]  }
0x28d: {  	v3 =	vld [tilespmem:$0x8F0];
	_ =	sdelay $0x3  }
0x28e: {  	v2 =	vshll.u32 v2, $0xA  }
0x28f: {  	v2 =	vadd.s32 v2, v3  }
0x290: {  	v2 =	vadd.s32 $0x8000, v2;
	_ =	sdelay $0x4  }
0x291: {  	[tilespmem:v2+s19+$0x0] =	vst.idx.add.f32.msk $0xffff, v1  }
0x292: {  	v2 =	vld [tilespmem:$0xB00]  }
0x293: {  	v3 =	vld [tilespmem:$0x900];
	_ =	sdelay $0x3  }
0x294: {  	v2 =	vshll.u32 v2, $0xA  }
0x295: {  	v2 =	vadd.s32 v2, v3  }
0x296: {  	v2 =	vadd.s32 $0x8000, v2;
	_ =	sdelay $0x4  }
0x297: {  	[tilespmem:v2+s19+$0x0] =	vst.idx.add.f32.msk $0xffff, v1  }
0x298: {  	v2 =	vld [tilespmem:$0xB10]  }
0x299: {  	v3 =	vld [tilespmem:$0x910];
	_ =	sdelay $0x3  }
0x29a: {  	v2 =	vshll.u32 v2, $0xA  }
0x29b: {  	v2 =	vadd.s32 v2, v3  }
0x29c: {  	v2 =	vadd.s32 $0x8000, v2;
	_ =	sdelay $0x4  }
0x29d: {  	[tilespmem:v2+s19+$0x0] =	vst.idx.add.f32.msk $0xffff, v1  }
0x29e: {  	v2 =	vld [tilespmem:$0xB20]  }
0x29f: {  	v3 =	vld [tilespmem:$0x920];
	_ =	sdelay $0x3  }
0x2a0: {  	v2 =	vshll.u32 v2, $0xA  }
0x2a1: {  	v2 =	vadd.s32 v2, v3  }
0x2a2: {  	v2 =	vadd.s32 $0x8000, v2;
	_ =	sdelay $0x4  }
0x2a3: {  	[tilespmem:v2+s19+$0x0] =	vst.idx.add.f32.msk $0xffff, v1  }
0x2a4: {  	v2 =	vld [tilespmem:$0xB30]  }
0x2a5: {  	v3 =	vld [tilespmem:$0x930];
	_ =	sdelay $0x3  }
0x2a6: {  	v2 =	vshll.u32 v2, $0xA  }
0x2a7: {  	v2 =	vadd.s32 v2, v3  }
0x2a8: {  	v2 =	vadd.s32 $0x8000, v2;
	_ =	sdelay $0x4  }
0x2a9: {  	[tilespmem:v2+s19+$0x0] =	vst.idx.add.f32.msk $0xffff, v1  }
0x2aa: {  	v2 =	vld [tilespmem:$0xB40]  }
0x2ab: {  	v3 =	vld [tilespmem:$0x940];
	_ =	sdelay $0x3  }
0x2ac: {  	v2 =	vshll.u32 v2, $0xA  }
0x2ad: {  	v2 =	vadd.s32 v2, v3  }
0x2ae: {  	v2 =	vadd.s32 $0x8000, v2;
	_ =	sdelay $0x4  }
0x2af: {  	[tilespmem:v2+s19+$0x0] =	vst.idx.add.f32.msk $0xffff, v1  }
0x2b0: {  	v2 =	vld [tilespmem:$0xB50]  }
0x2b1: {  	v3 =	vld [tilespmem:$0x950];
	_ =	sdelay $0x3  }
0x2b2: {  	v2 =	vshll.u32 v2, $0xA  }
0x2b3: {  	v2 =	vadd.s32 v2, v3  }
0x2b4: {  	v2 =	vadd.s32 $0x8000, v2;
	_ =	sdelay $0x4  }
0x2b5: {  	[tilespmem:v2+s19+$0x0] =	vst.idx.add.f32.msk $0xffff, v1  }
0x2b6: {  	v2 =	vld [tilespmem:$0xB60]  }
0x2b7: {  	v3 =	vld [tilespmem:$0x960];
	_ =	sdelay $0x3  }
0x2b8: {  	v2 =	vshll.u32 v2, $0xA  }
0x2b9: {  	v2 =	vadd.s32 v2, v3  }
0x2ba: {  	v2 =	vadd.s32 $0x8000, v2;
	_ =	sdelay $0x4  }
0x2bb: {  	[tilespmem:v2+s19+$0x0] =	vst.idx.add.f32.msk $0xffff, v1  }
0x2bc: {  	v2 =	vld [tilespmem:$0xB70]  }
0x2bd: {  	v3 =	vld [tilespmem:$0x970];
	_ =	sdelay $0x3  }
0x2be: {  	v2 =	vshll.u32 v2, $0xA  }
0x2bf: {  	v2 =	vadd.s32 v2, v3  }
0x2c0: {  	v2 =	vadd.s32 $0x8000, v2;
	_ =	sdelay $0x4  }
0x2c1: {  	[tilespmem:v2+s19+$0x0] =	vst.idx.add.f32.msk $0xffff, v1  }
0x2c2: {  	v2 =	vld [tilespmem:$0xB80]  }
0x2c3: {  	v3 =	vld [tilespmem:$0x980];
	_ =	sdelay $0x3  }
0x2c4: {  	v2 =	vshll.u32 v2, $0xA  }
0x2c5: {  	v2 =	vadd.s32 v2, v3  }
0x2c6: {  	v2 =	vadd.s32 $0x8000, v2;
	_ =	sdelay $0x4  }
0x2c7: {  	[tilespmem:v2+s19+$0x0] =	vst.idx.add.f32.msk $0xffff, v1  }
0x2c8: {  	v2 =	vld [tilespmem:$0xB90]  }
0x2c9: {  	v3 =	vld [tilespmem:$0x990];
	_ =	sdelay $0x3  }
0x2ca: {  	v2 =	vshll.u32 v2, $0xA  }
0x2cb: {  	v2 =	vadd.s32 v2, v3  }
0x2cc: {  	v2 =	vadd.s32 $0x8000, v2;
	_ =	sdelay $0x4  }
0x2cd: {  	[tilespmem:v2+s19+$0x0] =	vst.idx.add.f32.msk $0xffff, v1  }
0x2ce: {  	v2 =	vld [tilespmem:$0xBA0]  }
0x2cf: {  	v3 =	vld [tilespmem:$0x9A0];
	_ =	sdelay $0x3  }
0x2d0: {  	v2 =	vshll.u32 v2, $0xA  }
0x2d1: {  	v2 =	vadd.s32 v2, v3  }
0x2d2: {  	v2 =	vadd.s32 $0x8000, v2;
	_ =	sdelay $0x4  }
0x2d3: {  	[tilespmem:v2+s19+$0x0] =	vst.idx.add.f32.msk $0xffff, v1  }
0x2d4: {  	v2 =	vld [tilespmem:$0xBB0]  }
0x2d5: {  	v3 =	vld [tilespmem:$0x9B0];
	_ =	sdelay $0x3  }
0x2d6: {  	v2 =	vshll.u32 v2, $0xA  }
0x2d7: {  	v2 =	vadd.s32 v2, v3  }
0x2d8: {  	v2 =	vadd.s32 $0x8000, v2;
	_ =	sdelay $0x4  }
0x2d9: {  	[tilespmem:v2+s19+$0x0] =	vst.idx.add.f32.msk $0xffff, v1  }
0x2da: {  	v2 =	vld [tilespmem:$0xBC0]  }
0x2db: {  	v3 =	vld [tilespmem:$0x9C0];
	_ =	sdelay $0x3  }
0x2dc: {  	v2 =	vshll.u32 v2, $0xA  }
0x2dd: {  	v2 =	vadd.s32 v2, v3  }
0x2de: {  	v2 =	vadd.s32 $0x8000, v2;
	_ =	sdelay $0x4  }
0x2df: {  	[tilespmem:v2+s19+$0x0] =	vst.idx.add.f32.msk $0xffff, v1  }
0x2e0: {  	v2 =	vld [tilespmem:$0xBD0]  }
0x2e1: {  	v3 =	vld [tilespmem:$0x9D0];
	_ =	sdelay $0x3  }
0x2e2: {  	v2 =	vshll.u32 v2, $0xA  }
0x2e3: {  	v2 =	vadd.s32 v2, v3  }
0x2e4: {  	v2 =	vadd.s32 $0x8000, v2;
	_ =	sdelay $0x4  }
0x2e5: {  	[tilespmem:v2+s19+$0x0] =	vst.idx.add.f32.msk $0xffff, v1  }
0x2e6: {  	v2 =	vld [tilespmem:$0xBE0]  }
0x2e7: {  	v3 =	vld [tilespmem:$0x9E0];
	_ =	sdelay $0x3  }
0x2e8: {  	v2 =	vshll.u32 v2, $0xA  }
0x2e9: {  	v2 =	vadd.s32 v2, v3  }
0x2ea: {  	v2 =	vadd.s32 $0x8000, v2;
	_ =	sdelay $0x4  }
0x2eb: {  	[tilespmem:v2+s19+$0x0] =	vst.idx.add.f32.msk $0xffff, v1  }
0x2ec: {  	v2 =	vld [tilespmem:$0xBF0]  }
0x2ed: {  	v3 =	vld [tilespmem:$0x9F0];
	_ =	sdelay $0x3  }
0x2ee: {  	v2 =	vshll.u32 v2, $0xA  }
0x2ef: {  	v2 =	vadd.s32 v2, v3  }
0x2f0: {  	v2 =	vadd.s32 $0x8000, v2;
	_ =	sdelay $0x4  }
0x2f1: {  	[tilespmem:v2+s19+$0x0] =	vst.idx.add.f32.msk $0xffff, v1  }
0x2f2: {  	[hbm4b:s11+s2] =	stream.linear.scatter [tilespmem:s21], [sflag:$0x1], $0x4000, $0x38;
	[tilespmem:$0xCC00] =	vst v63  }
0x2f3: {  	_ =	swait.ge [sflag:s18], $0x4000  }
0x2f4: {  	[sflag:s18] =	ssyncset.done $0x0  }
0x2f5: {  	s22 =	sadd.s32 $0x1, s22;
	[sflag:s18] =	ssyncadd.s32 $0xFFFFC000  }
0x2f6: {  	p0 =	sne.s32 s22, s12;
	_ =	swait.ge [sflag:s18], $0x4000  }
.Ltmp1:
0x2f7: {  	[sflag:s18] =	ssyncset.done $0x0;
	(pc) =	sbr.rel @p0 .LBB2_1-.Ltmp1, $4  }
0x2f8: {  	[sflag:s18] =	ssyncadd.s32 $0xFFFFC000  }
0x2f9: {  	_ =	swait.ge [sflag:s18], $0x4000  }
0x2fa: {  	[sflag:s18] =	ssyncset.done $0x0  }
0x2fb: {  	[sflag:s18] =	ssyncadd.s32 $0xFFFFC000  }
0x2fc: {  	_ =	sfence.sel $0x180000  }
0x2fd: {  	[bflag:$0x0] =	sbarrier.arrive $0xFFFF  }
0x2fe: {  	p0 =	sne.s32 s0, $0x0;
	_ =	strace $0x90000047  }
0x2ff: {  	s0 =	sadd.s32 @!p0 $0x100000, s1;
	[bflag:$0x2] =	sbarrier.arrive $0xFFFF  }
0x300: {  	[sflag:s0] =	ssyncadd.tile.s32 @!p0 $0x1;
	_ =	shalt  }
.Lfunc_end2:
_tile_overlayer_lowered:
.L_overlay_start_2:
0x301: {  	(tag) =	ssettag $0x2  }
0x302: {  	s0 =	rddreg [dreg:$0x0];
	s2 =	stileid.u32  }
0x303: {  	s1 =	rddreg [dreg:$0x1];
	p0 =	sne.s32 s2, $0x0  }
0x304: {  	s3 =	rddreg [dreg:$0x2];
	[bflag:$0x3] =	sbarrier.arrive $0xFFFF;
	s2 =	simm.s32 @!p0 $0x1C02  }
0x305: {  	[timem:s3], [sflag:s2] =	dma.local @!p0 [hbm:s0], s1  }
0x306: {  	s0 =	simm.s32 @!p0 $0x2  }
0x307: {  	_ =	swait.ge @!p0 [sflag:s0], s1  }
0x308: {  	s1 =	ssub.s32 @!p0 $0x0, s1;
	[sflag:s0] =	ssyncset.done @!p0 $0x0  }
0x309: {  	[sflag:s0] =	ssyncadd.s32 @!p0 s1  }
0x30a: {  	[bflag:$0x3] =	sbarrier.arrive $0xFFFF  }
0x30b: {  	_ =	shalt  }

</sc_bundles>
